<compile_context>
chip_gen: v7x
topology: tpu7x:2x2x1
jax: 0.10.2.dev20260603
libtpu: 0.0.44.dev20260713+nightly
codegen_flags: <defaults>
</compile_context>

<pallas_src>
import functools

import jax
import jax.numpy as jnp
from jax import lax
from jax.experimental import pallas as pl
from jax.experimental.pallas import tpu as pltpu
from jax.experimental.pallas import tpu_sc as plsc

_B, _P, _O = 16, 16384, 8
_R, _C = 128, 128
_THRESHOLD = 0.35
_NEG_POS = 7
_VAR0, _VAR1 = 0.1, 0.2
_LANES = 16
_CHUNKS = _P // _LANES


def _smooth_l1(x, y):
    d = jnp.abs(x - y)
    return jnp.where(d < 1.0, 0.5 * d * d, d - 0.5)


def _match_kernel(conf_ref, priors_ref, tgt_ref,
                  hnm_out, k_out, bsel_out, part_out, acc):
    b = pl.program_id(0)

    @pl.when(b == 0)
    def _init():
        acc[0] = 0.0
        acc[1] = 0.0

    pcx = priors_ref[0]
    pcy = priors_ref[1]
    pw = priors_ref[2]
    ph = priors_ref[3]
    px1 = pcx - pw * 0.5
    py1 = pcy - ph * 0.5
    px2 = pcx + pw * 0.5
    py2 = pcy + ph * 0.5
    area_p = pw * ph
    pidx = (lax.broadcasted_iota(jnp.int32, (_R, _C), 0) * _C
            + lax.broadcasted_iota(jnp.int32, (_R, _C), 1))

    bto = jnp.full((_R, _C), -1.0, jnp.float32)
    bti = jnp.zeros((_R, _C), jnp.int32)
    best_prior = []
    for o in range(_O):
        tx1 = tgt_ref[0, o, 0]
        ty1 = tgt_ref[0, o, 1]
        tx2 = tgt_ref[0, o, 2]
        ty2 = tgt_ref[0, o, 3]
        iw = jnp.maximum(jnp.minimum(px2, tx2) - jnp.maximum(px1, tx1), 0.0)
        ih = jnp.maximum(jnp.minimum(py2, ty2) - jnp.maximum(py1, ty1), 0.0)
        inter = iw * ih
        area_t = (tx2 - tx1) * (ty2 - ty1)
        iou = inter / (area_t + area_p - inter + 1e-12)
        m = jnp.max(iou)
        best_prior.append(jnp.min(jnp.where(iou == m, pidx, _P)))
        upd = iou > bto
        bto = jnp.where(upd, iou, bto)
        bti = jnp.where(upd, o, bti)

    for o in range(_O):
        forced = pidx == best_prior[o]
        bto = jnp.where(forced, 2.0, bto)
        bti = jnp.where(forced, o, bti)

    pos = bto >= _THRESHOLD
    posf = pos.astype(jnp.float32)
    npos_row = jnp.sum(posf)
    bsel_out[0] = bti + jnp.where(pos, _O, 0)

    c0 = conf_ref[0, 0]
    c1 = conf_ref[0, 1]
    mx = jnp.maximum(c0, c1)
    lse = mx + jnp.log(jnp.exp(c0 - mx) + jnp.exp(c1 - mx))
    ce = lse - jnp.where(pos, c1, c0)
    pos_ce_row = jnp.sum(ce * posf)
    hnm_out[0] = jnp.where(pos, 0.0, ce)
    kval = jnp.minimum(_NEG_POS * npos_row, float(_P - 1))
    k_out[0, 0, :] = jnp.full((_LANES,), kval, jnp.float32)

    acc[0] = acc[0] + pos_ce_row
    acc[1] = acc[1] + npos_row

    @pl.when(b == _B - 1)
    def _fin():
        part_out[0, 0] = acc[0]
        part_out[0, 1] = acc[1]


def _loc_landm_kernel(loc_ref, landm_ref, priors_ref, tgt_ref, bsel_ref,
                      part_out, acc):
    b = pl.program_id(0)

    @pl.when(b == 0)
    def _init():
        acc[0] = 0.0
        acc[1] = 0.0

    pcx = priors_ref[0]
    pcy = priors_ref[1]
    pw = priors_ref[2]
    ph = priors_ref[3]
    px1 = pcx - pw * 0.5
    py1 = pcy - ph * 0.5
    px2 = pcx + pw * 0.5
    py2 = pcy + ph * 0.5

    bsel = bsel_ref[0]
    pos = bsel >= _O
    posf = pos.astype(jnp.float32)
    bti = bsel - jnp.where(pos, _O, 0)

    zero = jnp.zeros((_R, _C), jnp.float32)
    mt = [zero] * 4
    ml = [zero] * 8
    for o in range(_O):
        sel = bti == o
        for k in range(4):
            mt[k] = jnp.where(sel, tgt_ref[0, o, k], mt[k])
        for k in range(8):
            ml[k] = jnp.where(sel, tgt_ref[0, o, 4 + k], ml[k])

    g0 = ((mt[0] + mt[2]) * 0.5 - pcx) / (_VAR0 * pw)
    g1 = ((mt[1] + mt[3]) * 0.5 - pcy) / (_VAR0 * ph)
    g2 = jnp.log(jnp.maximum((mt[2] - mt[0]) / pw, 1e-8)) / _VAR1
    g3 = jnp.log(jnp.maximum((mt[3] - mt[1]) / ph, 1e-8)) / _VAR1
    loss_l_row = (jnp.sum(_smooth_l1(loc_ref[0, 0], g0) * posf)
                  + jnp.sum(_smooth_l1(loc_ref[0, 1], g1) * posf)
                  + jnp.sum(_smooth_l1(loc_ref[0, 2], g2) * posf)
                  + jnp.sum(_smooth_l1(loc_ref[0, 3], g3) * posf))

    ax0 = jnp.maximum(landm_ref[0, 0], 0.0)
    ax1 = landm_ref[0, 1]
    ax2 = landm_ref[0, 2]
    ay0 = landm_ref[0, 3]
    ay1 = jnp.maximum(landm_ref[0, 4], 0.0)
    ay2 = landm_ref[0, 5]
    loss_m_row = 0.0
    corners = ((px1, py1), (px2, py1), (px1, py2), (px2, py2))
    for k, (cx, cy) in enumerate(corners):
        u = cx * 2.0 - 1.0
        v = cy * 2.0 - 1.0
        outx = (ax0 * u + ax1 * v + ax2 + 1.0) * 0.5
        outy = (ay0 * u + ay1 * v + ay2 + 1.0) * 0.5
        loss_m_row += jnp.sum(_smooth_l1(outx, ml[2 * k]) * posf)
        loss_m_row += jnp.sum(_smooth_l1(outy, ml[2 * k + 1]) * posf)

    acc[0] = acc[0] + loss_l_row
    acc[1] = acc[1] + loss_m_row

    @pl.when(b == _B - 1)
    def _fin():
        part_out[0, 0] = acc[0]
        part_out[0, 1] = acc[1]


def _lane_red(v, op):
    idx = lax.iota(jnp.int32, _LANES)
    for s in (1, 2, 4, 8):
        v = op(v, v[jnp.bitwise_xor(idx, s)])
    return v


def _sc_topk_kernel(hnmf_hbm, hnmi_hbm, k_hbm, out_hbm,
                    rowf_v, rowi_v, kv_v, out_v):
    cid = lax.axis_index("c")
    sid = lax.axis_index("s")
    wid = sid * 2 + cid
    row = lax.rem(wid, _B)

    pltpu.sync_copy(hnmf_hbm.at[row], rowf_v)
    pltpu.sync_copy(hnmi_hbm.at[row], rowi_v)
    pltpu.sync_copy(k_hbm.at[row, 0], kv_v)
    kfv = kv_v[...]
    kiv = kfv.astype(jnp.int32)

    def bit_step(i, tv):
        shiftv = jnp.full((_LANES,), 30 - i, jnp.int32)
        candv = tv + lax.shift_left(jnp.full((_LANES,), 1, jnp.int32),
                                    shiftv)

        def cnt_step(j, a):
            bits = rowi_v[pl.ds(j * _LANES, _LANES)]
            return a + jnp.where(bits >= candv, 1, 0)

        a = lax.fori_loop(0, _CHUNKS, cnt_step,
                          jnp.zeros((_LANES,), jnp.int32), unroll=8)
        cntv = _lane_red(a, jnp.add)
        return jnp.where(cntv >= kiv, candv, tv)

    tv = lax.fori_loop(0, 31, bit_step, jnp.zeros((_LANES,), jnp.int32))

    def fin_step(j, carry):
        sgt, cgt, eqm = carry
        v = rowf_v[pl.ds(j * _LANES, _LANES)]
        bits = rowi_v[pl.ds(j * _LANES, _LANES)]
        gt = bits > tv
        sgt = sgt + jnp.where(gt, v, 0.0)
        cgt = cgt + jnp.where(gt, 1, 0)
        eqm = jnp.maximum(eqm, jnp.where(bits == tv, v, -1.0))
        return sgt, cgt, eqm

    sgt, cgt, eqm = lax.fori_loop(
        0, _CHUNKS, fin_step,
        (jnp.zeros((_LANES,), jnp.float32),
         jnp.zeros((_LANES,), jnp.int32),
         jnp.full((_LANES,), -1.0, jnp.float32)), unroll=8)
    tfv = _lane_red(eqm, jnp.maximum)
    topkv = (_lane_red(sgt, jnp.add)
             + (kfv - _lane_red(cgt, jnp.add).astype(jnp.float32)) * tfv)
    out_v[...] = topkv
    pltpu.sync_copy(out_v, out_hbm.at[wid])


def _combine_kernel(part1_ref, part2_ref, topk_ref, out_l, out_c, out_m):
    topk_total = jnp.sum(topk_ref[:, 0])
    n = jnp.maximum(part1_ref[0, 1], 1.0)
    out_l[0, 0] = part2_ref[0, 0] / n
    out_c[0, 0] = (part1_ref[0, 0] + topk_total) / n
    out_m[0, 0] = part2_ref[0, 1] / n


def kernel(loc_data, conf_data, landm_data, priors, targets, epoch, images):
    del epoch, images
    locT = loc_data.transpose(0, 2, 1).reshape(_B, 4, _R, _C)
    confT = conf_data.transpose(0, 2, 1).reshape(_B, 2, _R, _C)
    landmT = landm_data.transpose(0, 2, 1).reshape(_B, 6, _R, _C)
    priorsT = priors.T.reshape(4, _R, _C)

    hnm, kplane, bsel, part1 = pl.pallas_call(
        _match_kernel,
        grid=(_B,),
        in_specs=[
            pl.BlockSpec((1, 2, _R, _C), lambda b: (b, 0, 0, 0)),
            pl.BlockSpec((4, _R, _C), lambda b: (0, 0, 0)),
            pl.BlockSpec((1, _O, 21), lambda b: (b, 0, 0),
                         memory_space=pltpu.SMEM),
        ],
        out_specs=[
            pl.BlockSpec((1, _R, _C), lambda b: (b, 0, 0)),
            pl.BlockSpec((1, 1, _LANES), lambda b: (b, 0, 0)),
            pl.BlockSpec((1, _R, _C), lambda b: (b, 0, 0)),
            pl.BlockSpec((1, 8), lambda b: (0, 0),
                         memory_space=pltpu.SMEM),
        ],
        out_shape=[
            jax.ShapeDtypeStruct((_B, _R, _C), jnp.float32),
            jax.ShapeDtypeStruct((_B, 1, _LANES), jnp.float32),
            jax.ShapeDtypeStruct((_B, _R, _C), jnp.int32),
            jax.ShapeDtypeStruct((1, 8), jnp.float32),
        ],
        scratch_shapes=[pltpu.SMEM((8,), jnp.float32)],
    )(confT, priorsT, targets)

    hnm2 = hnm.reshape(_B, _P)
    hnm2_i = lax.bitcast_convert_type(hnm2, jnp.int32)
    mesh = plsc.VectorSubcoreMesh(core_axis_name="c", subcore_axis_name="s")
    topk = functools.partial(
        pl.kernel,
        mesh=mesh,
        out_type=jax.ShapeDtypeStruct((2 * _B, _LANES), jnp.float32),
        scratch_types=[
            pltpu.VMEM((_P,), jnp.float32),
            pltpu.VMEM((_P,), jnp.int32),
            pltpu.VMEM((_LANES,), jnp.float32),
            pltpu.VMEM((_LANES,), jnp.float32),
        ],
    )(_sc_topk_kernel)(hnm2, hnm2_i, kplane)[:_B]

    part2 = pl.pallas_call(
        _loc_landm_kernel,
        grid=(_B,),
        in_specs=[
            pl.BlockSpec((1, 4, _R, _C), lambda b: (b, 0, 0, 0)),
            pl.BlockSpec((1, 6, _R, _C), lambda b: (b, 0, 0, 0)),
            pl.BlockSpec((4, _R, _C), lambda b: (0, 0, 0)),
            pl.BlockSpec((1, _O, 21), lambda b: (b, 0, 0),
                         memory_space=pltpu.SMEM),
            pl.BlockSpec((1, _R, _C), lambda b: (b, 0, 0)),
        ],
        out_specs=[pl.BlockSpec((1, 8), lambda b: (0, 0),
                                memory_space=pltpu.SMEM)],
        out_shape=[jax.ShapeDtypeStruct((1, 8), jnp.float32)],
        scratch_shapes=[pltpu.SMEM((8,), jnp.float32)],
    )(locT, landmT, priorsT, targets, bsel)[0]

    smem_out = pl.BlockSpec(memory_space=pltpu.SMEM)
    out_l, out_c, out_m = pl.pallas_call(
        _combine_kernel,
        in_specs=[
            pl.BlockSpec(memory_space=pltpu.SMEM),
            pl.BlockSpec(memory_space=pltpu.SMEM),
            pl.BlockSpec((_B, _LANES), lambda: (0, 0)),
        ],
        out_specs=[smem_out, smem_out, smem_out],
        out_shape=[jax.ShapeDtypeStruct((1, 1), jnp.float32)] * 3,
    )(part1, part2, topk)
    return (out_l.reshape(()), out_c.reshape(()), out_m.reshape(()))

# --- scband reference (transcript-rebuilt; emitter-appended) ---
"""Pipeline reference for scband-multi-box-loss-39496519254458 (READ-ONLY COPY).

The authoritative reference and input builder live on the scoring server;
editing this copy changes nothing except your own understanding.
"""

import jax, jax.numpy as jnp
import numpy as np

NUM_CLASSES = 2
THRESHOLD = 0.35
NEG_POS = 7
VAR0, VAR1 = 0.1, 0.2
B, P, O = 16, 16384, 8


def point_form(boxes):
    return jnp.concatenate([boxes[:, :2] - boxes[:, 2:] / 2,
                            boxes[:, :2] + boxes[:, 2:] / 2], axis=1)


def intersect(a, b):
    max_xy = jnp.minimum(a[:, None, 2:], b[None, :, 2:])
    min_xy = jnp.maximum(a[:, None, :2], b[None, :, :2])
    inter = jnp.clip(max_xy - min_xy, 0.0, None)
    return inter[..., 0] * inter[..., 1]


def jaccard(a, b):
    inter = intersect(a, b)
    area_a = ((a[:, 2] - a[:, 0]) * (a[:, 3] - a[:, 1]))[:, None]
    area_b = ((b[:, 2] - b[:, 0]) * (b[:, 3] - b[:, 1]))[None, :]
    return inter / (area_a + area_b - inter + 1e-12)


def encode(matched, priors):
    g_cxcy = (matched[:, :2] + matched[:, 2:]) / 2 - priors[:, :2]
    g_cxcy = g_cxcy / (VAR0 * priors[:, 2:])
    g_wh = (matched[:, 2:] - matched[:, :2]) / priors[:, 2:]
    g_wh = jnp.log(jnp.maximum(g_wh, 1e-8)) / VAR1
    return jnp.concatenate([g_cxcy, g_wh], axis=1)


def match_one(truths, labels, landms, pmat, priors):
    overlaps = jaccard(truths, point_form(priors))
    best_prior_idx = jnp.argmax(overlaps, axis=1)
    best_truth_overlap = jnp.max(overlaps, axis=0)
    best_truth_idx = jnp.argmax(overlaps, axis=0)
    best_truth_overlap = best_truth_overlap.at[best_prior_idx].set(2.0)
    best_truth_idx = best_truth_idx.at[best_prior_idx].set(jnp.arange(truths.shape[0]))
    matches = truths[best_truth_idx]
    conf = labels[best_truth_idx].astype(jnp.int32)
    conf = jnp.where(best_truth_overlap < THRESHOLD, 0, conf)
    loc = encode(matches, priors)
    return loc, conf, landms[best_truth_idx], pmat[best_truth_idx]


def corners_from_affine(boxes, lp):
    x, y, w, h = boxes[..., 0], boxes[..., 1], boxes[..., 2], boxes[..., 3]
    x1, y1 = x - w / 2, y - h / 2
    x2, y2 = x + w / 2, y - h / 2
    x3, y3 = x - w / 2, y + h / 2
    x4, y4 = x + w / 2, y + h / 2
    ones = jnp.ones_like(x)
    tl = jnp.stack([x1 * 2 - 1, y1 * 2 - 1, ones], -1)
    tr = jnp.stack([x2 * 2 - 1, y2 * 2 - 1, ones], -1)
    bl = jnp.stack([x3 * 2 - 1, y3 * 2 - 1, ones], -1)
    br = jnp.stack([x4 * 2 - 1, y4 * 2 - 1, ones], -1)
    ax = jnp.stack([jnp.clip(lp[..., 0], 0.0, None), lp[..., 1], lp[..., 2]], -1)
    ay = jnp.stack([lp[..., 3], jnp.clip(lp[..., 4], 0.0, None), lp[..., 5]], -1)
    def tx(c):
        return jnp.stack([(ax * c).sum(-1), (ay * c).sum(-1)], -1)
    out = jnp.concatenate([tx(tl), tx(tr), tx(bl), tx(br)], -1)
    return (out + 1.0) / 2.0


def smooth_l1(x, y):
    d = jnp.abs(x - y)
    return jnp.where(d < 1.0, 0.5 * d * d, d - 0.5)


def setup_inputs(seed: int = 0) -> dict:
    key = jax.random.key(seed)
    ks = jax.random.split(key, 12)
    loc_data = jax.random.normal(ks[0], (B, P, 4), dtype=jnp.float32) * 0.5
    conf_data = jax.random.normal(ks[1], (B, P, NUM_CLASSES), dtype=jnp.float32)
    landm_data = jax.random.normal(ks[2], (B, P, 6), dtype=jnp.float32) * 0.3
    pcx = jax.random.uniform(ks[3], (P,), minval=0.0, maxval=1.0)
    pcy = jax.random.uniform(ks[4], (P,), minval=0.0, maxval=1.0)
    pw = jax.random.uniform(ks[5], (P,), minval=0.03, maxval=0.25)
    ph = jax.random.uniform(ks[6], (P,), minval=0.03, maxval=0.25)
    priors = jnp.stack([pcx, pcy, pw, ph], axis=1).astype(jnp.float32)
    cx = jax.random.uniform(ks[7], (B, O), minval=0.15, maxval=0.85)
    cy = jax.random.uniform(ks[8], (B, O), minval=0.15, maxval=0.85)
    w = jax.random.uniform(ks[9], (B, O), minval=0.05, maxval=0.3)
    h = jax.random.uniform(ks[10], (B, O), minval=0.05, maxval=0.3)
    x1 = jnp.clip(cx - w / 2, 0.0, 1.0)
    y1 = jnp.clip(cy - h / 2, 0.0, 1.0)
    x2 = jnp.clip(cx + w / 2, 0.0, 1.0)
    y2 = jnp.clip(cy + h / 2, 0.0, 1.0)
    boxes = jnp.stack([x1, y1, x2, y2], axis=-1)
    landms = jnp.stack([x1, y1, x2, y1, x1, y2, x2, y2], axis=-1)
    labels = jnp.ones((B, O, 1), dtype=jnp.float32)
    pmat = jax.random.normal(ks[11], (B, O, 8), dtype=jnp.float32) * 0.1
    targets = jnp.concatenate([boxes, landms, labels, pmat], axis=-1).astype(jnp.float32)
    images = jax.random.normal(jax.random.fold_in(key, 99), (B, 3, 640, 640), dtype=jnp.float32)
    return {"loc_data": loc_data, "conf_data": conf_data, "landm_data": landm_data,
            "priors": priors, "targets": targets, "epoch": 100, "images": images}


def reference(loc_data, conf_data, landm_data, priors, targets, epoch, images):
    truths = targets[..., :4]
    landms = targets[..., 4:12]
    labels = targets[..., 12]
    pmat = targets[..., 13:]
    loc_t, conf_t, landm_t, pm_t = jax.vmap(
        lambda t, l, lm, pm: match_one(t, l, lm, pm, priors))(truths, labels, landms, pmat)
    pos1 = conf_t > 0
    N1 = jnp.maximum(pos1.sum().astype(jnp.float32), 1.0)
    bp = jnp.broadcast_to(priors[None], (B, P, 4))
    corners = corners_from_affine(bp, landm_data)
    loss_landm = jnp.sum(smooth_l1(corners, landm_t) * pos1[..., None].astype(jnp.float32))
    pos = conf_t != 0
    num_pos = pos.sum(axis=1, keepdims=True)
    conf_t_mod = jnp.where(pos, 1, conf_t)
    loss_l = jnp.sum(smooth_l1(loc_data, loc_t) * pos[..., None].astype(jnp.float32))
    batch_conf = conf_data.reshape(-1, NUM_CLASSES)
    lse = jax.nn.logsumexp(batch_conf, axis=1)
    gath = jnp.take_along_axis(batch_conf, conf_t_mod.reshape(-1, 1), axis=1)[:, 0]
    loss_c_hnm = lse - gath
    loss_c_hnm = jnp.where(pos.reshape(-1), 0.0, loss_c_hnm).reshape(B, P)
    loss_idx = jnp.argsort(-loss_c_hnm, axis=1)
    idx_rank = jnp.argsort(loss_idx, axis=1)
    num_neg = jnp.minimum(NEG_POS * num_pos, P - 1)
    neg = idx_rank < num_neg
    mask = (pos | neg).astype(jnp.float32)
    ce = jax.nn.logsumexp(conf_data, axis=-1) - jnp.take_along_axis(
        conf_data, conf_t_mod[..., None], axis=-1)[..., 0]
    loss_c = jnp.sum(ce * mask)
    N = jnp.maximum(num_pos.sum().astype(jnp.float32), 1.0)
    return (loss_l / N, loss_c / N, loss_landm / N1)

if __name__ == "__main__":
    import jax
    _d = setup_inputs()
    print(jax.jit(kernel)(*tuple(_d.values())))

</pallas_src>

<mosaic_0001>
#map = affine_map<(d0, d1) -> (0, 0)>
#map1 = affine_map<(d0, d1) -> (0, 0, 0)>
module attributes {stable_mosaic.version = 14 : i64} {
  func.func @_sc_topk_kernel(%arg0: i32, %arg1: i32, %arg2: memref<16x16384xf32, #tpu.memory_space<hbm>>, %arg3: memref<16x16384xi32, #tpu.memory_space<hbm>>, %arg4: memref<16x1x16xf32, #tpu.memory_space<hbm>>, %arg5: memref<32x16xf32, #tpu.memory_space<hbm>>, %arg6: memref<16384xf32, #tpu.memory_space<vmem>>, %arg7: memref<16384xi32, #tpu.memory_space<vmem>>, %arg8: memref<16xf32, #tpu.memory_space<vmem>>, %arg9: memref<16xf32, #tpu.memory_space<vmem>>) attributes {dimension_semantics = [#tpu.dimension_semantics<core_parallel>, #tpu.dimension_semantics<subcore_parallel>], iteration_bounds = array<i64: 2, 16>, scalar_prefetch = 0 : i64, scratch_operands = 4 : i64, tpu.core_type = #tpu.core_type<sc_vector_subcore>, window_params = [{transform_indices = #map}, {transform_indices = #map}, {transform_indices = #map1}, {transform_indices = #map}]} {
    %mul3A = arith.constant 2 : i32
    %mul3A_0 = arith.muli %arg1, %mul3A : i32
    %add3A = arith.addi %mul3A_0, %arg0 : i32
    %rem3A = arith.constant 16 : i32
    %rem3A_1 = arith.remsi %add3A, %rem3A : i32
    "tpu.region"() ({
      %run_scoped3A_193 = tpu.sem_alloc : memref<!tpu.dma_semaphore, #tpu.memory_space<semaphore_mem>>
      %dma_start3A = arith.constant 0 : i32
      %dma_start3A_194 = tpu.memref_slice %arg2[%rem3A_1, %dma_start3A] : memref<16x16384xf32, #tpu.memory_space<hbm>> -> memref<1x16384xf32, #tpu.memory_space<hbm>>
      %dma_start3A_195 = tpu.memref_squeeze %dma_start3A_194 : memref<1x16384xf32, #tpu.memory_space<hbm>> -> memref<16384xf32, #tpu.memory_space<hbm>>
      %dma_start3A_196 = arith.constant 0 : i32
      %dma_start3A_197 = tpu.memref_slice %arg2[%rem3A_1, %dma_start3A_196] : memref<16x16384xf32, #tpu.memory_space<hbm>> -> memref<1x16384xf32, #tpu.memory_space<hbm>>
      %dma_start3A_198 = tpu.memref_squeeze %dma_start3A_197 : memref<1x16384xf32, #tpu.memory_space<hbm>> -> memref<16384xf32, #tpu.memory_space<hbm>>
      tpu.enqueue_dma source(%dma_start3A_198 : memref<16384xf32, #tpu.memory_space<hbm>>) target(%arg6 : memref<16384xf32, #tpu.memory_space<vmem>>) target_semaphore(%run_scoped3A_193 : memref<!tpu.dma_semaphore, #tpu.memory_space<semaphore_mem>>)
      %dma_wait3A = arith.constant 0 : i32
      %dma_wait3A_199 = tpu.memref_slice %arg2[%rem3A_1, %dma_wait3A] : memref<16x16384xf32, #tpu.memory_space<hbm>> -> memref<1x16384xf32, #tpu.memory_space<hbm>>
      %dma_wait3A_200 = tpu.memref_squeeze %dma_wait3A_199 : memref<1x16384xf32, #tpu.memory_space<hbm>> -> memref<16384xf32, #tpu.memory_space<hbm>>
      %dma_wait3A_201 = arith.constant 0 : i32
      %dma_wait3A_202 = tpu.memref_slice %arg2[%rem3A_1, %dma_wait3A_201] : memref<16x16384xf32, #tpu.memory_space<hbm>> -> memref<1x16384xf32, #tpu.memory_space<hbm>>
      %dma_wait3A_203 = tpu.memref_squeeze %dma_wait3A_202 : memref<1x16384xf32, #tpu.memory_space<hbm>> -> memref<16384xf32, #tpu.memory_space<hbm>>
      tpu.wait_dma2 semaphore(%run_scoped3A_193 : memref<!tpu.dma_semaphore, #tpu.memory_space<semaphore_mem>>) src(%dma_wait3A_203 : memref<16384xf32, #tpu.memory_space<hbm>>) dst(%arg6 : memref<16384xf32, #tpu.memory_space<vmem>>)
      tpu.yield
    }) : () -> ()
    "tpu.region"() ({
      %run_scoped3A_193 = tpu.sem_alloc : memref<!tpu.dma_semaphore, #tpu.memory_space<semaphore_mem>>
      %dma_start3A = arith.constant 0 : i32
      %dma_start3A_194 = tpu.memref_slice %arg3[%rem3A_1, %dma_start3A] : memref<16x16384xi32, #tpu.memory_space<hbm>> -> memref<1x16384xi32, #tpu.memory_space<hbm>>
      %dma_start3A_195 = tpu.memref_squeeze %dma_start3A_194 : memref<1x16384xi32, #tpu.memory_space<hbm>> -> memref<16384xi32, #tpu.memory_space<hbm>>
      %dma_start3A_196 = arith.constant 0 : i32
      %dma_start3A_197 = tpu.memref_slice %arg3[%rem3A_1, %dma_start3A_196] : memref<16x16384xi32, #tpu.memory_space<hbm>> -> memref<1x16384xi32, #tpu.memory_space<hbm>>
      %dma_start3A_198 = tpu.memref_squeeze %dma_start3A_197 : memref<1x16384xi32, #tpu.memory_space<hbm>> -> memref<16384xi32, #tpu.memory_space<hbm>>
      tpu.enqueue_dma source(%dma_start3A_198 : memref<16384xi32, #tpu.memory_space<hbm>>) target(%arg7 : memref<16384xi32, #tpu.memory_space<vmem>>) target_semaphore(%run_scoped3A_193 : memref<!tpu.dma_semaphore, #tpu.memory_space<semaphore_mem>>)
      %dma_wait3A = arith.constant 0 : i32
      %dma_wait3A_199 = tpu.memref_slice %arg3[%rem3A_1, %dma_wait3A] : memref<16x16384xi32, #tpu.memory_space<hbm>> -> memref<1x16384xi32, #tpu.memory_space<hbm>>
      %dma_wait3A_200 = tpu.memref_squeeze %dma_wait3A_199 : memref<1x16384xi32, #tpu.memory_space<hbm>> -> memref<16384xi32, #tpu.memory_space<hbm>>
      %dma_wait3A_201 = arith.constant 0 : i32
      %dma_wait3A_202 = tpu.memref_slice %arg3[%rem3A_1, %dma_wait3A_201] : memref<16x16384xi32, #tpu.memory_space<hbm>> -> memref<1x16384xi32, #tpu.memory_space<hbm>>
      %dma_wait3A_203 = tpu.memref_squeeze %dma_wait3A_202 : memref<1x16384xi32, #tpu.memory_space<hbm>> -> memref<16384xi32, #tpu.memory_space<hbm>>
      tpu.wait_dma2 semaphore(%run_scoped3A_193 : memref<!tpu.dma_semaphore, #tpu.memory_space<semaphore_mem>>) src(%dma_wait3A_203 : memref<16384xi32, #tpu.memory_space<hbm>>) dst(%arg7 : memref<16384xi32, #tpu.memory_space<vmem>>)
      tpu.yield
    }) : () -> ()
    %run_scoped3A = arith.constant 0 : i32
    "tpu.region"() ({
      %run_scoped3A_193 = tpu.sem_alloc : memref<!tpu.dma_semaphore, #tpu.memory_space<semaphore_mem>>
      %dma_start3A = arith.constant 0 : i32
      %dma_start3A_194 = tpu.memref_slice %arg4[%rem3A_1, %run_scoped3A, %dma_start3A] : memref<16x1x16xf32, #tpu.memory_space<hbm>> -> memref<1x1x16xf32, #tpu.memory_space<hbm>>
      %dma_start3A_195 = tpu.memref_squeeze %dma_start3A_194 : memref<1x1x16xf32, #tpu.memory_space<hbm>> -> memref<16xf32, #tpu.memory_space<hbm>>
      %dma_start3A_196 = arith.constant 0 : i32
      %dma_start3A_197 = tpu.memref_slice %arg4[%rem3A_1, %run_scoped3A, %dma_start3A_196] : memref<16x1x16xf32, #tpu.memory_space<hbm>> -> memref<1x1x16xf32, #tpu.memory_space<hbm>>
      %dma_start3A_198 = tpu.memref_squeeze %dma_start3A_197 : memref<1x1x16xf32, #tpu.memory_space<hbm>> -> memref<16xf32, #tpu.memory_space<hbm>>
      tpu.enqueue_dma source(%dma_start3A_198 : memref<16xf32, #tpu.memory_space<hbm>>) target(%arg8 : memref<16xf32, #tpu.memory_space<vmem>>) target_semaphore(%run_scoped3A_193 : memref<!tpu.dma_semaphore, #tpu.memory_space<semaphore_mem>>)
      %dma_wait3A = arith.constant 0 : i32
      %dma_wait3A_199 = tpu.memref_slice %arg4[%rem3A_1, %run_scoped3A, %dma_wait3A] : memref<16x1x16xf32, #tpu.memory_space<hbm>> -> memref<1x1x16xf32, #tpu.memory_space<hbm>>
      %dma_wait3A_200 = tpu.memref_squeeze %dma_wait3A_199 : memref<1x1x16xf32, #tpu.memory_space<hbm>> -> memref<16xf32, #tpu.memory_space<hbm>>
      %dma_wait3A_201 = arith.constant 0 : i32
      %dma_wait3A_202 = tpu.memref_slice %arg4[%rem3A_1, %run_scoped3A, %dma_wait3A_201] : memref<16x1x16xf32, #tpu.memory_space<hbm>> -> memref<1x1x16xf32, #tpu.memory_space<hbm>>
      %dma_wait3A_203 = tpu.memref_squeeze %dma_wait3A_202 : memref<1x1x16xf32, #tpu.memory_space<hbm>> -> memref<16xf32, #tpu.memory_space<hbm>>
      tpu.wait_dma2 semaphore(%run_scoped3A_193 : memref<!tpu.dma_semaphore, #tpu.memory_space<semaphore_mem>>) src(%dma_wait3A_203 : memref<16xf32, #tpu.memory_space<hbm>>) dst(%arg8 : memref<16xf32, #tpu.memory_space<vmem>>)
      tpu.yield
    }) : () -> ()
    %get3A = arith.constant 0 : index
    %get3A_2 = tpu.vector_load %arg8[%get3A] {strides = array<i32>} : memref<16xf32, #tpu.memory_space<vmem>>, vector<16xf32>,
    %get3A_3 = vector.shape_cast %get3A_2 : vector<16xf32> to vector<16xf32>
    %convert_element_type3A = arith.fptosi %get3A_3 : vector<16xf32> to vector<16xi32>
    %broadcast_in_dim3A = arith.constant 0 : i32
    %broadcast_in_dim3A_4 = vector.broadcast %broadcast_in_dim3A : i32 to vector<16xi32>
    %scan3A = arith.constant 0 : i32
    %scan3A_5 = arith.constant 31 : i32
    %scan3A_6 = arith.addi %scan3A, %scan3A_5 : i32
    %scan3A_7 = arith.constant 1 : i32
    %scan3A_8 = scf.for %scan3A_193 = %scan3A to %scan3A_6 step %scan3A_7 iter_args(%scan3A_194 = %broadcast_in_dim3A_4) -> (vector<16xi32>)  : i32 {
      %sub3A_195 = arith.constant 30 : i32
      %sub3A_196 = arith.subi %sub3A_195, %scan3A_193 : i32
      %broadcast_in_dim3A_197 = vector.broadcast %sub3A_196 : i32 to vector<16xi32>
      %broadcast_in_dim3A_198 = arith.constant 1 : i32
      %broadcast_in_dim3A_199 = vector.broadcast %broadcast_in_dim3A_198 : i32 to vector<16xi32>
      %shift_left3A = arith.shli %broadcast_in_dim3A_199, %broadcast_in_dim3A_197 : vector<16xi32>
      %add3A_200 = arith.addi %scan3A_194, %shift_left3A : vector<16xi32>
      %broadcast_in_dim3A_201 = arith.constant 0 : i32
      %broadcast_in_dim3A_202 = vector.broadcast %broadcast_in_dim3A_201 : i32 to vector<16xi32>
      %scan3A_203 = arith.constant 0 : i32
      %scan3A_204 = arith.constant 1024 : i32
      %scan3A_205 = arith.addi %scan3A_203, %scan3A_204 : i32
      %scan3A_206 = arith.constant 8 : i32
      %scan3A_207 = scf.for %scan3A_267 = %scan3A_203 to %scan3A_205 step %scan3A_206 iter_args(%scan3A_268 = %broadcast_in_dim3A_202) -> (vector<16xi32>)  : i32 {
        %mul3A_269 = arith.constant 16 : i32
        %mul3A_270 = arith.muli %scan3A_267, %mul3A_269 : i32
        %get3A_271 = arith.index_cast %mul3A_270 : i32 to index
        %get3A_272 = tpu.vector_load %arg7[%get3A_271] {strides = array<i32>} : memref<16384xi32, #tpu.memory_space<vmem>>, vector<16xi32>,
        %get3A_273 = vector.shape_cast %get3A_272 : vector<16xi32> to vector<16xi32>
        %ge3A_274 = arith.cmpi sge, %get3A_273, %add3A_200 : vector<16xi32>
        %jit3A = arith.constant 1 : i32
        %jit3A_275 = arith.constant 0 : i32
        %broadcast_in_dim3A_276 = vector.broadcast %jit3A : i32 to vector<16xi32>
        %broadcast_in_dim3A_277 = vector.broadcast %jit3A_275 : i32 to vector<16xi32>
        %select_n3A_278 = arith.select %ge3A_274, %broadcast_in_dim3A_276, %broadcast_in_dim3A_277 : vector<16xi1>, vector<16xi32>
        %add3A_279 = arith.addi %scan3A_268, %select_n3A_278 : vector<16xi32>
        %scan3A_280 = arith.constant 1 : i32
        %scan3A_281 = arith.addi %scan3A_267, %scan3A_280 : i32
        %mul3A_282 = arith.constant 16 : i32
        %mul3A_283 = arith.muli %scan3A_281, %mul3A_282 : i32
        %get3A_284 = arith.index_cast %mul3A_283 : i32 to index
        %get3A_285 = tpu.vector_load %arg7[%get3A_284] {strides = array<i32>} : memref<16384xi32, #tpu.memory_space<vmem>>, vector<16xi32>,
        %get3A_286 = vector.shape_cast %get3A_285 : vector<16xi32> to vector<16xi32>
        %ge3A_287 = arith.cmpi sge, %get3A_286, %add3A_200 : vector<16xi32>
        %jit3A_288 = arith.constant 1 : i32
        %jit3A_289 = arith.constant 0 : i32
        %broadcast_in_dim3A_290 = vector.broadcast %jit3A_288 : i32 to vector<16xi32>
        %broadcast_in_dim3A_291 = vector.broadcast %jit3A_289 : i32 to vector<16xi32>
        %select_n3A_292 = arith.select %ge3A_287, %broadcast_in_dim3A_290, %broadcast_in_dim3A_291 : vector<16xi1>, vector<16xi32>
        %add3A_293 = arith.addi %add3A_279, %select_n3A_292 : vector<16xi32>
        %scan3A_294 = arith.constant 2 : i32
        %scan3A_295 = arith.addi %scan3A_267, %scan3A_294 : i32
        %mul3A_296 = arith.constant 16 : i32
        %mul3A_297 = arith.muli %scan3A_295, %mul3A_296 : i32
        %get3A_298 = arith.index_cast %mul3A_297 : i32 to index
        %get3A_299 = tpu.vector_load %arg7[%get3A_298] {strides = array<i32>} : memref<16384xi32, #tpu.memory_space<vmem>>, vector<16xi32>,
        %get3A_300 = vector.shape_cast %get3A_299 : vector<16xi32> to vector<16xi32>
        %ge3A_301 = arith.cmpi sge, %get3A_300, %add3A_200 : vector<16xi32>
        %jit3A_302 = arith.constant 1 : i32
        %jit3A_303 = arith.constant 0 : i32
        %broadcast_in_dim3A_304 = vector.broadcast %jit3A_302 : i32 to vector<16xi32>
        %broadcast_in_dim3A_305 = vector.broadcast %jit3A_303 : i32 to vector<16xi32>
        %select_n3A_306 = arith.select %ge3A_301, %broadcast_in_dim3A_304, %broadcast_in_dim3A_305 : vector<16xi1>, vector<16xi32>
        %add3A_307 = arith.addi %add3A_293, %select_n3A_306 : vector<16xi32>
        %scan3A_308 = arith.constant 3 : i32
        %scan3A_309 = arith.addi %scan3A_267, %scan3A_308 : i32
        %mul3A_310 = arith.constant 16 : i32
        %mul3A_311 = arith.muli %scan3A_309, %mul3A_310 : i32
        %get3A_312 = arith.index_cast %mul3A_311 : i32 to index
        %get3A_313 = tpu.vector_load %arg7[%get3A_312] {strides = array<i32>} : memref<16384xi32, #tpu.memory_space<vmem>>, vector<16xi32>,
        %get3A_314 = vector.shape_cast %get3A_313 : vector<16xi32> to vector<16xi32>
        %ge3A_315 = arith.cmpi sge, %get3A_314, %add3A_200 : vector<16xi32>
        %jit3A_316 = arith.constant 1 : i32
        %jit3A_317 = arith.constant 0 : i32
        %broadcast_in_dim3A_318 = vector.broadcast %jit3A_316 : i32 to vector<16xi32>
        %broadcast_in_dim3A_319 = vector.broadcast %jit3A_317 : i32 to vector<16xi32>
        %select_n3A_320 = arith.select %ge3A_315, %broadcast_in_dim3A_318, %broadcast_in_dim3A_319 : vector<16xi1>, vector<16xi32>
        %add3A_321 = arith.addi %add3A_307, %select_n3A_320 : vector<16xi32>
        %scan3A_322 = arith.constant 4 : i32
        %scan3A_323 = arith.addi %scan3A_267, %scan3A_322 : i32
        %mul3A_324 = arith.constant 16 : i32
        %mul3A_325 = arith.muli %scan3A_323, %mul3A_324 : i32
        %get3A_326 = arith.index_cast %mul3A_325 : i32 to index
        %get3A_327 = tpu.vector_load %arg7[%get3A_326] {strides = array<i32>} : memref<16384xi32, #tpu.memory_space<vmem>>, vector<16xi32>,
        %get3A_328 = vector.shape_cast %get3A_327 : vector<16xi32> to vector<16xi32>
        %ge3A_329 = arith.cmpi sge, %get3A_328, %add3A_200 : vector<16xi32>
        %jit3A_330 = arith.constant 1 : i32
        %jit3A_331 = arith.constant 0 : i32
        %broadcast_in_dim3A_332 = vector.broadcast %jit3A_330 : i32 to vector<16xi32>
        %broadcast_in_dim3A_333 = vector.broadcast %jit3A_331 : i32 to vector<16xi32>
        %select_n3A_334 = arith.select %ge3A_329, %broadcast_in_dim3A_332, %broadcast_in_dim3A_333 : vector<16xi1>, vector<16xi32>
        %add3A_335 = arith.addi %add3A_321, %select_n3A_334 : vector<16xi32>
        %scan3A_336 = arith.constant 5 : i32
        %scan3A_337 = arith.addi %scan3A_267, %scan3A_336 : i32
        %mul3A_338 = arith.constant 16 : i32
        %mul3A_339 = arith.muli %scan3A_337, %mul3A_338 : i32
        %get3A_340 = arith.index_cast %mul3A_339 : i32 to index
        %get3A_341 = tpu.vector_load %arg7[%get3A_340] {strides = array<i32>} : memref<16384xi32, #tpu.memory_space<vmem>>, vector<16xi32>,
        %get3A_342 = vector.shape_cast %get3A_341 : vector<16xi32> to vector<16xi32>
        %ge3A_343 = arith.cmpi sge, %get3A_342, %add3A_200 : vector<16xi32>
        %jit3A_344 = arith.constant 1 : i32
        %jit3A_345 = arith.constant 0 : i32
        %broadcast_in_dim3A_346 = vector.broadcast %jit3A_344 : i32 to vector<16xi32>
        %broadcast_in_dim3A_347 = vector.broadcast %jit3A_345 : i32 to vector<16xi32>
        %select_n3A_348 = arith.select %ge3A_343, %broadcast_in_dim3A_346, %broadcast_in_dim3A_347 : vector<16xi1>, vector<16xi32>
        %add3A_349 = arith.addi %add3A_335, %select_n3A_348 : vector<16xi32>
        %scan3A_350 = arith.constant 6 : i32
        %scan3A_351 = arith.addi %scan3A_267, %scan3A_350 : i32
        %mul3A_352 = arith.constant 16 : i32
        %mul3A_353 = arith.muli %scan3A_351, %mul3A_352 : i32
        %get3A_354 = arith.index_cast %mul3A_353 : i32 to index
        %get3A_355 = tpu.vector_load %arg7[%get3A_354] {strides = array<i32>} : memref<16384xi32, #tpu.memory_space<vmem>>, vector<16xi32>,
        %get3A_356 = vector.shape_cast %get3A_355 : vector<16xi32> to vector<16xi32>
        %ge3A_357 = arith.cmpi sge, %get3A_356, %add3A_200 : vector<16xi32>
        %jit3A_358 = arith.constant 1 : i32
        %jit3A_359 = arith.constant 0 : i32
        %broadcast_in_dim3A_360 = vector.broadcast %jit3A_358 : i32 to vector<16xi32>
        %broadcast_in_dim3A_361 = vector.broadcast %jit3A_359 : i32 to vector<16xi32>
        %select_n3A_362 = arith.select %ge3A_357, %broadcast_in_dim3A_360, %broadcast_in_dim3A_361 : vector<16xi1>, vector<16xi32>
        %add3A_363 = arith.addi %add3A_349, %select_n3A_362 : vector<16xi32>
        %scan3A_364 = arith.constant 7 : i32
        %scan3A_365 = arith.addi %scan3A_267, %scan3A_364 : i32
        %mul3A_366 = arith.constant 16 : i32
        %mul3A_367 = arith.muli %scan3A_365, %mul3A_366 : i32
        %get3A_368 = arith.index_cast %mul3A_367 : i32 to index
        %get3A_369 = tpu.vector_load %arg7[%get3A_368] {strides = array<i32>} : memref<16384xi32, #tpu.memory_space<vmem>>, vector<16xi32>,
        %get3A_370 = vector.shape_cast %get3A_369 : vector<16xi32> to vector<16xi32>
        %ge3A_371 = arith.cmpi sge, %get3A_370, %add3A_200 : vector<16xi32>
        %jit3A_372 = arith.constant 1 : i32
        %jit3A_373 = arith.constant 0 : i32
        %broadcast_in_dim3A_374 = vector.broadcast %jit3A_372 : i32 to vector<16xi32>
        %broadcast_in_dim3A_375 = vector.broadcast %jit3A_373 : i32 to vector<16xi32>
        %select_n3A_376 = arith.select %ge3A_371, %broadcast_in_dim3A_374, %broadcast_in_dim3A_375 : vector<16xi1>, vector<16xi32>
        %add3A_377 = arith.addi %add3A_363, %select_n3A_376 : vector<16xi32>
        scf.yield %add3A_377 : vector<16xi32>
      }
      %scan3A_208 = arith.constant 1024 : i32
      %iota3A_209 = tpu.iota {dimensions = array<i32: 0>} : vector<16xi32>
      %xor3A_210 = arith.constant 1 : i32
      %xor3A_211 = vector.broadcast %xor3A_210 : i32 to vector<16xi32>
      %xor3A_212 = arith.xori %iota3A_209, %xor3A_211 : vector<16xi32>
      %lt3A_213 = arith.constant 0 : i32
      %lt3A_214 = vector.broadcast %lt3A_213 : i32 to vector<16xi32>
      %lt3A_215 = arith.cmpi slt, %xor3A_212, %lt3A_214 : vector<16xi32>
      %add3A_216 = arith.constant 16 : i32
      %add3A_217 = vector.broadcast %add3A_216 : i32 to vector<16xi32>
      %add3A_218 = arith.addi %xor3A_212, %add3A_217 : vector<16xi32>
      %select_n3A_219 = arith.select %lt3A_215, %add3A_218, %xor3A_212 : vector<16xi1>, vector<16xi32>
      %broadcast_in_dim3A_220 = vector.shape_cast %select_n3A_219 : vector<16xi32> to vector<16x1xi32>
      %gather3A_221 = vector.shape_cast %broadcast_in_dim3A_220 : vector<16x1xi32> to vector<16xi32>
      %gather3A_222 = tpu.dynamic_gather %scan3A_207[%gather3A_221] in [0] : vector<16xi32>, vector<16xi32> -> vector<16xi32>
      %add3A_223 = arith.addi %scan3A_207, %gather3A_222 : vector<16xi32>
      %xor3A_224 = arith.constant 2 : i32
      %xor3A_225 = vector.broadcast %xor3A_224 : i32 to vector<16xi32>
      %xor3A_226 = arith.xori %iota3A_209, %xor3A_225 : vector<16xi32>
      %lt3A_227 = arith.constant 0 : i32
      %lt3A_228 = vector.broadcast %lt3A_227 : i32 to vector<16xi32>
      %lt3A_229 = arith.cmpi slt, %xor3A_226, %lt3A_228 : vector<16xi32>
      %add3A_230 = arith.constant 16 : i32
      %add3A_231 = vector.broadcast %add3A_230 : i32 to vector<16xi32>
      %add3A_232 = arith.addi %xor3A_226, %add3A_231 : vector<16xi32>
      %select_n3A_233 = arith.select %lt3A_229, %add3A_232, %xor3A_226 : vector<16xi1>, vector<16xi32>
      %broadcast_in_dim3A_234 = vector.shape_cast %select_n3A_233 : vector<16xi32> to vector<16x1xi32>
      %gather3A_235 = vector.shape_cast %broadcast_in_dim3A_234 : vector<16x1xi32> to vector<16xi32>
      %gather3A_236 = tpu.dynamic_gather %add3A_223[%gather3A_235] in [0] : vector<16xi32>, vector<16xi32> -> vector<16xi32>
      %add3A_237 = arith.addi %add3A_223, %gather3A_236 : vector<16xi32>
      %xor3A_238 = arith.constant 4 : i32
      %xor3A_239 = vector.broadcast %xor3A_238 : i32 to vector<16xi32>
      %xor3A_240 = arith.xori %iota3A_209, %xor3A_239 : vector<16xi32>
      %lt3A_241 = arith.constant 0 : i32
      %lt3A_242 = vector.broadcast %lt3A_241 : i32 to vector<16xi32>
      %lt3A_243 = arith.cmpi slt, %xor3A_240, %lt3A_242 : vector<16xi32>
      %add3A_244 = arith.constant 16 : i32
      %add3A_245 = vector.broadcast %add3A_244 : i32 to vector<16xi32>
      %add3A_246 = arith.addi %xor3A_240, %add3A_245 : vector<16xi32>
      %select_n3A_247 = arith.select %lt3A_243, %add3A_246, %xor3A_240 : vector<16xi1>, vector<16xi32>
      %broadcast_in_dim3A_248 = vector.shape_cast %select_n3A_247 : vector<16xi32> to vector<16x1xi32>
      %gather3A_249 = vector.shape_cast %broadcast_in_dim3A_248 : vector<16x1xi32> to vector<16xi32>
      %gather3A_250 = tpu.dynamic_gather %add3A_237[%gather3A_249] in [0] : vector<16xi32>, vector<16xi32> -> vector<16xi32>
      %add3A_251 = arith.addi %add3A_237, %gather3A_250 : vector<16xi32>
      %xor3A_252 = arith.constant 8 : i32
      %xor3A_253 = vector.broadcast %xor3A_252 : i32 to vector<16xi32>
      %xor3A_254 = arith.xori %iota3A_209, %xor3A_253 : vector<16xi32>
      %lt3A_255 = arith.constant 0 : i32
      %lt3A_256 = vector.broadcast %lt3A_255 : i32 to vector<16xi32>
      %lt3A_257 = arith.cmpi slt, %xor3A_254, %lt3A_256 : vector<16xi32>
      %add3A_258 = arith.constant 16 : i32
      %add3A_259 = vector.broadcast %add3A_258 : i32 to vector<16xi32>
      %add3A_260 = arith.addi %xor3A_254, %add3A_259 : vector<16xi32>
      %select_n3A_261 = arith.select %lt3A_257, %add3A_260, %xor3A_254 : vector<16xi1>, vector<16xi32>
      %broadcast_in_dim3A_262 = vector.shape_cast %select_n3A_261 : vector<16xi32> to vector<16x1xi32>
      %gather3A_263 = vector.shape_cast %broadcast_in_dim3A_262 : vector<16x1xi32> to vector<16xi32>
      %gather3A_264 = tpu.dynamic_gather %add3A_251[%gather3A_263] in [0] : vector<16xi32>, vector<16xi32> -> vector<16xi32>
      %add3A_265 = arith.addi %add3A_251, %gather3A_264 : vector<16xi32>
      %ge3A = arith.cmpi sge, %add3A_265, %convert_element_type3A : vector<16xi32>
      %select_n3A_266 = arith.select %ge3A, %add3A_200, %scan3A_194 : vector<16xi1>, vector<16xi32>
      scf.yield %select_n3A_266 : vector<16xi32>
    }
    %scan3A_9 = arith.constant 31 : i32
    %broadcast_in_dim3A_10 = arith.constant 0.000000e+00 : f32
    %broadcast_in_dim3A_11 = vector.broadcast %broadcast_in_dim3A_10 : f32 to vector<16xf32>
    %broadcast_in_dim3A_12 = arith.constant 0 : i32
    %broadcast_in_dim3A_13 = vector.broadcast %broadcast_in_dim3A_12 : i32 to vector<16xi32>
    %broadcast_in_dim3A_14 = arith.constant -1.000000e+00 : f32
    %broadcast_in_dim3A_15 = vector.broadcast %broadcast_in_dim3A_14 : f32 to vector<16xf32>
    %scan3A_16 = arith.constant 0 : i32
    %scan3A_17 = arith.constant 1024 : i32
    %scan3A_18 = arith.addi %scan3A_16, %scan3A_17 : i32
    %scan3A_19 = arith.constant 8 : i32
    %scan3A_20:3 = scf.for %scan3A_193 = %scan3A_16 to %scan3A_18 step %scan3A_19 iter_args(%scan3A_194 = %broadcast_in_dim3A_11, %scan3A_195 = %broadcast_in_dim3A_13, %scan3A_196 = %broadcast_in_dim3A_15) -> (vector<16xf32>, vector<16xi32>, vector<16xf32>)  : i32 {
      %mul3A_197 = arith.constant 16 : i32
      %mul3A_198 = arith.muli %scan3A_193, %mul3A_197 : i32
      %get3A_199 = arith.index_cast %mul3A_198 : i32 to index
      %get3A_200 = tpu.vector_load %arg6[%get3A_199] {strides = array<i32>} : memref<16384xf32, #tpu.memory_space<vmem>>, vector<16xf32>,
      %get3A_201 = vector.shape_cast %get3A_200 : vector<16xf32> to vector<16xf32>
      %mul3A_202 = arith.constant 16 : i32
      %mul3A_203 = arith.muli %scan3A_193, %mul3A_202 : i32
      %get3A_204 = arith.index_cast %mul3A_203 : i32 to index
      %get3A_205 = tpu.vector_load %arg7[%get3A_204] {strides = array<i32>} : memref<16384xi32, #tpu.memory_space<vmem>>, vector<16xi32>,
      %get3A_206 = vector.shape_cast %get3A_205 : vector<16xi32> to vector<16xi32>
      %gt3A = arith.cmpi sgt, %get3A_206, %scan3A_8 : vector<16xi32>
      %jit3A = arith.constant 0.000000e+00 : f32
      %broadcast_in_dim3A_207 = vector.broadcast %jit3A : f32 to vector<16xf32>
      %select_n3A_208 = arith.select %gt3A, %get3A_201, %broadcast_in_dim3A_207 : vector<16xi1>, vector<16xf32>
      %add3A_209 = arith.addf %scan3A_194, %select_n3A_208 : vector<16xf32>
      %jit3A_210 = arith.constant 1 : i32
      %jit3A_211 = arith.constant 0 : i32
      %broadcast_in_dim3A_212 = vector.broadcast %jit3A_210 : i32 to vector<16xi32>
      %broadcast_in_dim3A_213 = vector.broadcast %jit3A_211 : i32 to vector<16xi32>
      %select_n3A_214 = arith.select %gt3A, %broadcast_in_dim3A_212, %broadcast_in_dim3A_213 : vector<16xi1>, vector<16xi32>
      %add3A_215 = arith.addi %scan3A_195, %select_n3A_214 : vector<16xi32>
      %eq3A = arith.cmpi eq, %get3A_206, %scan3A_8 : vector<16xi32>
      %jit3A_216 = arith.constant -1.000000e+00 : f32
      %broadcast_in_dim3A_217 = vector.broadcast %jit3A_216 : f32 to vector<16xf32>
      %select_n3A_218 = arith.select %eq3A, %get3A_201, %broadcast_in_dim3A_217 : vector<16xi1>, vector<16xf32>
      %max3A_219 = arith.maximumf %scan3A_196, %select_n3A_218 : vector<16xf32>
      %scan3A_220 = arith.constant 1 : i32
      %scan3A_221 = arith.addi %scan3A_193, %scan3A_220 : i32
      %mul3A_222 = arith.constant 16 : i32
      %mul3A_223 = arith.muli %scan3A_221, %mul3A_222 : i32
      %get3A_224 = arith.index_cast %mul3A_223 : i32 to index
      %get3A_225 = tpu.vector_load %arg6[%get3A_224] {strides = array<i32>} : memref<16384xf32, #tpu.memory_space<vmem>>, vector<16xf32>,
      %get3A_226 = vector.shape_cast %get3A_225 : vector<16xf32> to vector<16xf32>
      %mul3A_227 = arith.constant 16 : i32
      %mul3A_228 = arith.muli %scan3A_221, %mul3A_227 : i32
      %get3A_229 = arith.index_cast %mul3A_228 : i32 to index
      %get3A_230 = tpu.vector_load %arg7[%get3A_229] {strides = array<i32>} : memref<16384xi32, #tpu.memory_space<vmem>>, vector<16xi32>,
      %get3A_231 = vector.shape_cast %get3A_230 : vector<16xi32> to vector<16xi32>
      %gt3A_232 = arith.cmpi sgt, %get3A_231, %scan3A_8 : vector<16xi32>
      %jit3A_233 = arith.constant 0.000000e+00 : f32
      %broadcast_in_dim3A_234 = vector.broadcast %jit3A_233 : f32 to vector<16xf32>
      %select_n3A_235 = arith.select %gt3A_232, %get3A_226, %broadcast_in_dim3A_234 : vector<16xi1>, vector<16xf32>
      %add3A_236 = arith.addf %add3A_209, %select_n3A_235 : vector<16xf32>
      %jit3A_237 = arith.constant 1 : i32
      %jit3A_238 = arith.constant 0 : i32
      %broadcast_in_dim3A_239 = vector.broadcast %jit3A_237 : i32 to vector<16xi32>
      %broadcast_in_dim3A_240 = vector.broadcast %jit3A_238 : i32 to vector<16xi32>
      %select_n3A_241 = arith.select %gt3A_232, %broadcast_in_dim3A_239, %broadcast_in_dim3A_240 : vector<16xi1>, vector<16xi32>
      %add3A_242 = arith.addi %add3A_215, %select_n3A_241 : vector<16xi32>
      %eq3A_243 = arith.cmpi eq, %get3A_231, %scan3A_8 : vector<16xi32>
      %jit3A_244 = arith.constant -1.000000e+00 : f32
      %broadcast_in_dim3A_245 = vector.broadcast %jit3A_244 : f32 to vector<16xf32>
      %select_n3A_246 = arith.select %eq3A_243, %get3A_226, %broadcast_in_dim3A_245 : vector<16xi1>, vector<16xf32>
      %max3A_247 = arith.maximumf %max3A_219, %select_n3A_246 : vector<16xf32>
      %scan3A_248 = arith.constant 2 : i32
      %scan3A_249 = arith.addi %scan3A_193, %scan3A_248 : i32
      %mul3A_250 = arith.constant 16 : i32
      %mul3A_251 = arith.muli %scan3A_249, %mul3A_250 : i32
      %get3A_252 = arith.index_cast %mul3A_251 : i32 to index
      %get3A_253 = tpu.vector_load %arg6[%get3A_252] {strides = array<i32>} : memref<16384xf32, #tpu.memory_space<vmem>>, vector<16xf32>,
      %get3A_254 = vector.shape_cast %get3A_253 : vector<16xf32> to vector<16xf32>
      %mul3A_255 = arith.constant 16 : i32
      %mul3A_256 = arith.muli %scan3A_249, %mul3A_255 : i32
      %get3A_257 = arith.index_cast %mul3A_256 : i32 to index
      %get3A_258 = tpu.vector_load %arg7[%get3A_257] {strides = array<i32>} : memref<16384xi32, #tpu.memory_space<vmem>>, vector<16xi32>,
      %get3A_259 = vector.shape_cast %get3A_258 : vector<16xi32> to vector<16xi32>
      %gt3A_260 = arith.cmpi sgt, %get3A_259, %scan3A_8 : vector<16xi32>
      %jit3A_261 = arith.constant 0.000000e+00 : f32
      %broadcast_in_dim3A_262 = vector.broadcast %jit3A_261 : f32 to vector<16xf32>
      %select_n3A_263 = arith.select %gt3A_260, %get3A_254, %broadcast_in_dim3A_262 : vector<16xi1>, vector<16xf32>
      %add3A_264 = arith.addf %add3A_236, %select_n3A_263 : vector<16xf32>
      %jit3A_265 = arith.constant 1 : i32
      %jit3A_266 = arith.constant 0 : i32
      %broadcast_in_dim3A_267 = vector.broadcast %jit3A_265 : i32 to vector<16xi32>
      %broadcast_in_dim3A_268 = vector.broadcast %jit3A_266 : i32 to vector<16xi32>
      %select_n3A_269 = arith.select %gt3A_260, %broadcast_in_dim3A_267, %broadcast_in_dim3A_268 : vector<16xi1>, vector<16xi32>
      %add3A_270 = arith.addi %add3A_242, %select_n3A_269 : vector<16xi32>
      %eq3A_271 = arith.cmpi eq, %get3A_259, %scan3A_8 : vector<16xi32>
      %jit3A_272 = arith.constant -1.000000e+00 : f32
      %broadcast_in_dim3A_273 = vector.broadcast %jit3A_272 : f32 to vector<16xf32>
      %select_n3A_274 = arith.select %eq3A_271, %get3A_254, %broadcast_in_dim3A_273 : vector<16xi1>, vector<16xf32>
      %max3A_275 = arith.maximumf %max3A_247, %select_n3A_274 : vector<16xf32>
      %scan3A_276 = arith.constant 3 : i32
      %scan3A_277 = arith.addi %scan3A_193, %scan3A_276 : i32
      %mul3A_278 = arith.constant 16 : i32
      %mul3A_279 = arith.muli %scan3A_277, %mul3A_278 : i32
      %get3A_280 = arith.index_cast %mul3A_279 : i32 to index
      %get3A_281 = tpu.vector_load %arg6[%get3A_280] {strides = array<i32>} : memref<16384xf32, #tpu.memory_space<vmem>>, vector<16xf32>,
      %get3A_282 = vector.shape_cast %get3A_281 : vector<16xf32> to vector<16xf32>
      %mul3A_283 = arith.constant 16 : i32
      %mul3A_284 = arith.muli %scan3A_277, %mul3A_283 : i32
      %get3A_285 = arith.index_cast %mul3A_284 : i32 to index
      %get3A_286 = tpu.vector_load %arg7[%get3A_285] {strides = array<i32>} : memref<16384xi32, #tpu.memory_space<vmem>>, vector<16xi32>,
      %get3A_287 = vector.shape_cast %get3A_286 : vector<16xi32> to vector<16xi32>
      %gt3A_288 = arith.cmpi sgt, %get3A_287, %scan3A_8 : vector<16xi32>
      %jit3A_289 = arith.constant 0.000000e+00 : f32
      %broadcast_in_dim3A_290 = vector.broadcast %jit3A_289 : f32 to vector<16xf32>
      %select_n3A_291 = arith.select %gt3A_288, %get3A_282, %broadcast_in_dim3A_290 : vector<16xi1>, vector<16xf32>
      %add3A_292 = arith.addf %add3A_264, %select_n3A_291 : vector<16xf32>
      %jit3A_293 = arith.constant 1 : i32
      %jit3A_294 = arith.constant 0 : i32
      %broadcast_in_dim3A_295 = vector.broadcast %jit3A_293 : i32 to vector<16xi32>
      %broadcast_in_dim3A_296 = vector.broadcast %jit3A_294 : i32 to vector<16xi32>
      %select_n3A_297 = arith.select %gt3A_288, %broadcast_in_dim3A_295, %broadcast_in_dim3A_296 : vector<16xi1>, vector<16xi32>
      %add3A_298 = arith.addi %add3A_270, %select_n3A_297 : vector<16xi32>
      %eq3A_299 = arith.cmpi eq, %get3A_287, %scan3A_8 : vector<16xi32>
      %jit3A_300 = arith.constant -1.000000e+00 : f32
      %broadcast_in_dim3A_301 = vector.broadcast %jit3A_300 : f32 to vector<16xf32>
      %select_n3A_302 = arith.select %eq3A_299, %get3A_282, %broadcast_in_dim3A_301 : vector<16xi1>, vector<16xf32>
      %max3A_303 = arith.maximumf %max3A_275, %select_n3A_302 : vector<16xf32>
      %scan3A_304 = arith.constant 4 : i32
      %scan3A_305 = arith.addi %scan3A_193, %scan3A_304 : i32
      %mul3A_306 = arith.constant 16 : i32
      %mul3A_307 = arith.muli %scan3A_305, %mul3A_306 : i32
      %get3A_308 = arith.index_cast %mul3A_307 : i32 to index
      %get3A_309 = tpu.vector_load %arg6[%get3A_308] {strides = array<i32>} : memref<16384xf32, #tpu.memory_space<vmem>>, vector<16xf32>,
      %get3A_310 = vector.shape_cast %get3A_309 : vector<16xf32> to vector<16xf32>
      %mul3A_311 = arith.constant 16 : i32
      %mul3A_312 = arith.muli %scan3A_305, %mul3A_311 : i32
      %get3A_313 = arith.index_cast %mul3A_312 : i32 to index
      %get3A_314 = tpu.vector_load %arg7[%get3A_313] {strides = array<i32>} : memref<16384xi32, #tpu.memory_space<vmem>>, vector<16xi32>,
      %get3A_315 = vector.shape_cast %get3A_314 : vector<16xi32> to vector<16xi32>
      %gt3A_316 = arith.cmpi sgt, %get3A_315, %scan3A_8 : vector<16xi32>
      %jit3A_317 = arith.constant 0.000000e+00 : f32
      %broadcast_in_dim3A_318 = vector.broadcast %jit3A_317 : f32 to vector<16xf32>
      %select_n3A_319 = arith.select %gt3A_316, %get3A_310, %broadcast_in_dim3A_318 : vector<16xi1>, vector<16xf32>
      %add3A_320 = arith.addf %add3A_292, %select_n3A_319 : vector<16xf32>
      %jit3A_321 = arith.constant 1 : i32
      %jit3A_322 = arith.constant 0 : i32
      %broadcast_in_dim3A_323 = vector.broadcast %jit3A_321 : i32 to vector<16xi32>
      %broadcast_in_dim3A_324 = vector.broadcast %jit3A_322 : i32 to vector<16xi32>
      %select_n3A_325 = arith.select %gt3A_316, %broadcast_in_dim3A_323, %broadcast_in_dim3A_324 : vector<16xi1>, vector<16xi32>
      %add3A_326 = arith.addi %add3A_298, %select_n3A_325 : vector<16xi32>
      %eq3A_327 = arith.cmpi eq, %get3A_315, %scan3A_8 : vector<16xi32>
      %jit3A_328 = arith.constant -1.000000e+00 : f32
      %broadcast_in_dim3A_329 = vector.broadcast %jit3A_328 : f32 to vector<16xf32>
      %select_n3A_330 = arith.select %eq3A_327, %get3A_310, %broadcast_in_dim3A_329 : vector<16xi1>, vector<16xf32>
      %max3A_331 = arith.maximumf %max3A_303, %select_n3A_330 : vector<16xf32>
      %scan3A_332 = arith.constant 5 : i32
      %scan3A_333 = arith.addi %scan3A_193, %scan3A_332 : i32
      %mul3A_334 = arith.constant 16 : i32
      %mul3A_335 = arith.muli %scan3A_333, %mul3A_334 : i32
      %get3A_336 = arith.index_cast %mul3A_335 : i32 to index
      %get3A_337 = tpu.vector_load %arg6[%get3A_336] {strides = array<i32>} : memref<16384xf32, #tpu.memory_space<vmem>>, vector<16xf32>,
      %get3A_338 = vector.shape_cast %get3A_337 : vector<16xf32> to vector<16xf32>
      %mul3A_339 = arith.constant 16 : i32
      %mul3A_340 = arith.muli %scan3A_333, %mul3A_339 : i32
      %get3A_341 = arith.index_cast %mul3A_340 : i32 to index
      %get3A_342 = tpu.vector_load %arg7[%get3A_341] {strides = array<i32>} : memref<16384xi32, #tpu.memory_space<vmem>>, vector<16xi32>,
      %get3A_343 = vector.shape_cast %get3A_342 : vector<16xi32> to vector<16xi32>
      %gt3A_344 = arith.cmpi sgt, %get3A_343, %scan3A_8 : vector<16xi32>
      %jit3A_345 = arith.constant 0.000000e+00 : f32
      %broadcast_in_dim3A_346 = vector.broadcast %jit3A_345 : f32 to vector<16xf32>
      %select_n3A_347 = arith.select %gt3A_344, %get3A_338, %broadcast_in_dim3A_346 : vector<16xi1>, vector<16xf32>
      %add3A_348 = arith.addf %add3A_320, %select_n3A_347 : vector<16xf32>
      %jit3A_349 = arith.constant 1 : i32
      %jit3A_350 = arith.constant 0 : i32
      %broadcast_in_dim3A_351 = vector.broadcast %jit3A_349 : i32 to vector<16xi32>
      %broadcast_in_dim3A_352 = vector.broadcast %jit3A_350 : i32 to vector<16xi32>
      %select_n3A_353 = arith.select %gt3A_344, %broadcast_in_dim3A_351, %broadcast_in_dim3A_352 : vector<16xi1>, vector<16xi32>
      %add3A_354 = arith.addi %add3A_326, %select_n3A_353 : vector<16xi32>
      %eq3A_355 = arith.cmpi eq, %get3A_343, %scan3A_8 : vector<16xi32>
      %jit3A_356 = arith.constant -1.000000e+00 : f32
      %broadcast_in_dim3A_357 = vector.broadcast %jit3A_356 : f32 to vector<16xf32>
      %select_n3A_358 = arith.select %eq3A_355, %get3A_338, %broadcast_in_dim3A_357 : vector<16xi1>, vector<16xf32>
      %max3A_359 = arith.maximumf %max3A_331, %select_n3A_358 : vector<16xf32>
      %scan3A_360 = arith.constant 6 : i32
      %scan3A_361 = arith.addi %scan3A_193, %scan3A_360 : i32
      %mul3A_362 = arith.constant 16 : i32
      %mul3A_363 = arith.muli %scan3A_361, %mul3A_362 : i32
      %get3A_364 = arith.index_cast %mul3A_363 : i32 to index
      %get3A_365 = tpu.vector_load %arg6[%get3A_364] {strides = array<i32>} : memref<16384xf32, #tpu.memory_space<vmem>>, vector<16xf32>,
      %get3A_366 = vector.shape_cast %get3A_365 : vector<16xf32> to vector<16xf32>
      %mul3A_367 = arith.constant 16 : i32
      %mul3A_368 = arith.muli %scan3A_361, %mul3A_367 : i32
      %get3A_369 = arith.index_cast %mul3A_368 : i32 to index
      %get3A_370 = tpu.vector_load %arg7[%get3A_369] {strides = array<i32>} : memref<16384xi32, #tpu.memory_space<vmem>>, vector<16xi32>,
      %get3A_371 = vector.shape_cast %get3A_370 : vector<16xi32> to vector<16xi32>
      %gt3A_372 = arith.cmpi sgt, %get3A_371, %scan3A_8 : vector<16xi32>
      %jit3A_373 = arith.constant 0.000000e+00 : f32
      %broadcast_in_dim3A_374 = vector.broadcast %jit3A_373 : f32 to vector<16xf32>
      %select_n3A_375 = arith.select %gt3A_372, %get3A_366, %broadcast_in_dim3A_374 : vector<16xi1>, vector<16xf32>
      %add3A_376 = arith.addf %add3A_348, %select_n3A_375 : vector<16xf32>
      %jit3A_377 = arith.constant 1 : i32
      %jit3A_378 = arith.constant 0 : i32
      %broadcast_in_dim3A_379 = vector.broadcast %jit3A_377 : i32 to vector<16xi32>
      %broadcast_in_dim3A_380 = vector.broadcast %jit3A_378 : i32 to vector<16xi32>
      %select_n3A_381 = arith.select %gt3A_372, %broadcast_in_dim3A_379, %broadcast_in_dim3A_380 : vector<16xi1>, vector<16xi32>
      %add3A_382 = arith.addi %add3A_354, %select_n3A_381 : vector<16xi32>
      %eq3A_383 = arith.cmpi eq, %get3A_371, %scan3A_8 : vector<16xi32>
      %jit3A_384 = arith.constant -1.000000e+00 : f32
      %broadcast_in_dim3A_385 = vector.broadcast %jit3A_384 : f32 to vector<16xf32>
      %select_n3A_386 = arith.select %eq3A_383, %get3A_366, %broadcast_in_dim3A_385 : vector<16xi1>, vector<16xf32>
      %max3A_387 = arith.maximumf %max3A_359, %select_n3A_386 : vector<16xf32>
      %scan3A_388 = arith.constant 7 : i32
      %scan3A_389 = arith.addi %scan3A_193, %scan3A_388 : i32
      %mul3A_390 = arith.constant 16 : i32
      %mul3A_391 = arith.muli %scan3A_389, %mul3A_390 : i32
      %get3A_392 = arith.index_cast %mul3A_391 : i32 to index
      %get3A_393 = tpu.vector_load %arg6[%get3A_392] {strides = array<i32>} : memref<16384xf32, #tpu.memory_space<vmem>>, vector<16xf32>,
      %get3A_394 = vector.shape_cast %get3A_393 : vector<16xf32> to vector<16xf32>
      %mul3A_395 = arith.constant 16 : i32
      %mul3A_396 = arith.muli %scan3A_389, %mul3A_395 : i32
      %get3A_397 = arith.index_cast %mul3A_396 : i32 to index
      %get3A_398 = tpu.vector_load %arg7[%get3A_397] {strides = array<i32>} : memref<16384xi32, #tpu.memory_space<vmem>>, vector<16xi32>,
      %get3A_399 = vector.shape_cast %get3A_398 : vector<16xi32> to vector<16xi32>
      %gt3A_400 = arith.cmpi sgt, %get3A_399, %scan3A_8 : vector<16xi32>
      %jit3A_401 = arith.constant 0.000000e+00 : f32
      %broadcast_in_dim3A_402 = vector.broadcast %jit3A_401 : f32 to vector<16xf32>
      %select_n3A_403 = arith.select %gt3A_400, %get3A_394, %broadcast_in_dim3A_402 : vector<16xi1>, vector<16xf32>
      %add3A_404 = arith.addf %add3A_376, %select_n3A_403 : vector<16xf32>
      %jit3A_405 = arith.constant 1 : i32
      %jit3A_406 = arith.constant 0 : i32
      %broadcast_in_dim3A_407 = vector.broadcast %jit3A_405 : i32 to vector<16xi32>
      %broadcast_in_dim3A_408 = vector.broadcast %jit3A_406 : i32 to vector<16xi32>
      %select_n3A_409 = arith.select %gt3A_400, %broadcast_in_dim3A_407, %broadcast_in_dim3A_408 : vector<16xi1>, vector<16xi32>
      %add3A_410 = arith.addi %add3A_382, %select_n3A_409 : vector<16xi32>
      %eq3A_411 = arith.cmpi eq, %get3A_399, %scan3A_8 : vector<16xi32>
      %jit3A_412 = arith.constant -1.000000e+00 : f32
      %broadcast_in_dim3A_413 = vector.broadcast %jit3A_412 : f32 to vector<16xf32>
      %select_n3A_414 = arith.select %eq3A_411, %get3A_394, %broadcast_in_dim3A_413 : vector<16xi1>, vector<16xf32>
      %max3A_415 = arith.maximumf %max3A_387, %select_n3A_414 : vector<16xf32>
      scf.yield %add3A_404, %add3A_410, %max3A_415 : vector<16xf32>, vector<16xi32>, vector<16xf32>
    }
    %scan3A_21 = arith.constant 1024 : i32
    %iota3A = tpu.iota {dimensions = array<i32: 0>} : vector<16xi32>
    %xor3A = arith.constant 1 : i32
    %xor3A_22 = vector.broadcast %xor3A : i32 to vector<16xi32>
    %xor3A_23 = arith.xori %iota3A, %xor3A_22 : vector<16xi32>
    %lt3A = arith.constant 0 : i32
    %lt3A_24 = vector.broadcast %lt3A : i32 to vector<16xi32>
    %lt3A_25 = arith.cmpi slt, %xor3A_23, %lt3A_24 : vector<16xi32>
    %add3A_26 = arith.constant 16 : i32
    %add3A_27 = vector.broadcast %add3A_26 : i32 to vector<16xi32>
    %add3A_28 = arith.addi %xor3A_23, %add3A_27 : vector<16xi32>
    %select_n3A = arith.select %lt3A_25, %add3A_28, %xor3A_23 : vector<16xi1>, vector<16xi32>
    %broadcast_in_dim3A_29 = vector.shape_cast %select_n3A : vector<16xi32> to vector<16x1xi32>
    %gather3A = vector.shape_cast %broadcast_in_dim3A_29 : vector<16x1xi32> to vector<16xi32>
    %gather3A_30 = tpu.dynamic_gather %scan3A_20#2[%gather3A] in [0] : vector<16xf32>, vector<16xi32> -> vector<16xf32>
    %max3A = arith.maximumf %scan3A_20#2, %gather3A_30 : vector<16xf32>
    %xor3A_31 = arith.constant 2 : i32
    %xor3A_32 = vector.broadcast %xor3A_31 : i32 to vector<16xi32>
    %xor3A_33 = arith.xori %iota3A, %xor3A_32 : vector<16xi32>
    %lt3A_34 = arith.constant 0 : i32
    %lt3A_35 = vector.broadcast %lt3A_34 : i32 to vector<16xi32>
    %lt3A_36 = arith.cmpi slt, %xor3A_33, %lt3A_35 : vector<16xi32>
    %add3A_37 = arith.constant 16 : i32
    %add3A_38 = vector.broadcast %add3A_37 : i32 to vector<16xi32>
    %add3A_39 = arith.addi %xor3A_33, %add3A_38 : vector<16xi32>
    %select_n3A_40 = arith.select %lt3A_36, %add3A_39, %xor3A_33 : vector<16xi1>, vector<16xi32>
    %broadcast_in_dim3A_41 = vector.shape_cast %select_n3A_40 : vector<16xi32> to vector<16x1xi32>
    %gather3A_42 = vector.shape_cast %broadcast_in_dim3A_41 : vector<16x1xi32> to vector<16xi32>
    %gather3A_43 = tpu.dynamic_gather %max3A[%gather3A_42] in [0] : vector<16xf32>, vector<16xi32> -> vector<16xf32>
    %max3A_44 = arith.maximumf %max3A, %gather3A_43 : vector<16xf32>
    %xor3A_45 = arith.constant 4 : i32
    %xor3A_46 = vector.broadcast %xor3A_45 : i32 to vector<16xi32>
    %xor3A_47 = arith.xori %iota3A, %xor3A_46 : vector<16xi32>
    %lt3A_48 = arith.constant 0 : i32
    %lt3A_49 = vector.broadcast %lt3A_48 : i32 to vector<16xi32>
    %lt3A_50 = arith.cmpi slt, %xor3A_47, %lt3A_49 : vector<16xi32>
    %add3A_51 = arith.constant 16 : i32
    %add3A_52 = vector.broadcast %add3A_51 : i32 to vector<16xi32>
    %add3A_53 = arith.addi %xor3A_47, %add3A_52 : vector<16xi32>
    %select_n3A_54 = arith.select %lt3A_50, %add3A_53, %xor3A_47 : vector<16xi1>, vector<16xi32>
    %broadcast_in_dim3A_55 = vector.shape_cast %select_n3A_54 : vector<16xi32> to vector<16x1xi32>
    %gather3A_56 = vector.shape_cast %broadcast_in_dim3A_55 : vector<16x1xi32> to vector<16xi32>
    %gather3A_57 = tpu.dynamic_gather %max3A_44[%gather3A_56] in [0] : vector<16xf32>, vector<16xi32> -> vector<16xf32>
    %max3A_58 = arith.maximumf %max3A_44, %gather3A_57 : vector<16xf32>
    %xor3A_59 = arith.constant 8 : i32
    %xor3A_60 = vector.broadcast %xor3A_59 : i32 to vector<16xi32>
    %xor3A_61 = arith.xori %iota3A, %xor3A_60 : vector<16xi32>
    %lt3A_62 = arith.constant 0 : i32
    %lt3A_63 = vector.broadcast %lt3A_62 : i32 to vector<16xi32>
    %lt3A_64 = arith.cmpi slt, %xor3A_61, %lt3A_63 : vector<16xi32>
    %add3A_65 = arith.constant 16 : i32
    %add3A_66 = vector.broadcast %add3A_65 : i32 to vector<16xi32>
    %add3A_67 = arith.addi %xor3A_61, %add3A_66 : vector<16xi32>
    %select_n3A_68 = arith.select %lt3A_64, %add3A_67, %xor3A_61 : vector<16xi1>, vector<16xi32>
    %broadcast_in_dim3A_69 = vector.shape_cast %select_n3A_68 : vector<16xi32> to vector<16x1xi32>
    %gather3A_70 = vector.shape_cast %broadcast_in_dim3A_69 : vector<16x1xi32> to vector<16xi32>
    %gather3A_71 = tpu.dynamic_gather %max3A_58[%gather3A_70] in [0] : vector<16xf32>, vector<16xi32> -> vector<16xf32>
    %max3A_72 = arith.maximumf %max3A_58, %gather3A_71 : vector<16xf32>
    %iota3A_73 = tpu.iota {dimensions = array<i32: 0>} : vector<16xi32>
    %xor3A_74 = arith.constant 1 : i32
    %xor3A_75 = vector.broadcast %xor3A_74 : i32 to vector<16xi32>
    %xor3A_76 = arith.xori %iota3A_73, %xor3A_75 : vector<16xi32>
    %lt3A_77 = arith.constant 0 : i32
    %lt3A_78 = vector.broadcast %lt3A_77 : i32 to vector<16xi32>
    %lt3A_79 = arith.cmpi slt, %xor3A_76, %lt3A_78 : vector<16xi32>
    %add3A_80 = arith.constant 16 : i32
    %add3A_81 = vector.broadcast %add3A_80 : i32 to vector<16xi32>
    %add3A_82 = arith.addi %xor3A_76, %add3A_81 : vector<16xi32>
    %select_n3A_83 = arith.select %lt3A_79, %add3A_82, %xor3A_76 : vector<16xi1>, vector<16xi32>
    %broadcast_in_dim3A_84 = vector.shape_cast %select_n3A_83 : vector<16xi32> to vector<16x1xi32>
    %gather3A_85 = vector.shape_cast %broadcast_in_dim3A_84 : vector<16x1xi32> to vector<16xi32>
    %gather3A_86 = tpu.dynamic_gather %scan3A_20#0[%gather3A_85] in [0] : vector<16xf32>, vector<16xi32> -> vector<16xf32>
    %add3A_87 = arith.addf %scan3A_20#0, %gather3A_86 : vector<16xf32>
    %xor3A_88 = arith.constant 2 : i32
    %xor3A_89 = vector.broadcast %xor3A_88 : i32 to vector<16xi32>
    %xor3A_90 = arith.xori %iota3A_73, %xor3A_89 : vector<16xi32>
    %lt3A_91 = arith.constant 0 : i32
    %lt3A_92 = vector.broadcast %lt3A_91 : i32 to vector<16xi32>
    %lt3A_93 = arith.cmpi slt, %xor3A_90, %lt3A_92 : vector<16xi32>
    %add3A_94 = arith.constant 16 : i32
    %add3A_95 = vector.broadcast %add3A_94 : i32 to vector<16xi32>
    %add3A_96 = arith.addi %xor3A_90, %add3A_95 : vector<16xi32>
    %select_n3A_97 = arith.select %lt3A_93, %add3A_96, %xor3A_90 : vector<16xi1>, vector<16xi32>
    %broadcast_in_dim3A_98 = vector.shape_cast %select_n3A_97 : vector<16xi32> to vector<16x1xi32>
    %gather3A_99 = vector.shape_cast %broadcast_in_dim3A_98 : vector<16x1xi32> to vector<16xi32>
    %gather3A_100 = tpu.dynamic_gather %add3A_87[%gather3A_99] in [0] : vector<16xf32>, vector<16xi32> -> vector<16xf32>
    %add3A_101 = arith.addf %add3A_87, %gather3A_100 : vector<16xf32>
    %xor3A_102 = arith.constant 4 : i32
    %xor3A_103 = vector.broadcast %xor3A_102 : i32 to vector<16xi32>
    %xor3A_104 = arith.xori %iota3A_73, %xor3A_103 : vector<16xi32>
    %lt3A_105 = arith.constant 0 : i32
    %lt3A_106 = vector.broadcast %lt3A_105 : i32 to vector<16xi32>
    %lt3A_107 = arith.cmpi slt, %xor3A_104, %lt3A_106 : vector<16xi32>
    %add3A_108 = arith.constant 16 : i32
    %add3A_109 = vector.broadcast %add3A_108 : i32 to vector<16xi32>
    %add3A_110 = arith.addi %xor3A_104, %add3A_109 : vector<16xi32>
    %select_n3A_111 = arith.select %lt3A_107, %add3A_110, %xor3A_104 : vector<16xi1>, vector<16xi32>
    %broadcast_in_dim3A_112 = vector.shape_cast %select_n3A_111 : vector<16xi32> to vector<16x1xi32>
    %gather3A_113 = vector.shape_cast %broadcast_in_dim3A_112 : vector<16x1xi32> to vector<16xi32>
    %gather3A_114 = tpu.dynamic_gather %add3A_101[%gather3A_113] in [0] : vector<16xf32>, vector<16xi32> -> vector<16xf32>
    %add3A_115 = arith.addf %add3A_101, %gather3A_114 : vector<16xf32>
    %xor3A_116 = arith.constant 8 : i32
    %xor3A_117 = vector.broadcast %xor3A_116 : i32 to vector<16xi32>
    %xor3A_118 = arith.xori %iota3A_73, %xor3A_117 : vector<16xi32>
    %lt3A_119 = arith.constant 0 : i32
    %lt3A_120 = vector.broadcast %lt3A_119 : i32 to vector<16xi32>
    %lt3A_121 = arith.cmpi slt, %xor3A_118, %lt3A_120 : vector<16xi32>
    %add3A_122 = arith.constant 16 : i32
    %add3A_123 = vector.broadcast %add3A_122 : i32 to vector<16xi32>
    %add3A_124 = arith.addi %xor3A_118, %add3A_123 : vector<16xi32>
    %select_n3A_125 = arith.select %lt3A_121, %add3A_124, %xor3A_118 : vector<16xi1>, vector<16xi32>
    %broadcast_in_dim3A_126 = vector.shape_cast %select_n3A_125 : vector<16xi32> to vector<16x1xi32>
    %gather3A_127 = vector.shape_cast %broadcast_in_dim3A_126 : vector<16x1xi32> to vector<16xi32>
    %gather3A_128 = tpu.dynamic_gather %add3A_115[%gather3A_127] in [0] : vector<16xf32>, vector<16xi32> -> vector<16xf32>
    %add3A_129 = arith.addf %add3A_115, %gather3A_128 : vector<16xf32>
    %iota3A_130 = tpu.iota {dimensions = array<i32: 0>} : vector<16xi32>
    %xor3A_131 = arith.constant 1 : i32
    %xor3A_132 = vector.broadcast %xor3A_131 : i32 to vector<16xi32>
    %xor3A_133 = arith.xori %iota3A_130, %xor3A_132 : vector<16xi32>
    %lt3A_134 = arith.constant 0 : i32
    %lt3A_135 = vector.broadcast %lt3A_134 : i32 to vector<16xi32>
    %lt3A_136 = arith.cmpi slt, %xor3A_133, %lt3A_135 : vector<16xi32>
    %add3A_137 = arith.constant 16 : i32
    %add3A_138 = vector.broadcast %add3A_137 : i32 to vector<16xi32>
    %add3A_139 = arith.addi %xor3A_133, %add3A_138 : vector<16xi32>
    %select_n3A_140 = arith.select %lt3A_136, %add3A_139, %xor3A_133 : vector<16xi1>, vector<16xi32>
    %broadcast_in_dim3A_141 = vector.shape_cast %select_n3A_140 : vector<16xi32> to vector<16x1xi32>
    %gather3A_142 = vector.shape_cast %broadcast_in_dim3A_141 : vector<16x1xi32> to vector<16xi32>
    %gather3A_143 = tpu.dynamic_gather %scan3A_20#1[%gather3A_142] in [0] : vector<16xi32>, vector<16xi32> -> vector<16xi32>
    %add3A_144 = arith.addi %scan3A_20#1, %gather3A_143 : vector<16xi32>
    %xor3A_145 = arith.constant 2 : i32
    %xor3A_146 = vector.broadcast %xor3A_145 : i32 to vector<16xi32>
    %xor3A_147 = arith.xori %iota3A_130, %xor3A_146 : vector<16xi32>
    %lt3A_148 = arith.constant 0 : i32
    %lt3A_149 = vector.broadcast %lt3A_148 : i32 to vector<16xi32>
    %lt3A_150 = arith.cmpi slt, %xor3A_147, %lt3A_149 : vector<16xi32>
    %add3A_151 = arith.constant 16 : i32
    %add3A_152 = vector.broadcast %add3A_151 : i32 to vector<16xi32>
    %add3A_153 = arith.addi %xor3A_147, %add3A_152 : vector<16xi32>
    %select_n3A_154 = arith.select %lt3A_150, %add3A_153, %xor3A_147 : vector<16xi1>, vector<16xi32>
    %broadcast_in_dim3A_155 = vector.shape_cast %select_n3A_154 : vector<16xi32> to vector<16x1xi32>
    %gather3A_156 = vector.shape_cast %broadcast_in_dim3A_155 : vector<16x1xi32> to vector<16xi32>
    %gather3A_157 = tpu.dynamic_gather %add3A_144[%gather3A_156] in [0] : vector<16xi32>, vector<16xi32> -> vector<16xi32>
    %add3A_158 = arith.addi %add3A_144, %gather3A_157 : vector<16xi32>
    %xor3A_159 = arith.constant 4 : i32
    %xor3A_160 = vector.broadcast %xor3A_159 : i32 to vector<16xi32>
    %xor3A_161 = arith.xori %iota3A_130, %xor3A_160 : vector<16xi32>
    %lt3A_162 = arith.constant 0 : i32
    %lt3A_163 = vector.broadcast %lt3A_162 : i32 to vector<16xi32>
    %lt3A_164 = arith.cmpi slt, %xor3A_161, %lt3A_163 : vector<16xi32>
    %add3A_165 = arith.constant 16 : i32
    %add3A_166 = vector.broadcast %add3A_165 : i32 to vector<16xi32>
    %add3A_167 = arith.addi %xor3A_161, %add3A_166 : vector<16xi32>
    %select_n3A_168 = arith.select %lt3A_164, %add3A_167, %xor3A_161 : vector<16xi1>, vector<16xi32>
    %broadcast_in_dim3A_169 = vector.shape_cast %select_n3A_168 : vector<16xi32> to vector<16x1xi32>
    %gather3A_170 = vector.shape_cast %broadcast_in_dim3A_169 : vector<16x1xi32> to vector<16xi32>
    %gather3A_171 = tpu.dynamic_gather %add3A_158[%gather3A_170] in [0] : vector<16xi32>, vector<16xi32> -> vector<16xi32>
    %add3A_172 = arith.addi %add3A_158, %gather3A_171 : vector<16xi32>
    %xor3A_173 = arith.constant 8 : i32
    %xor3A_174 = vector.broadcast %xor3A_173 : i32 to vector<16xi32>
    %xor3A_175 = arith.xori %iota3A_130, %xor3A_174 : vector<16xi32>
    %lt3A_176 = arith.constant 0 : i32
    %lt3A_177 = vector.broadcast %lt3A_176 : i32 to vector<16xi32>
    %lt3A_178 = arith.cmpi slt, %xor3A_175, %lt3A_177 : vector<16xi32>
    %add3A_179 = arith.constant 16 : i32
    %add3A_180 = vector.broadcast %add3A_179 : i32 to vector<16xi32>
    %add3A_181 = arith.addi %xor3A_175, %add3A_180 : vector<16xi32>
    %select_n3A_182 = arith.select %lt3A_178, %add3A_181, %xor3A_175 : vector<16xi1>, vector<16xi32>
    %broadcast_in_dim3A_183 = vector.shape_cast %select_n3A_182 : vector<16xi32> to vector<16x1xi32>
    %gather3A_184 = vector.shape_cast %broadcast_in_dim3A_183 : vector<16x1xi32> to vector<16xi32>
    %gather3A_185 = tpu.dynamic_gather %add3A_172[%gather3A_184] in [0] : vector<16xi32>, vector<16xi32> -> vector<16xi32>
    %add3A_186 = arith.addi %add3A_172, %gather3A_185 : vector<16xi32>
    %convert_element_type3A_187 = arith.sitofp %add3A_186 : vector<16xi32> to vector<16xf32>
    %sub3A = arith.subf %get3A_3, %convert_element_type3A_187 : vector<16xf32>
    %mul3A_188 = arith.mulf %sub3A, %max3A_72 : vector<16xf32>
    %add3A_189 = arith.addf %add3A_129, %mul3A_188 : vector<16xf32>
    %swap3A = arith.constant 0 : index
    %swap3A_190 = tpu.vector_load %arg9[%swap3A] {strides = array<i32>} : memref<16xf32, #tpu.memory_space<vmem>>, vector<16xf32>,
    %swap3A_191 = vector.shape_cast %swap3A_190 : vector<16xf32> to vector<16xf32>
    %swap3A_192 = vector.shape_cast %add3A_189 : vector<16xf32> to vector<16xf32>
    tpu.vector_store %arg9[%swap3A], %swap3A_192 {strides = array<i32>} : memref<16xf32, #tpu.memory_space<vmem>>, vector<16xf32>,
    "tpu.region"() ({
      %run_scoped3A_193 = tpu.sem_alloc : memref<!tpu.dma_semaphore, #tpu.memory_space<semaphore_mem>>
      %dma_start3A = arith.constant 0 : i32
      %dma_start3A_194 = tpu.memref_slice %arg5[%add3A, %dma_start3A] : memref<32x16xf32, #tpu.memory_space<hbm>> -> memref<1x16xf32, #tpu.memory_space<hbm>>
      %dma_start3A_195 = tpu.memref_squeeze %dma_start3A_194 : memref<1x16xf32, #tpu.memory_space<hbm>> -> memref<16xf32, #tpu.memory_space<hbm>>
      %dma_start3A_196 = arith.constant 0 : i32
      %dma_start3A_197 = tpu.memref_slice %arg5[%add3A, %dma_start3A_196] : memref<32x16xf32, #tpu.memory_space<hbm>> -> memref<1x16xf32, #tpu.memory_space<hbm>>
      %dma_start3A_198 = tpu.memref_squeeze %dma_start3A_197 : memref<1x16xf32, #tpu.memory_space<hbm>> -> memref<16xf32, #tpu.memory_space<hbm>>
      tpu.enqueue_dma source(%arg9 : memref<16xf32, #tpu.memory_space<vmem>>) target(%dma_start3A_198 : memref<16xf32, #tpu.memory_space<hbm>>) target_semaphore(%run_scoped3A_193 : memref<!tpu.dma_semaphore, #tpu.memory_space<semaphore_mem>>)
      %dma_wait3A = arith.constant 0 : i32
      %dma_wait3A_199 = tpu.memref_slice %arg5[%add3A, %dma_wait3A] : memref<32x16xf32, #tpu.memory_space<hbm>> -> memref<1x16xf32, #tpu.memory_space<hbm>>
      %dma_wait3A_200 = tpu.memref_squeeze %dma_wait3A_199 : memref<1x16xf32, #tpu.memory_space<hbm>> -> memref<16xf32, #tpu.memory_space<hbm>>
      %dma_wait3A_201 = arith.constant 0 : i32
      %dma_wait3A_202 = tpu.memref_slice %arg5[%add3A, %dma_wait3A_201] : memref<32x16xf32, #tpu.memory_space<hbm>> -> memref<1x16xf32, #tpu.memory_space<hbm>>
      %dma_wait3A_203 = tpu.memref_squeeze %dma_wait3A_202 : memref<1x16xf32, #tpu.memory_space<hbm>> -> memref<16xf32, #tpu.memory_space<hbm>>
      tpu.wait_dma2 semaphore(%run_scoped3A_193 : memref<!tpu.dma_semaphore, #tpu.memory_space<semaphore_mem>>) src(%arg9 : memref<16xf32, #tpu.memory_space<vmem>>) dst(%dma_wait3A_203 : memref<16xf32, #tpu.memory_space<hbm>>)
      tpu.yield
    }) : () -> ()
    return
  }
}

module attributes {stable_mosaic.version = 14 : i64} {
  func.func @_match_kernel(%arg0: i32, %arg1: memref<1x2x128x128xf32, #tpu.memory_space<vmem>>, %arg2: memref<4x128x128xf32, #tpu.memory_space<vmem>>, %arg3: memref<1x8x21xf32, #tpu.memory_space<smem>>, %arg4: memref<1x128x128xf32, #tpu.memory_space<vmem>>, %arg5: memref<1x1x16xf32, #tpu.memory_space<vmem>>, %arg6: memref<1x128x128xi32, #tpu.memory_space<vmem>>, %arg7: memref<1x8xf32, #tpu.memory_space<smem>>, %arg8: memref<8xf32, #tpu.memory_space<smem>>) attributes {dimension_semantics = [#tpu.dimension_semantics<arbitrary>], iteration_bounds = array<i64: 16>, scalar_prefetch = 0 : i64, scratch_operands = 1 : i64, tpu.core_type = #tpu.core_type<tc>, window_params = [{transform_indices = @transform_0, window_bounds = array<i64: 1, 2, 128, 128>}, {pipeline_mode = #tpu.pipeline_mode<synchronous>, transform_indices = @transform_1, window_bounds = array<i64: 4, 128, 128>}, {transform_indices = @transform_2, window_bounds = array<i64: 1, 8, 21>}, {transform_indices = @transform_3, window_bounds = array<i64: 1, 128, 128>}, {transform_indices = @transform_4, window_bounds = array<i64: 1, 1, 16>}, {transform_indices = @transform_5, window_bounds = array<i64: 1, 128, 128>}, {transform_indices = @transform_6, window_bounds = array<i64: 1, 8>}]} {
    %eq3A = arith.constant 0 : i32
    %eq3A_0 = arith.cmpi eq, %arg0, %eq3A : i32
    %convert_element_type3A = arith.extui %eq3A_0 : i1 to i32
    %cond3A = arith.constant 0 : i32
    %cond3A_1 = arith.cmpi ne, %convert_element_type3A, %cond3A : i32
    scf.if %cond3A_1 {
      %swap3A_683 = arith.constant 0.000000e+00 : f32
      %swap3A_684 = arith.constant 0 : index
      %swap3A_685 = memref.load %arg8[%swap3A_684] : memref<8xf32, #tpu.memory_space<smem>>
      memref.store %swap3A_683, %arg8[%swap3A_684] : memref<8xf32, #tpu.memory_space<smem>>
      %swap3A_686 = arith.constant 0.000000e+00 : f32
      %swap3A_687 = arith.constant 1 : index
      %swap3A_688 = memref.load %arg8[%swap3A_687] : memref<8xf32, #tpu.memory_space<smem>>
      memref.store %swap3A_686, %arg8[%swap3A_687] : memref<8xf32, #tpu.memory_space<smem>>
    } else {
    }
    %get3A = arith.constant 0 : index
    %get3A_2 = arith.constant 0 : index
    %get3A_3 = arith.constant 0 : index
    %get3A_4 = vector.load %arg2[%get3A, %get3A_2, %get3A_3] : memref<4x128x128xf32, #tpu.memory_space<vmem>>, vector<1x128x128xf32>
    %get3A_5 = vector.shape_cast %get3A_4 : vector<1x128x128xf32> to vector<128x128xf32>
    %get3A_6 = arith.constant 1 : index
    %get3A_7 = arith.constant 0 : index
    %get3A_8 = arith.constant 0 : index
    %get3A_9 = vector.load %arg2[%get3A_6, %get3A_7, %get3A_8] : memref<4x128x128xf32, #tpu.memory_space<vmem>>, vector<1x128x128xf32>
    %get3A_10 = vector.shape_cast %get3A_9 : vector<1x128x128xf32> to vector<128x128xf32>
    %get3A_11 = arith.constant 2 : index
    %get3A_12 = arith.constant 0 : index
    %get3A_13 = arith.constant 0 : index
    %get3A_14 = vector.load %arg2[%get3A_11, %get3A_12, %get3A_13] : memref<4x128x128xf32, #tpu.memory_space<vmem>>, vector<1x128x128xf32>
    %get3A_15 = vector.shape_cast %get3A_14 : vector<1x128x128xf32> to vector<128x128xf32>
    %get3A_16 = arith.constant 3 : index
    %get3A_17 = arith.constant 0 : index
    %get3A_18 = arith.constant 0 : index
    %get3A_19 = vector.load %arg2[%get3A_16, %get3A_17, %get3A_18] : memref<4x128x128xf32, #tpu.memory_space<vmem>>, vector<1x128x128xf32>
    %get3A_20 = vector.shape_cast %get3A_19 : vector<1x128x128xf32> to vector<128x128xf32>
    %mul3A = arith.constant 5.000000e-01 : f32
    %mul3A_21 = vector.broadcast %mul3A : f32 to vector<128x128xf32>
    %mul3A_22 = arith.mulf %get3A_15, %mul3A_21 : vector<128x128xf32>
    %sub3A = arith.subf %get3A_5, %mul3A_22 : vector<128x128xf32>
    %mul3A_23 = arith.constant 5.000000e-01 : f32
    %mul3A_24 = vector.broadcast %mul3A_23 : f32 to vector<128x128xf32>
    %mul3A_25 = arith.mulf %get3A_20, %mul3A_24 : vector<128x128xf32>
    %sub3A_26 = arith.subf %get3A_10, %mul3A_25 : vector<128x128xf32>
    %mul3A_27 = arith.constant 5.000000e-01 : f32
    %mul3A_28 = vector.broadcast %mul3A_27 : f32 to vector<128x128xf32>
    %mul3A_29 = arith.mulf %get3A_15, %mul3A_28 : vector<128x128xf32>
    %add3A = arith.addf %get3A_5, %mul3A_29 : vector<128x128xf32>
    %mul3A_30 = arith.constant 5.000000e-01 : f32
    %mul3A_31 = vector.broadcast %mul3A_30 : f32 to vector<128x128xf32>
    %mul3A_32 = arith.mulf %get3A_20, %mul3A_31 : vector<128x128xf32>
    %add3A_33 = arith.addf %get3A_10, %mul3A_32 : vector<128x128xf32>
    %mul3A_34 = arith.mulf %get3A_15, %get3A_20 : vector<128x128xf32>
    %iota3A = tpu.iota {dimensions = array<i32: 0>} : vector<128x128xi32>
    %mul3A_35 = arith.constant 128 : i32
    %mul3A_36 = vector.broadcast %mul3A_35 : i32 to vector<128x128xi32>
    %mul3A_37 = arith.muli %iota3A, %mul3A_36 : vector<128x128xi32>
    %iota3A_38 = tpu.iota {dimensions = array<i32: 1>} : vector<128x128xi32>
    %add3A_39 = arith.addi %mul3A_37, %iota3A_38 : vector<128x128xi32>
    %broadcast_in_dim3A = arith.constant -1.000000e+00 : f32
    %broadcast_in_dim3A_40 = vector.broadcast %broadcast_in_dim3A : f32 to vector<128x128xf32>
    %broadcast_in_dim3A_41 = arith.constant 0 : i32
    %broadcast_in_dim3A_42 = vector.broadcast %broadcast_in_dim3A_41 : i32 to vector<128x128xi32>
    %get3A_43 = arith.constant 0 : index
    %get3A_44 = arith.constant 0 : index
    %get3A_45 = arith.constant 0 : index
    %get3A_46 = memref.load %arg3[%get3A_43, %get3A_44, %get3A_45] : memref<1x8x21xf32, #tpu.memory_space<smem>>
    %get3A_47 = arith.constant 0 : index
    %get3A_48 = arith.constant 0 : index
    %get3A_49 = arith.constant 1 : index
    %get3A_50 = memref.load %arg3[%get3A_47, %get3A_48, %get3A_49] : memref<1x8x21xf32, #tpu.memory_space<smem>>
    %get3A_51 = arith.constant 0 : index
    %get3A_52 = arith.constant 0 : index
    %get3A_53 = arith.constant 2 : index
    %get3A_54 = memref.load %arg3[%get3A_51, %get3A_52, %get3A_53] : memref<1x8x21xf32, #tpu.memory_space<smem>>
    %get3A_55 = arith.constant 0 : index
    %get3A_56 = arith.constant 0 : index
    %get3A_57 = arith.constant 3 : index
    %get3A_58 = memref.load %arg3[%get3A_55, %get3A_56, %get3A_57] : memref<1x8x21xf32, #tpu.memory_space<smem>>
    %min3A = vector.broadcast %get3A_54 : f32 to vector<128x128xf32>
    %min3A_59 = arith.minimumf %add3A, %min3A : vector<128x128xf32>
    %max3A = vector.broadcast %get3A_46 : f32 to vector<128x128xf32>
    %max3A_60 = arith.maximumf %sub3A, %max3A : vector<128x128xf32>
    %sub3A_61 = arith.subf %min3A_59, %max3A_60 : vector<128x128xf32>
    %max3A_62 = arith.constant 0.000000e+00 : f32
    %max3A_63 = vector.broadcast %max3A_62 : f32 to vector<128x128xf32>
    %max3A_64 = arith.maximumf %sub3A_61, %max3A_63 : vector<128x128xf32>
    %min3A_65 = vector.broadcast %get3A_58 : f32 to vector<128x128xf32>
    %min3A_66 = arith.minimumf %add3A_33, %min3A_65 : vector<128x128xf32>
    %max3A_67 = vector.broadcast %get3A_50 : f32 to vector<128x128xf32>
    %max3A_68 = arith.maximumf %sub3A_26, %max3A_67 : vector<128x128xf32>
    %sub3A_69 = arith.subf %min3A_66, %max3A_68 : vector<128x128xf32>
    %max3A_70 = arith.constant 0.000000e+00 : f32
    %max3A_71 = vector.broadcast %max3A_70 : f32 to vector<128x128xf32>
    %max3A_72 = arith.maximumf %sub3A_69, %max3A_71 : vector<128x128xf32>
    %mul3A_73 = arith.mulf %max3A_64, %max3A_72 : vector<128x128xf32>
    %sub3A_74 = arith.subf %get3A_54, %get3A_46 : f32
    %sub3A_75 = arith.subf %get3A_58, %get3A_50 : f32
    %mul3A_76 = arith.mulf %sub3A_74, %sub3A_75 : f32
    %add3A_77 = vector.broadcast %mul3A_76 : f32 to vector<128x128xf32>
    %add3A_78 = arith.addf %add3A_77, %mul3A_34 : vector<128x128xf32>
    %sub3A_79 = arith.subf %add3A_78, %mul3A_73 : vector<128x128xf32>
    %add3A_80 = arith.constant 9.99999996E-13 : f32
    %add3A_81 = vector.broadcast %add3A_80 : f32 to vector<128x128xf32>
    %add3A_82 = arith.addf %sub3A_79, %add3A_81 : vector<128x128xf32>
    %div3A = arith.divf %mul3A_73, %add3A_82 : vector<128x128xf32>
    %reduce_max3A = vector.shape_cast %div3A : vector<128x128xf32> to vector<1x128x128xf32>
    %reduce_max3A_83 = arith.constant dense<0xFF800000> : vector<1xf32>
    %reduce_max3A_84 = vector.multi_reduction <maximumf>, %reduce_max3A, %reduce_max3A_83 [1, 2] : vector<1x128x128xf32> to vector<1xf32>
    %reduce_max3A_85 = vector.shape_cast %reduce_max3A_84 : vector<1xf32> to vector<1x1x1xf32>
    %reduce_max3A_86 = vector.extract %reduce_max3A_85[0, 0, 0] : f32 from vector<1x1x1xf32>
    %eq3A_87 = vector.broadcast %reduce_max3A_86 : f32 to vector<128x128xf32>
    %eq3A_88 = arith.cmpf oeq, %div3A, %eq3A_87 : vector<128x128xf32>
    %jit3A = arith.constant 16384 : i32
    %broadcast_in_dim3A_89 = vector.broadcast %jit3A : i32 to vector<128x128xi32>
    %select_n3A = arith.select %eq3A_88, %add3A_39, %broadcast_in_dim3A_89 : vector<128x128xi1>, vector<128x128xi32>
    %reduce_min3A = vector.shape_cast %select_n3A : vector<128x128xi32> to vector<1x128x128xi32>
    %reduce_min3A_90 = arith.constant dense<2147483647> : vector<1xi32>
    %reduce_min3A_91 = vector.multi_reduction <minsi>, %reduce_min3A, %reduce_min3A_90 [1, 2] : vector<1x128x128xi32> to vector<1xi32>
    %reduce_min3A_92 = vector.shape_cast %reduce_min3A_91 : vector<1xi32> to vector<1x1x1xi32>
    %reduce_min3A_93 = vector.extract %reduce_min3A_92[0, 0, 0] : i32 from vector<1x1x1xi32>
    %gt3A = arith.cmpf ogt, %div3A, %broadcast_in_dim3A_40 : vector<128x128xf32>
    %select_n3A_94 = arith.select %gt3A, %div3A, %broadcast_in_dim3A_40 : vector<128x128xi1>, vector<128x128xf32>
    %jit3A_95 = arith.constant 0 : i32
    %broadcast_in_dim3A_96 = vector.broadcast %jit3A_95 : i32 to vector<128x128xi32>
    %select_n3A_97 = arith.select %gt3A, %broadcast_in_dim3A_96, %broadcast_in_dim3A_42 : vector<128x128xi1>, vector<128x128xi32>
    %get3A_98 = arith.constant 0 : index
    %get3A_99 = arith.constant 1 : index
    %get3A_100 = arith.constant 0 : index
    %get3A_101 = memref.load %arg3[%get3A_98, %get3A_99, %get3A_100] : memref<1x8x21xf32, #tpu.memory_space<smem>>
    %get3A_102 = arith.constant 0 : index
    %get3A_103 = arith.constant 1 : index
    %get3A_104 = arith.constant 1 : index
    %get3A_105 = memref.load %arg3[%get3A_102, %get3A_103, %get3A_104] : memref<1x8x21xf32, #tpu.memory_space<smem>>
    %get3A_106 = arith.constant 0 : index
    %get3A_107 = arith.constant 1 : index
    %get3A_108 = arith.constant 2 : index
    %get3A_109 = memref.load %arg3[%get3A_106, %get3A_107, %get3A_108] : memref<1x8x21xf32, #tpu.memory_space<smem>>
    %get3A_110 = arith.constant 0 : index
    %get3A_111 = arith.constant 1 : index
    %get3A_112 = arith.constant 3 : index
    %get3A_113 = memref.load %arg3[%get3A_110, %get3A_111, %get3A_112] : memref<1x8x21xf32, #tpu.memory_space<smem>>
    %min3A_114 = vector.broadcast %get3A_109 : f32 to vector<128x128xf32>
    %min3A_115 = arith.minimumf %add3A, %min3A_114 : vector<128x128xf32>
    %max3A_116 = vector.broadcast %get3A_101 : f32 to vector<128x128xf32>
    %max3A_117 = arith.maximumf %sub3A, %max3A_116 : vector<128x128xf32>
    %sub3A_118 = arith.subf %min3A_115, %max3A_117 : vector<128x128xf32>
    %max3A_119 = arith.constant 0.000000e+00 : f32
    %max3A_120 = vector.broadcast %max3A_119 : f32 to vector<128x128xf32>
    %max3A_121 = arith.maximumf %sub3A_118, %max3A_120 : vector<128x128xf32>
    %min3A_122 = vector.broadcast %get3A_113 : f32 to vector<128x128xf32>
    %min3A_123 = arith.minimumf %add3A_33, %min3A_122 : vector<128x128xf32>
    %max3A_124 = vector.broadcast %get3A_105 : f32 to vector<128x128xf32>
    %max3A_125 = arith.maximumf %sub3A_26, %max3A_124 : vector<128x128xf32>
    %sub3A_126 = arith.subf %min3A_123, %max3A_125 : vector<128x128xf32>
    %max3A_127 = arith.constant 0.000000e+00 : f32
    %max3A_128 = vector.broadcast %max3A_127 : f32 to vector<128x128xf32>
    %max3A_129 = arith.maximumf %sub3A_126, %max3A_128 : vector<128x128xf32>
    %mul3A_130 = arith.mulf %max3A_121, %max3A_129 : vector<128x128xf32>
    %sub3A_131 = arith.subf %get3A_109, %get3A_101 : f32
    %sub3A_132 = arith.subf %get3A_113, %get3A_105 : f32
    %mul3A_133 = arith.mulf %sub3A_131, %sub3A_132 : f32
    %add3A_134 = vector.broadcast %mul3A_133 : f32 to vector<128x128xf32>
    %add3A_135 = arith.addf %add3A_134, %mul3A_34 : vector<128x128xf32>
    %sub3A_136 = arith.subf %add3A_135, %mul3A_130 : vector<128x128xf32>
    %add3A_137 = arith.constant 9.99999996E-13 : f32
    %add3A_138 = vector.broadcast %add3A_137 : f32 to vector<128x128xf32>
    %add3A_139 = arith.addf %sub3A_136, %add3A_138 : vector<128x128xf32>
    %div3A_140 = arith.divf %mul3A_130, %add3A_139 : vector<128x128xf32>
    %reduce_max3A_141 = vector.shape_cast %div3A_140 : vector<128x128xf32> to vector<1x128x128xf32>
    %reduce_max3A_142 = arith.constant dense<0xFF800000> : vector<1xf32>
    %reduce_max3A_143 = vector.multi_reduction <maximumf>, %reduce_max3A_141, %reduce_max3A_142 [1, 2] : vector<1x128x128xf32> to vector<1xf32>
    %reduce_max3A_144 = vector.shape_cast %reduce_max3A_143 : vector<1xf32> to vector<1x1x1xf32>
    %reduce_max3A_145 = vector.extract %reduce_max3A_144[0, 0, 0] : f32 from vector<1x1x1xf32>
    %eq3A_146 = vector.broadcast %reduce_max3A_145 : f32 to vector<128x128xf32>
    %eq3A_147 = arith.cmpf oeq, %div3A_140, %eq3A_146 : vector<128x128xf32>
    %jit3A_148 = arith.constant 16384 : i32
    %broadcast_in_dim3A_149 = vector.broadcast %jit3A_148 : i32 to vector<128x128xi32>
    %select_n3A_150 = arith.select %eq3A_147, %add3A_39, %broadcast_in_dim3A_149 : vector<128x128xi1>, vector<128x128xi32>
    %reduce_min3A_151 = vector.shape_cast %select_n3A_150 : vector<128x128xi32> to vector<1x128x128xi32>
    %reduce_min3A_152 = arith.constant dense<2147483647> : vector<1xi32>
    %reduce_min3A_153 = vector.multi_reduction <minsi>, %reduce_min3A_151, %reduce_min3A_152 [1, 2] : vector<1x128x128xi32> to vector<1xi32>
    %reduce_min3A_154 = vector.shape_cast %reduce_min3A_153 : vector<1xi32> to vector<1x1x1xi32>
    %reduce_min3A_155 = vector.extract %reduce_min3A_154[0, 0, 0] : i32 from vector<1x1x1xi32>
    %gt3A_156 = arith.cmpf ogt, %div3A_140, %select_n3A_94 : vector<128x128xf32>
    %select_n3A_157 = arith.select %gt3A_156, %div3A_140, %select_n3A_94 : vector<128x128xi1>, vector<128x128xf32>
    %jit3A_158 = arith.constant 1 : i32
    %broadcast_in_dim3A_159 = vector.broadcast %jit3A_158 : i32 to vector<128x128xi32>
    %select_n3A_160 = arith.select %gt3A_156, %broadcast_in_dim3A_159, %select_n3A_97 : vector<128x128xi1>, vector<128x128xi32>
    %get3A_161 = arith.constant 0 : index
    %get3A_162 = arith.constant 2 : index
    %get3A_163 = arith.constant 0 : index
    %get3A_164 = memref.load %arg3[%get3A_161, %get3A_162, %get3A_163] : memref<1x8x21xf32, #tpu.memory_space<smem>>
    %get3A_165 = arith.constant 0 : index
    %get3A_166 = arith.constant 2 : index
    %get3A_167 = arith.constant 1 : index
    %get3A_168 = memref.load %arg3[%get3A_165, %get3A_166, %get3A_167] : memref<1x8x21xf32, #tpu.memory_space<smem>>
    %get3A_169 = arith.constant 0 : index
    %get3A_170 = arith.constant 2 : index
    %get3A_171 = arith.constant 2 : index
    %get3A_172 = memref.load %arg3[%get3A_169, %get3A_170, %get3A_171] : memref<1x8x21xf32, #tpu.memory_space<smem>>
    %get3A_173 = arith.constant 0 : index
    %get3A_174 = arith.constant 2 : index
    %get3A_175 = arith.constant 3 : index
    %get3A_176 = memref.load %arg3[%get3A_173, %get3A_174, %get3A_175] : memref<1x8x21xf32, #tpu.memory_space<smem>>
    %min3A_177 = vector.broadcast %get3A_172 : f32 to vector<128x128xf32>
    %min3A_178 = arith.minimumf %add3A, %min3A_177 : vector<128x128xf32>
    %max3A_179 = vector.broadcast %get3A_164 : f32 to vector<128x128xf32>
    %max3A_180 = arith.maximumf %sub3A, %max3A_179 : vector<128x128xf32>
    %sub3A_181 = arith.subf %min3A_178, %max3A_180 : vector<128x128xf32>
    %max3A_182 = arith.constant 0.000000e+00 : f32
    %max3A_183 = vector.broadcast %max3A_182 : f32 to vector<128x128xf32>
    %max3A_184 = arith.maximumf %sub3A_181, %max3A_183 : vector<128x128xf32>
    %min3A_185 = vector.broadcast %get3A_176 : f32 to vector<128x128xf32>
    %min3A_186 = arith.minimumf %add3A_33, %min3A_185 : vector<128x128xf32>
    %max3A_187 = vector.broadcast %get3A_168 : f32 to vector<128x128xf32>
    %max3A_188 = arith.maximumf %sub3A_26, %max3A_187 : vector<128x128xf32>
    %sub3A_189 = arith.subf %min3A_186, %max3A_188 : vector<128x128xf32>
    %max3A_190 = arith.constant 0.000000e+00 : f32
    %max3A_191 = vector.broadcast %max3A_190 : f32 to vector<128x128xf32>
    %max3A_192 = arith.maximumf %sub3A_189, %max3A_191 : vector<128x128xf32>
    %mul3A_193 = arith.mulf %max3A_184, %max3A_192 : vector<128x128xf32>
    %sub3A_194 = arith.subf %get3A_172, %get3A_164 : f32
    %sub3A_195 = arith.subf %get3A_176, %get3A_168 : f32
    %mul3A_196 = arith.mulf %sub3A_194, %sub3A_195 : f32
    %add3A_197 = vector.broadcast %mul3A_196 : f32 to vector<128x128xf32>
    %add3A_198 = arith.addf %add3A_197, %mul3A_34 : vector<128x128xf32>
    %sub3A_199 = arith.subf %add3A_198, %mul3A_193 : vector<128x128xf32>
    %add3A_200 = arith.constant 9.99999996E-13 : f32
    %add3A_201 = vector.broadcast %add3A_200 : f32 to vector<128x128xf32>
    %add3A_202 = arith.addf %sub3A_199, %add3A_201 : vector<128x128xf32>
    %div3A_203 = arith.divf %mul3A_193, %add3A_202 : vector<128x128xf32>
    %reduce_max3A_204 = vector.shape_cast %div3A_203 : vector<128x128xf32> to vector<1x128x128xf32>
    %reduce_max3A_205 = arith.constant dense<0xFF800000> : vector<1xf32>
    %reduce_max3A_206 = vector.multi_reduction <maximumf>, %reduce_max3A_204, %reduce_max3A_205 [1, 2] : vector<1x128x128xf32> to vector<1xf32>
    %reduce_max3A_207 = vector.shape_cast %reduce_max3A_206 : vector<1xf32> to vector<1x1x1xf32>
    %reduce_max3A_208 = vector.extract %reduce_max3A_207[0, 0, 0] : f32 from vector<1x1x1xf32>
    %eq3A_209 = vector.broadcast %reduce_max3A_208 : f32 to vector<128x128xf32>
    %eq3A_210 = arith.cmpf oeq, %div3A_203, %eq3A_209 : vector<128x128xf32>
    %jit3A_211 = arith.constant 16384 : i32
    %broadcast_in_dim3A_212 = vector.broadcast %jit3A_211 : i32 to vector<128x128xi32>
    %select_n3A_213 = arith.select %eq3A_210, %add3A_39, %broadcast_in_dim3A_212 : vector<128x128xi1>, vector<128x128xi32>
    %reduce_min3A_214 = vector.shape_cast %select_n3A_213 : vector<128x128xi32> to vector<1x128x128xi32>
    %reduce_min3A_215 = arith.constant dense<2147483647> : vector<1xi32>
    %reduce_min3A_216 = vector.multi_reduction <minsi>, %reduce_min3A_214, %reduce_min3A_215 [1, 2] : vector<1x128x128xi32> to vector<1xi32>
    %reduce_min3A_217 = vector.shape_cast %reduce_min3A_216 : vector<1xi32> to vector<1x1x1xi32>
    %reduce_min3A_218 = vector.extract %reduce_min3A_217[0, 0, 0] : i32 from vector<1x1x1xi32>
    %gt3A_219 = arith.cmpf ogt, %div3A_203, %select_n3A_157 : vector<128x128xf32>
    %select_n3A_220 = arith.select %gt3A_219, %div3A_203, %select_n3A_157 : vector<128x128xi1>, vector<128x128xf32>
    %jit3A_221 = arith.constant 2 : i32
    %broadcast_in_dim3A_222 = vector.broadcast %jit3A_221 : i32 to vector<128x128xi32>
    %select_n3A_223 = arith.select %gt3A_219, %broadcast_in_dim3A_222, %select_n3A_160 : vector<128x128xi1>, vector<128x128xi32>
    %get3A_224 = arith.constant 0 : index
    %get3A_225 = arith.constant 3 : index
    %get3A_226 = arith.constant 0 : index
    %get3A_227 = memref.load %arg3[%get3A_224, %get3A_225, %get3A_226] : memref<1x8x21xf32, #tpu.memory_space<smem>>
    %get3A_228 = arith.constant 0 : index
    %get3A_229 = arith.constant 3 : index
    %get3A_230 = arith.constant 1 : index
    %get3A_231 = memref.load %arg3[%get3A_228, %get3A_229, %get3A_230] : memref<1x8x21xf32, #tpu.memory_space<smem>>
    %get3A_232 = arith.constant 0 : index
    %get3A_233 = arith.constant 3 : index
    %get3A_234 = arith.constant 2 : index
    %get3A_235 = memref.load %arg3[%get3A_232, %get3A_233, %get3A_234] : memref<1x8x21xf32, #tpu.memory_space<smem>>
    %get3A_236 = arith.constant 0 : index
    %get3A_237 = arith.constant 3 : index
    %get3A_238 = arith.constant 3 : index
    %get3A_239 = memref.load %arg3[%get3A_236, %get3A_237, %get3A_238] : memref<1x8x21xf32, #tpu.memory_space<smem>>
    %min3A_240 = vector.broadcast %get3A_235 : f32 to vector<128x128xf32>
    %min3A_241 = arith.minimumf %add3A, %min3A_240 : vector<128x128xf32>
    %max3A_242 = vector.broadcast %get3A_227 : f32 to vector<128x128xf32>
    %max3A_243 = arith.maximumf %sub3A, %max3A_242 : vector<128x128xf32>
    %sub3A_244 = arith.subf %min3A_241, %max3A_243 : vector<128x128xf32>
    %max3A_245 = arith.constant 0.000000e+00 : f32
    %max3A_246 = vector.broadcast %max3A_245 : f32 to vector<128x128xf32>
    %max3A_247 = arith.maximumf %sub3A_244, %max3A_246 : vector<128x128xf32>
    %min3A_248 = vector.broadcast %get3A_239 : f32 to vector<128x128xf32>
    %min3A_249 = arith.minimumf %add3A_33, %min3A_248 : vector<128x128xf32>
    %max3A_250 = vector.broadcast %get3A_231 : f32 to vector<128x128xf32>
    %max3A_251 = arith.maximumf %sub3A_26, %max3A_250 : vector<128x128xf32>
    %sub3A_252 = arith.subf %min3A_249, %max3A_251 : vector<128x128xf32>
    %max3A_253 = arith.constant 0.000000e+00 : f32
    %max3A_254 = vector.broadcast %max3A_253 : f32 to vector<128x128xf32>
    %max3A_255 = arith.maximumf %sub3A_252, %max3A_254 : vector<128x128xf32>
    %mul3A_256 = arith.mulf %max3A_247, %max3A_255 : vector<128x128xf32>
    %sub3A_257 = arith.subf %get3A_235, %get3A_227 : f32
    %sub3A_258 = arith.subf %get3A_239, %get3A_231 : f32
    %mul3A_259 = arith.mulf %sub3A_257, %sub3A_258 : f32
    %add3A_260 = vector.broadcast %mul3A_259 : f32 to vector<128x128xf32>
    %add3A_261 = arith.addf %add3A_260, %mul3A_34 : vector<128x128xf32>
    %sub3A_262 = arith.subf %add3A_261, %mul3A_256 : vector<128x128xf32>
    %add3A_263 = arith.constant 9.99999996E-13 : f32
    %add3A_264 = vector.broadcast %add3A_263 : f32 to vector<128x128xf32>
    %add3A_265 = arith.addf %sub3A_262, %add3A_264 : vector<128x128xf32>
    %div3A_266 = arith.divf %mul3A_256, %add3A_265 : vector<128x128xf32>
    %reduce_max3A_267 = vector.shape_cast %div3A_266 : vector<128x128xf32> to vector<1x128x128xf32>
    %reduce_max3A_268 = arith.constant dense<0xFF800000> : vector<1xf32>
    %reduce_max3A_269 = vector.multi_reduction <maximumf>, %reduce_max3A_267, %reduce_max3A_268 [1, 2] : vector<1x128x128xf32> to vector<1xf32>
    %reduce_max3A_270 = vector.shape_cast %reduce_max3A_269 : vector<1xf32> to vector<1x1x1xf32>
    %reduce_max3A_271 = vector.extract %reduce_max3A_270[0, 0, 0] : f32 from vector<1x1x1xf32>
    %eq3A_272 = vector.broadcast %reduce_max3A_271 : f32 to vector<128x128xf32>
    %eq3A_273 = arith.cmpf oeq, %div3A_266, %eq3A_272 : vector<128x128xf32>
    %jit3A_274 = arith.constant 16384 : i32
    %broadcast_in_dim3A_275 = vector.broadcast %jit3A_274 : i32 to vector<128x128xi32>
    %select_n3A_276 = arith.select %eq3A_273, %add3A_39, %broadcast_in_dim3A_275 : vector<128x128xi1>, vector<128x128xi32>
    %reduce_min3A_277 = vector.shape_cast %select_n3A_276 : vector<128x128xi32> to vector<1x128x128xi32>
    %reduce_min3A_278 = arith.constant dense<2147483647> : vector<1xi32>
    %reduce_min3A_279 = vector.multi_reduction <minsi>, %reduce_min3A_277, %reduce_min3A_278 [1, 2] : vector<1x128x128xi32> to vector<1xi32>
    %reduce_min3A_280 = vector.shape_cast %reduce_min3A_279 : vector<1xi32> to vector<1x1x1xi32>
    %reduce_min3A_281 = vector.extract %reduce_min3A_280[0, 0, 0] : i32 from vector<1x1x1xi32>
    %gt3A_282 = arith.cmpf ogt, %div3A_266, %select_n3A_220 : vector<128x128xf32>
    %select_n3A_283 = arith.select %gt3A_282, %div3A_266, %select_n3A_220 : vector<128x128xi1>, vector<128x128xf32>
    %jit3A_284 = arith.constant 3 : i32
    %broadcast_in_dim3A_285 = vector.broadcast %jit3A_284 : i32 to vector<128x128xi32>
    %select_n3A_286 = arith.select %gt3A_282, %broadcast_in_dim3A_285, %select_n3A_223 : vector<128x128xi1>, vector<128x128xi32>
    %get3A_287 = arith.constant 0 : index
    %get3A_288 = arith.constant 4 : index
    %get3A_289 = arith.constant 0 : index
    %get3A_290 = memref.load %arg3[%get3A_287, %get3A_288, %get3A_289] : memref<1x8x21xf32, #tpu.memory_space<smem>>
    %get3A_291 = arith.constant 0 : index
    %get3A_292 = arith.constant 4 : index
    %get3A_293 = arith.constant 1 : index
    %get3A_294 = memref.load %arg3[%get3A_291, %get3A_292, %get3A_293] : memref<1x8x21xf32, #tpu.memory_space<smem>>
    %get3A_295 = arith.constant 0 : index
    %get3A_296 = arith.constant 4 : index
    %get3A_297 = arith.constant 2 : index
    %get3A_298 = memref.load %arg3[%get3A_295, %get3A_296, %get3A_297] : memref<1x8x21xf32, #tpu.memory_space<smem>>
    %get3A_299 = arith.constant 0 : index
    %get3A_300 = arith.constant 4 : index
    %get3A_301 = arith.constant 3 : index
    %get3A_302 = memref.load %arg3[%get3A_299, %get3A_300, %get3A_301] : memref<1x8x21xf32, #tpu.memory_space<smem>>
    %min3A_303 = vector.broadcast %get3A_298 : f32 to vector<128x128xf32>
    %min3A_304 = arith.minimumf %add3A, %min3A_303 : vector<128x128xf32>
    %max3A_305 = vector.broadcast %get3A_290 : f32 to vector<128x128xf32>
    %max3A_306 = arith.maximumf %sub3A, %max3A_305 : vector<128x128xf32>
    %sub3A_307 = arith.subf %min3A_304, %max3A_306 : vector<128x128xf32>
    %max3A_308 = arith.constant 0.000000e+00 : f32
    %max3A_309 = vector.broadcast %max3A_308 : f32 to vector<128x128xf32>
    %max3A_310 = arith.maximumf %sub3A_307, %max3A_309 : vector<128x128xf32>
    %min3A_311 = vector.broadcast %get3A_302 : f32 to vector<128x128xf32>
    %min3A_312 = arith.minimumf %add3A_33, %min3A_311 : vector<128x128xf32>
    %max3A_313 = vector.broadcast %get3A_294 : f32 to vector<128x128xf32>
    %max3A_314 = arith.maximumf %sub3A_26, %max3A_313 : vector<128x128xf32>
    %sub3A_315 = arith.subf %min3A_312, %max3A_314 : vector<128x128xf32>
    %max3A_316 = arith.constant 0.000000e+00 : f32
    %max3A_317 = vector.broadcast %max3A_316 : f32 to vector<128x128xf32>
    %max3A_318 = arith.maximumf %sub3A_315, %max3A_317 : vector<128x128xf32>
    %mul3A_319 = arith.mulf %max3A_310, %max3A_318 : vector<128x128xf32>
    %sub3A_320 = arith.subf %get3A_298, %get3A_290 : f32
    %sub3A_321 = arith.subf %get3A_302, %get3A_294 : f32
    %mul3A_322 = arith.mulf %sub3A_320, %sub3A_321 : f32
    %add3A_323 = vector.broadcast %mul3A_322 : f32 to vector<128x128xf32>
    %add3A_324 = arith.addf %add3A_323, %mul3A_34 : vector<128x128xf32>
    %sub3A_325 = arith.subf %add3A_324, %mul3A_319 : vector<128x128xf32>
    %add3A_326 = arith.constant 9.99999996E-13 : f32
    %add3A_327 = vector.broadcast %add3A_326 : f32 to vector<128x128xf32>
    %add3A_328 = arith.addf %sub3A_325, %add3A_327 : vector<128x128xf32>
    %div3A_329 = arith.divf %mul3A_319, %add3A_328 : vector<128x128xf32>
    %reduce_max3A_330 = vector.shape_cast %div3A_329 : vector<128x128xf32> to vector<1x128x128xf32>
    %reduce_max3A_331 = arith.constant dense<0xFF800000> : vector<1xf32>
    %reduce_max3A_332 = vector.multi_reduction <maximumf>, %reduce_max3A_330, %reduce_max3A_331 [1, 2] : vector<1x128x128xf32> to vector<1xf32>
    %reduce_max3A_333 = vector.shape_cast %reduce_max3A_332 : vector<1xf32> to vector<1x1x1xf32>
    %reduce_max3A_334 = vector.extract %reduce_max3A_333[0, 0, 0] : f32 from vector<1x1x1xf32>
    %eq3A_335 = vector.broadcast %reduce_max3A_334 : f32 to vector<128x128xf32>
    %eq3A_336 = arith.cmpf oeq, %div3A_329, %eq3A_335 : vector<128x128xf32>
    %jit3A_337 = arith.constant 16384 : i32
    %broadcast_in_dim3A_338 = vector.broadcast %jit3A_337 : i32 to vector<128x128xi32>
    %select_n3A_339 = arith.select %eq3A_336, %add3A_39, %broadcast_in_dim3A_338 : vector<128x128xi1>, vector<128x128xi32>
    %reduce_min3A_340 = vector.shape_cast %select_n3A_339 : vector<128x128xi32> to vector<1x128x128xi32>
    %reduce_min3A_341 = arith.constant dense<2147483647> : vector<1xi32>
    %reduce_min3A_342 = vector.multi_reduction <minsi>, %reduce_min3A_340, %reduce_min3A_341 [1, 2] : vector<1x128x128xi32> to vector<1xi32>
    %reduce_min3A_343 = vector.shape_cast %reduce_min3A_342 : vector<1xi32> to vector<1x1x1xi32>
    %reduce_min3A_344 = vector.extract %reduce_min3A_343[0, 0, 0] : i32 from vector<1x1x1xi32>
    %gt3A_345 = arith.cmpf ogt, %div3A_329, %select_n3A_283 : vector<128x128xf32>
    %select_n3A_346 = arith.select %gt3A_345, %div3A_329, %select_n3A_283 : vector<128x128xi1>, vector<128x128xf32>
    %jit3A_347 = arith.constant 4 : i32
    %broadcast_in_dim3A_348 = vector.broadcast %jit3A_347 : i32 to vector<128x128xi32>
    %select_n3A_349 = arith.select %gt3A_345, %broadcast_in_dim3A_348, %select_n3A_286 : vector<128x128xi1>, vector<128x128xi32>
    %get3A_350 = arith.constant 0 : index
    %get3A_351 = arith.constant 5 : index
    %get3A_352 = arith.constant 0 : index
    %get3A_353 = memref.load %arg3[%get3A_350, %get3A_351, %get3A_352] : memref<1x8x21xf32, #tpu.memory_space<smem>>
    %get3A_354 = arith.constant 0 : index
    %get3A_355 = arith.constant 5 : index
    %get3A_356 = arith.constant 1 : index
    %get3A_357 = memref.load %arg3[%get3A_354, %get3A_355, %get3A_356] : memref<1x8x21xf32, #tpu.memory_space<smem>>
    %get3A_358 = arith.constant 0 : index
    %get3A_359 = arith.constant 5 : index
    %get3A_360 = arith.constant 2 : index
    %get3A_361 = memref.load %arg3[%get3A_358, %get3A_359, %get3A_360] : memref<1x8x21xf32, #tpu.memory_space<smem>>
    %get3A_362 = arith.constant 0 : index
    %get3A_363 = arith.constant 5 : index
    %get3A_364 = arith.constant 3 : index
    %get3A_365 = memref.load %arg3[%get3A_362, %get3A_363, %get3A_364] : memref<1x8x21xf32, #tpu.memory_space<smem>>
    %min3A_366 = vector.broadcast %get3A_361 : f32 to vector<128x128xf32>
    %min3A_367 = arith.minimumf %add3A, %min3A_366 : vector<128x128xf32>
    %max3A_368 = vector.broadcast %get3A_353 : f32 to vector<128x128xf32>
    %max3A_369 = arith.maximumf %sub3A, %max3A_368 : vector<128x128xf32>
    %sub3A_370 = arith.subf %min3A_367, %max3A_369 : vector<128x128xf32>
    %max3A_371 = arith.constant 0.000000e+00 : f32
    %max3A_372 = vector.broadcast %max3A_371 : f32 to vector<128x128xf32>
    %max3A_373 = arith.maximumf %sub3A_370, %max3A_372 : vector<128x128xf32>
    %min3A_374 = vector.broadcast %get3A_365 : f32 to vector<128x128xf32>
    %min3A_375 = arith.minimumf %add3A_33, %min3A_374 : vector<128x128xf32>
    %max3A_376 = vector.broadcast %get3A_357 : f32 to vector<128x128xf32>
    %max3A_377 = arith.maximumf %sub3A_26, %max3A_376 : vector<128x128xf32>
    %sub3A_378 = arith.subf %min3A_375, %max3A_377 : vector<128x128xf32>
    %max3A_379 = arith.constant 0.000000e+00 : f32
    %max3A_380 = vector.broadcast %max3A_379 : f32 to vector<128x128xf32>
    %max3A_381 = arith.maximumf %sub3A_378, %max3A_380 : vector<128x128xf32>
    %mul3A_382 = arith.mulf %max3A_373, %max3A_381 : vector<128x128xf32>
    %sub3A_383 = arith.subf %get3A_361, %get3A_353 : f32
    %sub3A_384 = arith.subf %get3A_365, %get3A_357 : f32
    %mul3A_385 = arith.mulf %sub3A_383, %sub3A_384 : f32
    %add3A_386 = vector.broadcast %mul3A_385 : f32 to vector<128x128xf32>
    %add3A_387 = arith.addf %add3A_386, %mul3A_34 : vector<128x128xf32>
    %sub3A_388 = arith.subf %add3A_387, %mul3A_382 : vector<128x128xf32>
    %add3A_389 = arith.constant 9.99999996E-13 : f32
    %add3A_390 = vector.broadcast %add3A_389 : f32 to vector<128x128xf32>
    %add3A_391 = arith.addf %sub3A_388, %add3A_390 : vector<128x128xf32>
    %div3A_392 = arith.divf %mul3A_382, %add3A_391 : vector<128x128xf32>
    %reduce_max3A_393 = vector.shape_cast %div3A_392 : vector<128x128xf32> to vector<1x128x128xf32>
    %reduce_max3A_394 = arith.constant dense<0xFF800000> : vector<1xf32>
    %reduce_max3A_395 = vector.multi_reduction <maximumf>, %reduce_max3A_393, %reduce_max3A_394 [1, 2] : vector<1x128x128xf32> to vector<1xf32>
    %reduce_max3A_396 = vector.shape_cast %reduce_max3A_395 : vector<1xf32> to vector<1x1x1xf32>
    %reduce_max3A_397 = vector.extract %reduce_max3A_396[0, 0, 0] : f32 from vector<1x1x1xf32>
    %eq3A_398 = vector.broadcast %reduce_max3A_397 : f32 to vector<128x128xf32>
    %eq3A_399 = arith.cmpf oeq, %div3A_392, %eq3A_398 : vector<128x128xf32>
    %jit3A_400 = arith.constant 16384 : i32
    %broadcast_in_dim3A_401 = vector.broadcast %jit3A_400 : i32 to vector<128x128xi32>
    %select_n3A_402 = arith.select %eq3A_399, %add3A_39, %broadcast_in_dim3A_401 : vector<128x128xi1>, vector<128x128xi32>
    %reduce_min3A_403 = vector.shape_cast %select_n3A_402 : vector<128x128xi32> to vector<1x128x128xi32>
    %reduce_min3A_404 = arith.constant dense<2147483647> : vector<1xi32>
    %reduce_min3A_405 = vector.multi_reduction <minsi>, %reduce_min3A_403, %reduce_min3A_404 [1, 2] : vector<1x128x128xi32> to vector<1xi32>
    %reduce_min3A_406 = vector.shape_cast %reduce_min3A_405 : vector<1xi32> to vector<1x1x1xi32>
    %reduce_min3A_407 = vector.extract %reduce_min3A_406[0, 0, 0] : i32 from vector<1x1x1xi32>
    %gt3A_408 = arith.cmpf ogt, %div3A_392, %select_n3A_346 : vector<128x128xf32>
    %select_n3A_409 = arith.select %gt3A_408, %div3A_392, %select_n3A_346 : vector<128x128xi1>, vector<128x128xf32>
    %jit3A_410 = arith.constant 5 : i32
    %broadcast_in_dim3A_411 = vector.broadcast %jit3A_410 : i32 to vector<128x128xi32>
    %select_n3A_412 = arith.select %gt3A_408, %broadcast_in_dim3A_411, %select_n3A_349 : vector<128x128xi1>, vector<128x128xi32>
    %get3A_413 = arith.constant 0 : index
    %get3A_414 = arith.constant 6 : index
    %get3A_415 = arith.constant 0 : index
    %get3A_416 = memref.load %arg3[%get3A_413, %get3A_414, %get3A_415] : memref<1x8x21xf32, #tpu.memory_space<smem>>
    %get3A_417 = arith.constant 0 : index
    %get3A_418 = arith.constant 6 : index
    %get3A_419 = arith.constant 1 : index
    %get3A_420 = memref.load %arg3[%get3A_417, %get3A_418, %get3A_419] : memref<1x8x21xf32, #tpu.memory_space<smem>>
    %get3A_421 = arith.constant 0 : index
    %get3A_422 = arith.constant 6 : index
    %get3A_423 = arith.constant 2 : index
    %get3A_424 = memref.load %arg3[%get3A_421, %get3A_422, %get3A_423] : memref<1x8x21xf32, #tpu.memory_space<smem>>
    %get3A_425 = arith.constant 0 : index
    %get3A_426 = arith.constant 6 : index
    %get3A_427 = arith.constant 3 : index
    %get3A_428 = memref.load %arg3[%get3A_425, %get3A_426, %get3A_427] : memref<1x8x21xf32, #tpu.memory_space<smem>>
    %min3A_429 = vector.broadcast %get3A_424 : f32 to vector<128x128xf32>
    %min3A_430 = arith.minimumf %add3A, %min3A_429 : vector<128x128xf32>
    %max3A_431 = vector.broadcast %get3A_416 : f32 to vector<128x128xf32>
    %max3A_432 = arith.maximumf %sub3A, %max3A_431 : vector<128x128xf32>
    %sub3A_433 = arith.subf %min3A_430, %max3A_432 : vector<128x128xf32>
    %max3A_434 = arith.constant 0.000000e+00 : f32
    %max3A_435 = vector.broadcast %max3A_434 : f32 to vector<128x128xf32>
    %max3A_436 = arith.maximumf %sub3A_433, %max3A_435 : vector<128x128xf32>
    %min3A_437 = vector.broadcast %get3A_428 : f32 to vector<128x128xf32>
    %min3A_438 = arith.minimumf %add3A_33, %min3A_437 : vector<128x128xf32>
    %max3A_439 = vector.broadcast %get3A_420 : f32 to vector<128x128xf32>
    %max3A_440 = arith.maximumf %sub3A_26, %max3A_439 : vector<128x128xf32>
    %sub3A_441 = arith.subf %min3A_438, %max3A_440 : vector<128x128xf32>
    %max3A_442 = arith.constant 0.000000e+00 : f32
    %max3A_443 = vector.broadcast %max3A_442 : f32 to vector<128x128xf32>
    %max3A_444 = arith.maximumf %sub3A_441, %max3A_443 : vector<128x128xf32>
    %mul3A_445 = arith.mulf %max3A_436, %max3A_444 : vector<128x128xf32>
    %sub3A_446 = arith.subf %get3A_424, %get3A_416 : f32
    %sub3A_447 = arith.subf %get3A_428, %get3A_420 : f32
    %mul3A_448 = arith.mulf %sub3A_446, %sub3A_447 : f32
    %add3A_449 = vector.broadcast %mul3A_448 : f32 to vector<128x128xf32>
    %add3A_450 = arith.addf %add3A_449, %mul3A_34 : vector<128x128xf32>
    %sub3A_451 = arith.subf %add3A_450, %mul3A_445 : vector<128x128xf32>
    %add3A_452 = arith.constant 9.99999996E-13 : f32
    %add3A_453 = vector.broadcast %add3A_452 : f32 to vector<128x128xf32>
    %add3A_454 = arith.addf %sub3A_451, %add3A_453 : vector<128x128xf32>
    %div3A_455 = arith.divf %mul3A_445, %add3A_454 : vector<128x128xf32>
    %reduce_max3A_456 = vector.shape_cast %div3A_455 : vector<128x128xf32> to vector<1x128x128xf32>
    %reduce_max3A_457 = arith.constant dense<0xFF800000> : vector<1xf32>
    %reduce_max3A_458 = vector.multi_reduction <maximumf>, %reduce_max3A_456, %reduce_max3A_457 [1, 2] : vector<1x128x128xf32> to vector<1xf32>
    %reduce_max3A_459 = vector.shape_cast %reduce_max3A_458 : vector<1xf32> to vector<1x1x1xf32>
    %reduce_max3A_460 = vector.extract %reduce_max3A_459[0, 0, 0] : f32 from vector<1x1x1xf32>
    %eq3A_461 = vector.broadcast %reduce_max3A_460 : f32 to vector<128x128xf32>
    %eq3A_462 = arith.cmpf oeq, %div3A_455, %eq3A_461 : vector<128x128xf32>
    %jit3A_463 = arith.constant 16384 : i32
    %broadcast_in_dim3A_464 = vector.broadcast %jit3A_463 : i32 to vector<128x128xi32>
    %select_n3A_465 = arith.select %eq3A_462, %add3A_39, %broadcast_in_dim3A_464 : vector<128x128xi1>, vector<128x128xi32>
    %reduce_min3A_466 = vector.shape_cast %select_n3A_465 : vector<128x128xi32> to vector<1x128x128xi32>
    %reduce_min3A_467 = arith.constant dense<2147483647> : vector<1xi32>
    %reduce_min3A_468 = vector.multi_reduction <minsi>, %reduce_min3A_466, %reduce_min3A_467 [1, 2] : vector<1x128x128xi32> to vector<1xi32>
    %reduce_min3A_469 = vector.shape_cast %reduce_min3A_468 : vector<1xi32> to vector<1x1x1xi32>
    %reduce_min3A_470 = vector.extract %reduce_min3A_469[0, 0, 0] : i32 from vector<1x1x1xi32>
    %gt3A_471 = arith.cmpf ogt, %div3A_455, %select_n3A_409 : vector<128x128xf32>
    %select_n3A_472 = arith.select %gt3A_471, %div3A_455, %select_n3A_409 : vector<128x128xi1>, vector<128x128xf32>
    %jit3A_473 = arith.constant 6 : i32
    %broadcast_in_dim3A_474 = vector.broadcast %jit3A_473 : i32 to vector<128x128xi32>
    %select_n3A_475 = arith.select %gt3A_471, %broadcast_in_dim3A_474, %select_n3A_412 : vector<128x128xi1>, vector<128x128xi32>
    %get3A_476 = arith.constant 0 : index
    %get3A_477 = arith.constant 7 : index
    %get3A_478 = arith.constant 0 : index
    %get3A_479 = memref.load %arg3[%get3A_476, %get3A_477, %get3A_478] : memref<1x8x21xf32, #tpu.memory_space<smem>>
    %get3A_480 = arith.constant 0 : index
    %get3A_481 = arith.constant 7 : index
    %get3A_482 = arith.constant 1 : index
    %get3A_483 = memref.load %arg3[%get3A_480, %get3A_481, %get3A_482] : memref<1x8x21xf32, #tpu.memory_space<smem>>
    %get3A_484 = arith.constant 0 : index
    %get3A_485 = arith.constant 7 : index
    %get3A_486 = arith.constant 2 : index
    %get3A_487 = memref.load %arg3[%get3A_484, %get3A_485, %get3A_486] : memref<1x8x21xf32, #tpu.memory_space<smem>>
    %get3A_488 = arith.constant 0 : index
    %get3A_489 = arith.constant 7 : index
    %get3A_490 = arith.constant 3 : index
    %get3A_491 = memref.load %arg3[%get3A_488, %get3A_489, %get3A_490] : memref<1x8x21xf32, #tpu.memory_space<smem>>
    %min3A_492 = vector.broadcast %get3A_487 : f32 to vector<128x128xf32>
    %min3A_493 = arith.minimumf %add3A, %min3A_492 : vector<128x128xf32>
    %max3A_494 = vector.broadcast %get3A_479 : f32 to vector<128x128xf32>
    %max3A_495 = arith.maximumf %sub3A, %max3A_494 : vector<128x128xf32>
    %sub3A_496 = arith.subf %min3A_493, %max3A_495 : vector<128x128xf32>
    %max3A_497 = arith.constant 0.000000e+00 : f32
    %max3A_498 = vector.broadcast %max3A_497 : f32 to vector<128x128xf32>
    %max3A_499 = arith.maximumf %sub3A_496, %max3A_498 : vector<128x128xf32>
    %min3A_500 = vector.broadcast %get3A_491 : f32 to vector<128x128xf32>
    %min3A_501 = arith.minimumf %add3A_33, %min3A_500 : vector<128x128xf32>
    %max3A_502 = vector.broadcast %get3A_483 : f32 to vector<128x128xf32>
    %max3A_503 = arith.maximumf %sub3A_26, %max3A_502 : vector<128x128xf32>
    %sub3A_504 = arith.subf %min3A_501, %max3A_503 : vector<128x128xf32>
    %max3A_505 = arith.constant 0.000000e+00 : f32
    %max3A_506 = vector.broadcast %max3A_505 : f32 to vector<128x128xf32>
    %max3A_507 = arith.maximumf %sub3A_504, %max3A_506 : vector<128x128xf32>
    %mul3A_508 = arith.mulf %max3A_499, %max3A_507 : vector<128x128xf32>
    %sub3A_509 = arith.subf %get3A_487, %get3A_479 : f32
    %sub3A_510 = arith.subf %get3A_491, %get3A_483 : f32
    %mul3A_511 = arith.mulf %sub3A_509, %sub3A_510 : f32
    %add3A_512 = vector.broadcast %mul3A_511 : f32 to vector<128x128xf32>
    %add3A_513 = arith.addf %add3A_512, %mul3A_34 : vector<128x128xf32>
    %sub3A_514 = arith.subf %add3A_513, %mul3A_508 : vector<128x128xf32>
    %add3A_515 = arith.constant 9.99999996E-13 : f32
    %add3A_516 = vector.broadcast %add3A_515 : f32 to vector<128x128xf32>
    %add3A_517 = arith.addf %sub3A_514, %add3A_516 : vector<128x128xf32>
    %div3A_518 = arith.divf %mul3A_508, %add3A_517 : vector<128x128xf32>
    %reduce_max3A_519 = vector.shape_cast %div3A_518 : vector<128x128xf32> to vector<1x128x128xf32>
    %reduce_max3A_520 = arith.constant dense<0xFF800000> : vector<1xf32>
    %reduce_max3A_521 = vector.multi_reduction <maximumf>, %reduce_max3A_519, %reduce_max3A_520 [1, 2] : vector<1x128x128xf32> to vector<1xf32>
    %reduce_max3A_522 = vector.shape_cast %reduce_max3A_521 : vector<1xf32> to vector<1x1x1xf32>
    %reduce_max3A_523 = vector.extract %reduce_max3A_522[0, 0, 0] : f32 from vector<1x1x1xf32>
    %eq3A_524 = vector.broadcast %reduce_max3A_523 : f32 to vector<128x128xf32>
    %eq3A_525 = arith.cmpf oeq, %div3A_518, %eq3A_524 : vector<128x128xf32>
    %jit3A_526 = arith.constant 16384 : i32
    %broadcast_in_dim3A_527 = vector.broadcast %jit3A_526 : i32 to vector<128x128xi32>
    %select_n3A_528 = arith.select %eq3A_525, %add3A_39, %broadcast_in_dim3A_527 : vector<128x128xi1>, vector<128x128xi32>
    %reduce_min3A_529 = vector.shape_cast %select_n3A_528 : vector<128x128xi32> to vector<1x128x128xi32>
    %reduce_min3A_530 = arith.constant dense<2147483647> : vector<1xi32>
    %reduce_min3A_531 = vector.multi_reduction <minsi>, %reduce_min3A_529, %reduce_min3A_530 [1, 2] : vector<1x128x128xi32> to vector<1xi32>
    %reduce_min3A_532 = vector.shape_cast %reduce_min3A_531 : vector<1xi32> to vector<1x1x1xi32>
    %reduce_min3A_533 = vector.extract %reduce_min3A_532[0, 0, 0] : i32 from vector<1x1x1xi32>
    %gt3A_534 = arith.cmpf ogt, %div3A_518, %select_n3A_472 : vector<128x128xf32>
    %select_n3A_535 = arith.select %gt3A_534, %div3A_518, %select_n3A_472 : vector<128x128xi1>, vector<128x128xf32>
    %jit3A_536 = arith.constant 7 : i32
    %broadcast_in_dim3A_537 = vector.broadcast %jit3A_536 : i32 to vector<128x128xi32>
    %select_n3A_538 = arith.select %gt3A_534, %broadcast_in_dim3A_537, %select_n3A_475 : vector<128x128xi1>, vector<128x128xi32>
    %eq3A_539 = vector.broadcast %reduce_min3A_93 : i32 to vector<128x128xi32>
    %eq3A_540 = arith.cmpi eq, %add3A_39, %eq3A_539 : vector<128x128xi32>
    %jit3A_541 = arith.constant 2.000000e+00 : f32
    %broadcast_in_dim3A_542 = vector.broadcast %jit3A_541 : f32 to vector<128x128xf32>
    %select_n3A_543 = arith.select %eq3A_540, %broadcast_in_dim3A_542, %select_n3A_535 : vector<128x128xi1>, vector<128x128xf32>
    %jit3A_544 = arith.constant 0 : i32
    %broadcast_in_dim3A_545 = vector.broadcast %jit3A_544 : i32 to vector<128x128xi32>
    %select_n3A_546 = arith.select %eq3A_540, %broadcast_in_dim3A_545, %select_n3A_538 : vector<128x128xi1>, vector<128x128xi32>
    %eq3A_547 = vector.broadcast %reduce_min3A_155 : i32 to vector<128x128xi32>
    %eq3A_548 = arith.cmpi eq, %add3A_39, %eq3A_547 : vector<128x128xi32>
    %jit3A_549 = arith.constant 2.000000e+00 : f32
    %broadcast_in_dim3A_550 = vector.broadcast %jit3A_549 : f32 to vector<128x128xf32>
    %select_n3A_551 = arith.select %eq3A_548, %broadcast_in_dim3A_550, %select_n3A_543 : vector<128x128xi1>, vector<128x128xf32>
    %jit3A_552 = arith.constant 1 : i32
    %broadcast_in_dim3A_553 = vector.broadcast %jit3A_552 : i32 to vector<128x128xi32>
    %select_n3A_554 = arith.select %eq3A_548, %broadcast_in_dim3A_553, %select_n3A_546 : vector<128x128xi1>, vector<128x128xi32>
    %eq3A_555 = vector.broadcast %reduce_min3A_218 : i32 to vector<128x128xi32>
    %eq3A_556 = arith.cmpi eq, %add3A_39, %eq3A_555 : vector<128x128xi32>
    %jit3A_557 = arith.constant 2.000000e+00 : f32
    %broadcast_in_dim3A_558 = vector.broadcast %jit3A_557 : f32 to vector<128x128xf32>
    %select_n3A_559 = arith.select %eq3A_556, %broadcast_in_dim3A_558, %select_n3A_551 : vector<128x128xi1>, vector<128x128xf32>
    %jit3A_560 = arith.constant 2 : i32
    %broadcast_in_dim3A_561 = vector.broadcast %jit3A_560 : i32 to vector<128x128xi32>
    %select_n3A_562 = arith.select %eq3A_556, %broadcast_in_dim3A_561, %select_n3A_554 : vector<128x128xi1>, vector<128x128xi32>
    %eq3A_563 = vector.broadcast %reduce_min3A_281 : i32 to vector<128x128xi32>
    %eq3A_564 = arith.cmpi eq, %add3A_39, %eq3A_563 : vector<128x128xi32>
    %jit3A_565 = arith.constant 2.000000e+00 : f32
    %broadcast_in_dim3A_566 = vector.broadcast %jit3A_565 : f32 to vector<128x128xf32>
    %select_n3A_567 = arith.select %eq3A_564, %broadcast_in_dim3A_566, %select_n3A_559 : vector<128x128xi1>, vector<128x128xf32>
    %jit3A_568 = arith.constant 3 : i32
    %broadcast_in_dim3A_569 = vector.broadcast %jit3A_568 : i32 to vector<128x128xi32>
    %select_n3A_570 = arith.select %eq3A_564, %broadcast_in_dim3A_569, %select_n3A_562 : vector<128x128xi1>, vector<128x128xi32>
    %eq3A_571 = vector.broadcast %reduce_min3A_344 : i32 to vector<128x128xi32>
    %eq3A_572 = arith.cmpi eq, %add3A_39, %eq3A_571 : vector<128x128xi32>
    %jit3A_573 = arith.constant 2.000000e+00 : f32
    %broadcast_in_dim3A_574 = vector.broadcast %jit3A_573 : f32 to vector<128x128xf32>
    %select_n3A_575 = arith.select %eq3A_572, %broadcast_in_dim3A_574, %select_n3A_567 : vector<128x128xi1>, vector<128x128xf32>
    %jit3A_576 = arith.constant 4 : i32
    %broadcast_in_dim3A_577 = vector.broadcast %jit3A_576 : i32 to vector<128x128xi32>
    %select_n3A_578 = arith.select %eq3A_572, %broadcast_in_dim3A_577, %select_n3A_570 : vector<128x128xi1>, vector<128x128xi32>
    %eq3A_579 = vector.broadcast %reduce_min3A_407 : i32 to vector<128x128xi32>
    %eq3A_580 = arith.cmpi eq, %add3A_39, %eq3A_579 : vector<128x128xi32>
    %jit3A_581 = arith.constant 2.000000e+00 : f32
    %broadcast_in_dim3A_582 = vector.broadcast %jit3A_581 : f32 to vector<128x128xf32>
    %select_n3A_583 = arith.select %eq3A_580, %broadcast_in_dim3A_582, %select_n3A_575 : vector<128x128xi1>, vector<128x128xf32>
    %jit3A_584 = arith.constant 5 : i32
    %broadcast_in_dim3A_585 = vector.broadcast %jit3A_584 : i32 to vector<128x128xi32>
    %select_n3A_586 = arith.select %eq3A_580, %broadcast_in_dim3A_585, %select_n3A_578 : vector<128x128xi1>, vector<128x128xi32>
    %eq3A_587 = vector.broadcast %reduce_min3A_470 : i32 to vector<128x128xi32>
    %eq3A_588 = arith.cmpi eq, %add3A_39, %eq3A_587 : vector<128x128xi32>
    %jit3A_589 = arith.constant 2.000000e+00 : f32
    %broadcast_in_dim3A_590 = vector.broadcast %jit3A_589 : f32 to vector<128x128xf32>
    %select_n3A_591 = arith.select %eq3A_588, %broadcast_in_dim3A_590, %select_n3A_583 : vector<128x128xi1>, vector<128x128xf32>
    %jit3A_592 = arith.constant 6 : i32
    %broadcast_in_dim3A_593 = vector.broadcast %jit3A_592 : i32 to vector<128x128xi32>
    %select_n3A_594 = arith.select %eq3A_588, %broadcast_in_dim3A_593, %select_n3A_586 : vector<128x128xi1>, vector<128x128xi32>
    %eq3A_595 = vector.broadcast %reduce_min3A_533 : i32 to vector<128x128xi32>
    %eq3A_596 = arith.cmpi eq, %add3A_39, %eq3A_595 : vector<128x128xi32>
    %jit3A_597 = arith.constant 2.000000e+00 : f32
    %broadcast_in_dim3A_598 = vector.broadcast %jit3A_597 : f32 to vector<128x128xf32>
    %select_n3A_599 = arith.select %eq3A_596, %broadcast_in_dim3A_598, %select_n3A_591 : vector<128x128xi1>, vector<128x128xf32>
    %jit3A_600 = arith.constant 7 : i32
    %broadcast_in_dim3A_601 = vector.broadcast %jit3A_600 : i32 to vector<128x128xi32>
    %select_n3A_602 = arith.select %eq3A_596, %broadcast_in_dim3A_601, %select_n3A_594 : vector<128x128xi1>, vector<128x128xi32>
    %ge3A = arith.constant 3.500000e-01 : f32
    %ge3A_603 = vector.broadcast %ge3A : f32 to vector<128x128xf32>
    %ge3A_604 = arith.cmpf oge, %select_n3A_599, %ge3A_603 : vector<128x128xf32>
    %convert_element_type3A_605 = arith.extui %ge3A_604 : vector<128x128xi1> to vector<128x128xi32>
    %convert_element_type3A_606 = arith.sitofp %convert_element_type3A_605 : vector<128x128xi32> to vector<128x128xf32>
    %reduce_sum3A = vector.shape_cast %convert_element_type3A_606 : vector<128x128xf32> to vector<1x128x128xf32>
    %reduce_sum3A_607 = arith.constant dense<0.000000e+00> : vector<1xf32>
    %reduce_sum3A_608 = vector.multi_reduction <add>, %reduce_sum3A, %reduce_sum3A_607 [1, 2] : vector<1x128x128xf32> to vector<1xf32>
    %reduce_sum3A_609 = vector.shape_cast %reduce_sum3A_608 : vector<1xf32> to vector<1x1x1xf32>
    %reduce_sum3A_610 = vector.extract %reduce_sum3A_609[0, 0, 0] : f32 from vector<1x1x1xf32>
    %jit3A_611 = arith.constant 8 : i32
    %jit3A_612 = arith.constant 0 : i32
    %broadcast_in_dim3A_613 = vector.broadcast %jit3A_611 : i32 to vector<128x128xi32>
    %broadcast_in_dim3A_614 = vector.broadcast %jit3A_612 : i32 to vector<128x128xi32>
    %select_n3A_615 = arith.select %ge3A_604, %broadcast_in_dim3A_613, %broadcast_in_dim3A_614 : vector<128x128xi1>, vector<128x128xi32>
    %add3A_616 = arith.addi %select_n3A_602, %select_n3A_615 : vector<128x128xi32>
    %swap3A = arith.constant 0 : index
    %swap3A_617 = arith.constant 0 : index
    %swap3A_618 = arith.constant 0 : index
    %swap3A_619 = vector.load %arg6[%swap3A, %swap3A_617, %swap3A_618] : memref<1x128x128xi32, #tpu.memory_space<vmem>>, vector<1x128x128xi32>
    %swap3A_620 = vector.shape_cast %swap3A_619 : vector<1x128x128xi32> to vector<128x128xi32>
    %swap3A_621 = vector.shape_cast %add3A_616 : vector<128x128xi32> to vector<1x128x128xi32>
    tpu.vector_store %arg6[%swap3A, %swap3A_617, %swap3A_618], %swap3A_621 {strides = array<i32>} : memref<1x128x128xi32, #tpu.memory_space<vmem>>, vector<1x128x128xi32>,
    %get3A_622 = arith.constant 0 : index
    %get3A_623 = arith.constant 0 : index
    %get3A_624 = arith.constant 0 : index
    %get3A_625 = arith.constant 0 : index
    %get3A_626 = vector.load %arg1[%get3A_622, %get3A_623, %get3A_624, %get3A_625] : memref<1x2x128x128xf32, #tpu.memory_space<vmem>>, vector<1x1x128x128xf32>
    %get3A_627 = vector.shape_cast %get3A_626 : vector<1x1x128x128xf32> to vector<128x128xf32>
    %get3A_628 = arith.constant 0 : index
    %get3A_629 = arith.constant 1 : index
    %get3A_630 = arith.constant 0 : index
    %get3A_631 = arith.constant 0 : index
    %get3A_632 = vector.load %arg1[%get3A_628, %get3A_629, %get3A_630, %get3A_631] : memref<1x2x128x128xf32, #tpu.memory_space<vmem>>, vector<1x1x128x128xf32>
    %get3A_633 = vector.shape_cast %get3A_632 : vector<1x1x128x128xf32> to vector<128x128xf32>
    %max3A_634 = arith.maximumf %get3A_627, %get3A_633 : vector<128x128xf32>
    %sub3A_635 = arith.subf %get3A_627, %max3A_634 : vector<128x128xf32>
    %exp3A = math.exp %sub3A_635 : vector<128x128xf32>
    %sub3A_636 = arith.subf %get3A_633, %max3A_634 : vector<128x128xf32>
    %exp3A_637 = math.exp %sub3A_636 : vector<128x128xf32>
    %add3A_638 = arith.addf %exp3A, %exp3A_637 : vector<128x128xf32>
    %log3A = math.log %add3A_638 : vector<128x128xf32>
    %add3A_639 = arith.addf %max3A_634, %log3A : vector<128x128xf32>
    %select_n3A_640 = arith.select %ge3A_604, %get3A_633, %get3A_627 : vector<128x128xi1>, vector<128x128xf32>
    %sub3A_641 = arith.subf %add3A_639, %select_n3A_640 : vector<128x128xf32>
    %mul3A_642 = arith.mulf %sub3A_641, %convert_element_type3A_606 : vector<128x128xf32>
    %reduce_sum3A_643 = vector.shape_cast %mul3A_642 : vector<128x128xf32> to vector<1x128x128xf32>
    %reduce_sum3A_644 = arith.constant dense<0.000000e+00> : vector<1xf32>
    %reduce_sum3A_645 = vector.multi_reduction <add>, %reduce_sum3A_643, %reduce_sum3A_644 [1, 2] : vector<1x128x128xf32> to vector<1xf32>
    %reduce_sum3A_646 = vector.shape_cast %reduce_sum3A_645 : vector<1xf32> to vector<1x1x1xf32>
    %reduce_sum3A_647 = vector.extract %reduce_sum3A_646[0, 0, 0] : f32 from vector<1x1x1xf32>
    %jit3A_648 = arith.constant 0.000000e+00 : f32
    %broadcast_in_dim3A_649 = vector.broadcast %jit3A_648 : f32 to vector<128x128xf32>
    %select_n3A_650 = arith.select %ge3A_604, %broadcast_in_dim3A_649, %sub3A_641 : vector<128x128xi1>, vector<128x128xf32>
    %swap3A_651 = arith.constant 0 : index
    %swap3A_652 = arith.constant 0 : index
    %swap3A_653 = arith.constant 0 : index
    %swap3A_654 = vector.load %arg4[%swap3A_651, %swap3A_652, %swap3A_653] : memref<1x128x128xf32, #tpu.memory_space<vmem>>, vector<1x128x128xf32>
    %swap3A_655 = vector.shape_cast %swap3A_654 : vector<1x128x128xf32> to vector<128x128xf32>
    %swap3A_656 = vector.shape_cast %select_n3A_650 : vector<128x128xf32> to vector<1x128x128xf32>
    tpu.vector_store %arg4[%swap3A_651, %swap3A_652, %swap3A_653], %swap3A_656 {strides = array<i32>} : memref<1x128x128xf32, #tpu.memory_space<vmem>>, vector<1x128x128xf32>,
    %mul3A_657 = arith.constant 7.000000e+00 : f32
    %mul3A_658 = arith.mulf %mul3A_657, %reduce_sum3A_610 : f32
    %min3A_659 = arith.constant 1.638300e+04 : f32
    %min3A_660 = arith.minimumf %mul3A_658, %min3A_659 : f32
    %broadcast_in_dim3A_661 = vector.broadcast %min3A_660 : f32 to vector<16xf32>
    %swap3A_662 = arith.constant 0 : index
    %swap3A_663 = arith.constant 0 : index
    %swap3A_664 = arith.constant 0 : index
    %swap3A_665 = vector.load %arg5[%swap3A_662, %swap3A_663, %swap3A_664] : memref<1x1x16xf32, #tpu.memory_space<vmem>>, vector<1x1x16xf32>
    %swap3A_666 = vector.shape_cast %swap3A_665 : vector<1x1x16xf32> to vector<16xf32>
    %swap3A_667 = vector.shape_cast %broadcast_in_dim3A_661 : vector<16xf32> to vector<1x1x16xf32>
    tpu.vector_store %arg5[%swap3A_662, %swap3A_663, %swap3A_664], %swap3A_667 {strides = array<i32>} : memref<1x1x16xf32, #tpu.memory_space<vmem>>, vector<1x1x16xf32>,
    %get3A_668 = arith.constant 0 : index
    %get3A_669 = memref.load %arg8[%get3A_668] : memref<8xf32, #tpu.memory_space<smem>>
    %add3A_670 = arith.addf %get3A_669, %reduce_sum3A_647 : f32
    %swap3A_671 = arith.constant 0 : index
    %swap3A_672 = memref.load %arg8[%swap3A_671] : memref<8xf32, #tpu.memory_space<smem>>
    memref.store %add3A_670, %arg8[%swap3A_671] : memref<8xf32, #tpu.memory_space<smem>>
    %get3A_673 = arith.constant 1 : index
    %get3A_674 = memref.load %arg8[%get3A_673] : memref<8xf32, #tpu.memory_space<smem>>
    %add3A_675 = arith.addf %get3A_674, %reduce_sum3A_610 : f32
    %swap3A_676 = arith.constant 1 : index
    %swap3A_677 = memref.load %arg8[%swap3A_676] : memref<8xf32, #tpu.memory_space<smem>>
    memref.store %add3A_675, %arg8[%swap3A_676] : memref<8xf32, #tpu.memory_space<smem>>
    %eq3A_678 = arith.constant 15 : i32
    %eq3A_679 = arith.cmpi eq, %arg0, %eq3A_678 : i32
    %convert_element_type3A_680 = arith.extui %eq3A_679 : i1 to i32
    %cond3A_681 = arith.constant 0 : i32
    %cond3A_682 = arith.cmpi ne, %convert_element_type3A_680, %cond3A_681 : i32
    scf.if %cond3A_682 {
      %get3A_683 = arith.constant 0 : index
      %get3A_684 = memref.load %arg8[%get3A_683] : memref<8xf32, #tpu.memory_space<smem>>
      %swap3A_685 = arith.constant 0 : index
      %swap3A_686 = arith.constant 0 : index
      %swap3A_687 = memref.load %arg7[%swap3A_685, %swap3A_686] : memref<1x8xf32, #tpu.memory_space<smem>>
      memref.store %get3A_684, %arg7[%swap3A_685, %swap3A_686] : memref<1x8xf32, #tpu.memory_space<smem>>
      %get3A_688 = arith.constant 1 : index
      %get3A_689 = memref.load %arg8[%get3A_688] : memref<8xf32, #tpu.memory_space<smem>>
      %swap3A_690 = arith.constant 0 : index
      %swap3A_691 = arith.constant 1 : index
      %swap3A_692 = memref.load %arg7[%swap3A_690, %swap3A_691] : memref<1x8xf32, #tpu.memory_space<smem>>
      memref.store %get3A_689, %arg7[%swap3A_690, %swap3A_691] : memref<1x8xf32, #tpu.memory_space<smem>>
    } else {
    }
    return
  }
  func.func @transform_0(%arg0: i32) -> (i32, i32, i32, i32) {
    %c0_i32 = arith.constant 0 : i32
    %c0_i32_0 = arith.constant 0 : i32
    %c0_i32_1 = arith.constant 0 : i32
    %c0_i32_2 = arith.constant 0 : i32
    return %arg0, %c0_i32, %c0_i32_0, %c0_i32_1 : i32, i32, i32, i32
  }
  func.func @transform_1(%arg0: i32) -> (i32, i32, i32) {
    %c0_i32 = arith.constant 0 : i32
    %c0_i32_0 = arith.constant 0 : i32
    %c0_i32_1 = arith.constant 0 : i32
    %c0_i32_2 = arith.constant 0 : i32
    return %c0_i32, %c0_i32_0, %c0_i32_1 : i32, i32, i32
  }
  func.func @transform_2(%arg0: i32) -> (i32, i32, i32) {
    %c0_i32 = arith.constant 0 : i32
    %c0_i32_0 = arith.constant 0 : i32
    %c0_i32_1 = arith.constant 0 : i32
    return %arg0, %c0_i32, %c0_i32_0 : i32, i32, i32
  }
  func.func @transform_3(%arg0: i32) -> (i32, i32, i32) {
    %c0_i32 = arith.constant 0 : i32
    %c0_i32_0 = arith.constant 0 : i32
    %c0_i32_1 = arith.constant 0 : i32
    return %arg0, %c0_i32, %c0_i32_0 : i32, i32, i32
  }
  func.func @transform_4(%arg0: i32) -> (i32, i32, i32) {
    %c0_i32 = arith.constant 0 : i32
    %c0_i32_0 = arith.constant 0 : i32
    %c0_i32_1 = arith.constant 0 : i32
    return %arg0, %c0_i32, %c0_i32_0 : i32, i32, i32
  }
  func.func @transform_5(%arg0: i32) -> (i32, i32, i32) {
    %c0_i32 = arith.constant 0 : i32
    %c0_i32_0 = arith.constant 0 : i32
    %c0_i32_1 = arith.constant 0 : i32
    return %arg0, %c0_i32, %c0_i32_0 : i32, i32, i32
  }
  func.func @transform_6(%arg0: i32) -> (i32, i32) {
    %c0_i32 = arith.constant 0 : i32
    %c0_i32_0 = arith.constant 0 : i32
    %c0_i32_1 = arith.constant 0 : i32
    return %c0_i32, %c0_i32_0 : i32, i32
  }
}

module attributes {stable_mosaic.version = 14 : i64} {
  func.func @_loc_landm_kernel(%arg0: i32, %arg1: memref<1x4x128x128xf32, #tpu.memory_space<vmem>>, %arg2: memref<1x6x128x128xf32, #tpu.memory_space<vmem>>, %arg3: memref<4x128x128xf32, #tpu.memory_space<vmem>>, %arg4: memref<1x8x21xf32, #tpu.memory_space<smem>>, %arg5: memref<1x128x128xi32, #tpu.memory_space<vmem>>, %arg6: memref<1x8xf32, #tpu.memory_space<smem>>, %arg7: memref<8xf32, #tpu.memory_space<smem>>) attributes {dimension_semantics = [#tpu.dimension_semantics<arbitrary>], iteration_bounds = array<i64: 16>, scalar_prefetch = 0 : i64, scratch_operands = 1 : i64, tpu.core_type = #tpu.core_type<tc>, window_params = [{transform_indices = @transform_0, window_bounds = array<i64: 1, 4, 128, 128>}, {transform_indices = @transform_1, window_bounds = array<i64: 1, 6, 128, 128>}, {pipeline_mode = #tpu.pipeline_mode<synchronous>, transform_indices = @transform_2, window_bounds = array<i64: 4, 128, 128>}, {transform_indices = @transform_3, window_bounds = array<i64: 1, 8, 21>}, {transform_indices = @transform_4, window_bounds = array<i64: 1, 128, 128>}, {transform_indices = @transform_5, window_bounds = array<i64: 1, 8>}]} {
    %eq3A = arith.constant 0 : i32
    %eq3A_0 = arith.cmpi eq, %arg0, %eq3A : i32
    %convert_element_type3A = arith.extui %eq3A_0 : i1 to i32
    %cond3A = arith.constant 0 : i32
    %cond3A_1 = arith.cmpi ne, %convert_element_type3A, %cond3A : i32
    scf.if %cond3A_1 {
      %swap3A_1126 = arith.constant 0.000000e+00 : f32
      %swap3A_1127 = arith.constant 0 : index
      %swap3A_1128 = memref.load %arg7[%swap3A_1127] : memref<8xf32, #tpu.memory_space<smem>>
      memref.store %swap3A_1126, %arg7[%swap3A_1127] : memref<8xf32, #tpu.memory_space<smem>>
      %swap3A_1129 = arith.constant 0.000000e+00 : f32
      %swap3A_1130 = arith.constant 1 : index
      %swap3A_1131 = memref.load %arg7[%swap3A_1130] : memref<8xf32, #tpu.memory_space<smem>>
      memref.store %swap3A_1129, %arg7[%swap3A_1130] : memref<8xf32, #tpu.memory_space<smem>>
    } else {
    }
    %get3A = arith.constant 0 : index
    %get3A_2 = arith.constant 0 : index
    %get3A_3 = arith.constant 0 : index
    %get3A_4 = vector.load %arg3[%get3A, %get3A_2, %get3A_3] : memref<4x128x128xf32, #tpu.memory_space<vmem>>, vector<1x128x128xf32>
    %get3A_5 = vector.shape_cast %get3A_4 : vector<1x128x128xf32> to vector<128x128xf32>
    %get3A_6 = arith.constant 1 : index
    %get3A_7 = arith.constant 0 : index
    %get3A_8 = arith.constant 0 : index
    %get3A_9 = vector.load %arg3[%get3A_6, %get3A_7, %get3A_8] : memref<4x128x128xf32, #tpu.memory_space<vmem>>, vector<1x128x128xf32>
    %get3A_10 = vector.shape_cast %get3A_9 : vector<1x128x128xf32> to vector<128x128xf32>
    %get3A_11 = arith.constant 2 : index
    %get3A_12 = arith.constant 0 : index
    %get3A_13 = arith.constant 0 : index
    %get3A_14 = vector.load %arg3[%get3A_11, %get3A_12, %get3A_13] : memref<4x128x128xf32, #tpu.memory_space<vmem>>, vector<1x128x128xf32>
    %get3A_15 = vector.shape_cast %get3A_14 : vector<1x128x128xf32> to vector<128x128xf32>
    %get3A_16 = arith.constant 3 : index
    %get3A_17 = arith.constant 0 : index
    %get3A_18 = arith.constant 0 : index
    %get3A_19 = vector.load %arg3[%get3A_16, %get3A_17, %get3A_18] : memref<4x128x128xf32, #tpu.memory_space<vmem>>, vector<1x128x128xf32>
    %get3A_20 = vector.shape_cast %get3A_19 : vector<1x128x128xf32> to vector<128x128xf32>
    %mul3A = arith.constant 5.000000e-01 : f32
    %mul3A_21 = vector.broadcast %mul3A : f32 to vector<128x128xf32>
    %mul3A_22 = arith.mulf %get3A_15, %mul3A_21 : vector<128x128xf32>
    %sub3A = arith.subf %get3A_5, %mul3A_22 : vector<128x128xf32>
    %mul3A_23 = arith.constant 5.000000e-01 : f32
    %mul3A_24 = vector.broadcast %mul3A_23 : f32 to vector<128x128xf32>
    %mul3A_25 = arith.mulf %get3A_20, %mul3A_24 : vector<128x128xf32>
    %sub3A_26 = arith.subf %get3A_10, %mul3A_25 : vector<128x128xf32>
    %mul3A_27 = arith.constant 5.000000e-01 : f32
    %mul3A_28 = vector.broadcast %mul3A_27 : f32 to vector<128x128xf32>
    %mul3A_29 = arith.mulf %get3A_15, %mul3A_28 : vector<128x128xf32>
    %add3A = arith.addf %get3A_5, %mul3A_29 : vector<128x128xf32>
    %mul3A_30 = arith.constant 5.000000e-01 : f32
    %mul3A_31 = vector.broadcast %mul3A_30 : f32 to vector<128x128xf32>
    %mul3A_32 = arith.mulf %get3A_20, %mul3A_31 : vector<128x128xf32>
    %add3A_33 = arith.addf %get3A_10, %mul3A_32 : vector<128x128xf32>
    %get3A_34 = arith.constant 0 : index
    %get3A_35 = arith.constant 0 : index
    %get3A_36 = arith.constant 0 : index
    %get3A_37 = vector.load %arg5[%get3A_34, %get3A_35, %get3A_36] : memref<1x128x128xi32, #tpu.memory_space<vmem>>, vector<1x128x128xi32>
    %get3A_38 = vector.shape_cast %get3A_37 : vector<1x128x128xi32> to vector<128x128xi32>
    %ge3A = arith.constant 8 : i32
    %ge3A_39 = vector.broadcast %ge3A : i32 to vector<128x128xi32>
    %ge3A_40 = arith.cmpi sge, %get3A_38, %ge3A_39 : vector<128x128xi32>
    %convert_element_type3A_41 = arith.extui %ge3A_40 : vector<128x128xi1> to vector<128x128xi32>
    %convert_element_type3A_42 = arith.sitofp %convert_element_type3A_41 : vector<128x128xi32> to vector<128x128xf32>
    %jit3A = arith.constant 8 : i32
    %jit3A_43 = arith.constant 0 : i32
    %broadcast_in_dim3A = vector.broadcast %jit3A : i32 to vector<128x128xi32>
    %broadcast_in_dim3A_44 = vector.broadcast %jit3A_43 : i32 to vector<128x128xi32>
    %select_n3A = arith.select %ge3A_40, %broadcast_in_dim3A, %broadcast_in_dim3A_44 : vector<128x128xi1>, vector<128x128xi32>
    %sub3A_45 = arith.subi %get3A_38, %select_n3A : vector<128x128xi32>
    %broadcast_in_dim3A_46 = arith.constant 0.000000e+00 : f32
    %broadcast_in_dim3A_47 = vector.broadcast %broadcast_in_dim3A_46 : f32 to vector<128x128xf32>
    %eq3A_48 = arith.constant 0 : i32
    %eq3A_49 = vector.broadcast %eq3A_48 : i32 to vector<128x128xi32>
    %eq3A_50 = arith.cmpi eq, %sub3A_45, %eq3A_49 : vector<128x128xi32>
    %get3A_51 = arith.constant 0 : index
    %get3A_52 = arith.constant 0 : index
    %get3A_53 = arith.constant 0 : index
    %get3A_54 = memref.load %arg4[%get3A_51, %get3A_52, %get3A_53] : memref<1x8x21xf32, #tpu.memory_space<smem>>
    %broadcast_in_dim3A_55 = vector.broadcast %get3A_54 : f32 to vector<128x128xf32>
    %select_n3A_56 = arith.select %eq3A_50, %broadcast_in_dim3A_55, %broadcast_in_dim3A_47 : vector<128x128xi1>, vector<128x128xf32>
    %get3A_57 = arith.constant 0 : index
    %get3A_58 = arith.constant 0 : index
    %get3A_59 = arith.constant 1 : index
    %get3A_60 = memref.load %arg4[%get3A_57, %get3A_58, %get3A_59] : memref<1x8x21xf32, #tpu.memory_space<smem>>
    %broadcast_in_dim3A_61 = vector.broadcast %get3A_60 : f32 to vector<128x128xf32>
    %select_n3A_62 = arith.select %eq3A_50, %broadcast_in_dim3A_61, %broadcast_in_dim3A_47 : vector<128x128xi1>, vector<128x128xf32>
    %get3A_63 = arith.constant 0 : index
    %get3A_64 = arith.constant 0 : index
    %get3A_65 = arith.constant 2 : index
    %get3A_66 = memref.load %arg4[%get3A_63, %get3A_64, %get3A_65] : memref<1x8x21xf32, #tpu.memory_space<smem>>
    %broadcast_in_dim3A_67 = vector.broadcast %get3A_66 : f32 to vector<128x128xf32>
    %select_n3A_68 = arith.select %eq3A_50, %broadcast_in_dim3A_67, %broadcast_in_dim3A_47 : vector<128x128xi1>, vector<128x128xf32>
    %get3A_69 = arith.constant 0 : index
    %get3A_70 = arith.constant 0 : index
    %get3A_71 = arith.constant 3 : index
    %get3A_72 = memref.load %arg4[%get3A_69, %get3A_70, %get3A_71] : memref<1x8x21xf32, #tpu.memory_space<smem>>
    %broadcast_in_dim3A_73 = vector.broadcast %get3A_72 : f32 to vector<128x128xf32>
    %select_n3A_74 = arith.select %eq3A_50, %broadcast_in_dim3A_73, %broadcast_in_dim3A_47 : vector<128x128xi1>, vector<128x128xf32>
    %get3A_75 = arith.constant 0 : index
    %get3A_76 = arith.constant 0 : index
    %get3A_77 = arith.constant 4 : index
    %get3A_78 = memref.load %arg4[%get3A_75, %get3A_76, %get3A_77] : memref<1x8x21xf32, #tpu.memory_space<smem>>
    %broadcast_in_dim3A_79 = vector.broadcast %get3A_78 : f32 to vector<128x128xf32>
    %select_n3A_80 = arith.select %eq3A_50, %broadcast_in_dim3A_79, %broadcast_in_dim3A_47 : vector<128x128xi1>, vector<128x128xf32>
    %get3A_81 = arith.constant 0 : index
    %get3A_82 = arith.constant 0 : index
    %get3A_83 = arith.constant 5 : index
    %get3A_84 = memref.load %arg4[%get3A_81, %get3A_82, %get3A_83] : memref<1x8x21xf32, #tpu.memory_space<smem>>
    %broadcast_in_dim3A_85 = vector.broadcast %get3A_84 : f32 to vector<128x128xf32>
    %select_n3A_86 = arith.select %eq3A_50, %broadcast_in_dim3A_85, %broadcast_in_dim3A_47 : vector<128x128xi1>, vector<128x128xf32>
    %get3A_87 = arith.constant 0 : index
    %get3A_88 = arith.constant 0 : index
    %get3A_89 = arith.constant 6 : index
    %get3A_90 = memref.load %arg4[%get3A_87, %get3A_88, %get3A_89] : memref<1x8x21xf32, #tpu.memory_space<smem>>
    %broadcast_in_dim3A_91 = vector.broadcast %get3A_90 : f32 to vector<128x128xf32>
    %select_n3A_92 = arith.select %eq3A_50, %broadcast_in_dim3A_91, %broadcast_in_dim3A_47 : vector<128x128xi1>, vector<128x128xf32>
    %get3A_93 = arith.constant 0 : index
    %get3A_94 = arith.constant 0 : index
    %get3A_95 = arith.constant 7 : index
    %get3A_96 = memref.load %arg4[%get3A_93, %get3A_94, %get3A_95] : memref<1x8x21xf32, #tpu.memory_space<smem>>
    %broadcast_in_dim3A_97 = vector.broadcast %get3A_96 : f32 to vector<128x128xf32>
    %select_n3A_98 = arith.select %eq3A_50, %broadcast_in_dim3A_97, %broadcast_in_dim3A_47 : vector<128x128xi1>, vector<128x128xf32>
    %get3A_99 = arith.constant 0 : index
    %get3A_100 = arith.constant 0 : index
    %get3A_101 = arith.constant 8 : index
    %get3A_102 = memref.load %arg4[%get3A_99, %get3A_100, %get3A_101] : memref<1x8x21xf32, #tpu.memory_space<smem>>
    %broadcast_in_dim3A_103 = vector.broadcast %get3A_102 : f32 to vector<128x128xf32>
    %select_n3A_104 = arith.select %eq3A_50, %broadcast_in_dim3A_103, %broadcast_in_dim3A_47 : vector<128x128xi1>, vector<128x128xf32>
    %get3A_105 = arith.constant 0 : index
    %get3A_106 = arith.constant 0 : index
    %get3A_107 = arith.constant 9 : index
    %get3A_108 = memref.load %arg4[%get3A_105, %get3A_106, %get3A_107] : memref<1x8x21xf32, #tpu.memory_space<smem>>
    %broadcast_in_dim3A_109 = vector.broadcast %get3A_108 : f32 to vector<128x128xf32>
    %select_n3A_110 = arith.select %eq3A_50, %broadcast_in_dim3A_109, %broadcast_in_dim3A_47 : vector<128x128xi1>, vector<128x128xf32>
    %get3A_111 = arith.constant 0 : index
    %get3A_112 = arith.constant 0 : index
    %get3A_113 = arith.constant 10 : index
    %get3A_114 = memref.load %arg4[%get3A_111, %get3A_112, %get3A_113] : memref<1x8x21xf32, #tpu.memory_space<smem>>
    %broadcast_in_dim3A_115 = vector.broadcast %get3A_114 : f32 to vector<128x128xf32>
    %select_n3A_116 = arith.select %eq3A_50, %broadcast_in_dim3A_115, %broadcast_in_dim3A_47 : vector<128x128xi1>, vector<128x128xf32>
    %get3A_117 = arith.constant 0 : index
    %get3A_118 = arith.constant 0 : index
    %get3A_119 = arith.constant 11 : index
    %get3A_120 = memref.load %arg4[%get3A_117, %get3A_118, %get3A_119] : memref<1x8x21xf32, #tpu.memory_space<smem>>
    %broadcast_in_dim3A_121 = vector.broadcast %get3A_120 : f32 to vector<128x128xf32>
    %select_n3A_122 = arith.select %eq3A_50, %broadcast_in_dim3A_121, %broadcast_in_dim3A_47 : vector<128x128xi1>, vector<128x128xf32>
    %eq3A_123 = arith.constant 1 : i32
    %eq3A_124 = vector.broadcast %eq3A_123 : i32 to vector<128x128xi32>
    %eq3A_125 = arith.cmpi eq, %sub3A_45, %eq3A_124 : vector<128x128xi32>
    %get3A_126 = arith.constant 0 : index
    %get3A_127 = arith.constant 1 : index
    %get3A_128 = arith.constant 0 : index
    %get3A_129 = memref.load %arg4[%get3A_126, %get3A_127, %get3A_128] : memref<1x8x21xf32, #tpu.memory_space<smem>>
    %broadcast_in_dim3A_130 = vector.broadcast %get3A_129 : f32 to vector<128x128xf32>
    %select_n3A_131 = arith.select %eq3A_125, %broadcast_in_dim3A_130, %select_n3A_56 : vector<128x128xi1>, vector<128x128xf32>
    %get3A_132 = arith.constant 0 : index
    %get3A_133 = arith.constant 1 : index
    %get3A_134 = arith.constant 1 : index
    %get3A_135 = memref.load %arg4[%get3A_132, %get3A_133, %get3A_134] : memref<1x8x21xf32, #tpu.memory_space<smem>>
    %broadcast_in_dim3A_136 = vector.broadcast %get3A_135 : f32 to vector<128x128xf32>
    %select_n3A_137 = arith.select %eq3A_125, %broadcast_in_dim3A_136, %select_n3A_62 : vector<128x128xi1>, vector<128x128xf32>
    %get3A_138 = arith.constant 0 : index
    %get3A_139 = arith.constant 1 : index
    %get3A_140 = arith.constant 2 : index
    %get3A_141 = memref.load %arg4[%get3A_138, %get3A_139, %get3A_140] : memref<1x8x21xf32, #tpu.memory_space<smem>>
    %broadcast_in_dim3A_142 = vector.broadcast %get3A_141 : f32 to vector<128x128xf32>
    %select_n3A_143 = arith.select %eq3A_125, %broadcast_in_dim3A_142, %select_n3A_68 : vector<128x128xi1>, vector<128x128xf32>
    %get3A_144 = arith.constant 0 : index
    %get3A_145 = arith.constant 1 : index
    %get3A_146 = arith.constant 3 : index
    %get3A_147 = memref.load %arg4[%get3A_144, %get3A_145, %get3A_146] : memref<1x8x21xf32, #tpu.memory_space<smem>>
    %broadcast_in_dim3A_148 = vector.broadcast %get3A_147 : f32 to vector<128x128xf32>
    %select_n3A_149 = arith.select %eq3A_125, %broadcast_in_dim3A_148, %select_n3A_74 : vector<128x128xi1>, vector<128x128xf32>
    %get3A_150 = arith.constant 0 : index
    %get3A_151 = arith.constant 1 : index
    %get3A_152 = arith.constant 4 : index
    %get3A_153 = memref.load %arg4[%get3A_150, %get3A_151, %get3A_152] : memref<1x8x21xf32, #tpu.memory_space<smem>>
    %broadcast_in_dim3A_154 = vector.broadcast %get3A_153 : f32 to vector<128x128xf32>
    %select_n3A_155 = arith.select %eq3A_125, %broadcast_in_dim3A_154, %select_n3A_80 : vector<128x128xi1>, vector<128x128xf32>
    %get3A_156 = arith.constant 0 : index
    %get3A_157 = arith.constant 1 : index
    %get3A_158 = arith.constant 5 : index
    %get3A_159 = memref.load %arg4[%get3A_156, %get3A_157, %get3A_158] : memref<1x8x21xf32, #tpu.memory_space<smem>>
    %broadcast_in_dim3A_160 = vector.broadcast %get3A_159 : f32 to vector<128x128xf32>
    %select_n3A_161 = arith.select %eq3A_125, %broadcast_in_dim3A_160, %select_n3A_86 : vector<128x128xi1>, vector<128x128xf32>
    %get3A_162 = arith.constant 0 : index
    %get3A_163 = arith.constant 1 : index
    %get3A_164 = arith.constant 6 : index
    %get3A_165 = memref.load %arg4[%get3A_162, %get3A_163, %get3A_164] : memref<1x8x21xf32, #tpu.memory_space<smem>>
    %broadcast_in_dim3A_166 = vector.broadcast %get3A_165 : f32 to vector<128x128xf32>
    %select_n3A_167 = arith.select %eq3A_125, %broadcast_in_dim3A_166, %select_n3A_92 : vector<128x128xi1>, vector<128x128xf32>
    %get3A_168 = arith.constant 0 : index
    %get3A_169 = arith.constant 1 : index
    %get3A_170 = arith.constant 7 : index
    %get3A_171 = memref.load %arg4[%get3A_168, %get3A_169, %get3A_170] : memref<1x8x21xf32, #tpu.memory_space<smem>>
    %broadcast_in_dim3A_172 = vector.broadcast %get3A_171 : f32 to vector<128x128xf32>
    %select_n3A_173 = arith.select %eq3A_125, %broadcast_in_dim3A_172, %select_n3A_98 : vector<128x128xi1>, vector<128x128xf32>
    %get3A_174 = arith.constant 0 : index
    %get3A_175 = arith.constant 1 : index
    %get3A_176 = arith.constant 8 : index
    %get3A_177 = memref.load %arg4[%get3A_174, %get3A_175, %get3A_176] : memref<1x8x21xf32, #tpu.memory_space<smem>>
    %broadcast_in_dim3A_178 = vector.broadcast %get3A_177 : f32 to vector<128x128xf32>
    %select_n3A_179 = arith.select %eq3A_125, %broadcast_in_dim3A_178, %select_n3A_104 : vector<128x128xi1>, vector<128x128xf32>
    %get3A_180 = arith.constant 0 : index
    %get3A_181 = arith.constant 1 : index
    %get3A_182 = arith.constant 9 : index
    %get3A_183 = memref.load %arg4[%get3A_180, %get3A_181, %get3A_182] : memref<1x8x21xf32, #tpu.memory_space<smem>>
    %broadcast_in_dim3A_184 = vector.broadcast %get3A_183 : f32 to vector<128x128xf32>
    %select_n3A_185 = arith.select %eq3A_125, %broadcast_in_dim3A_184, %select_n3A_110 : vector<128x128xi1>, vector<128x128xf32>
    %get3A_186 = arith.constant 0 : index
    %get3A_187 = arith.constant 1 : index
    %get3A_188 = arith.constant 10 : index
    %get3A_189 = memref.load %arg4[%get3A_186, %get3A_187, %get3A_188] : memref<1x8x21xf32, #tpu.memory_space<smem>>
    %broadcast_in_dim3A_190 = vector.broadcast %get3A_189 : f32 to vector<128x128xf32>
    %select_n3A_191 = arith.select %eq3A_125, %broadcast_in_dim3A_190, %select_n3A_116 : vector<128x128xi1>, vector<128x128xf32>
    %get3A_192 = arith.constant 0 : index
    %get3A_193 = arith.constant 1 : index
    %get3A_194 = arith.constant 11 : index
    %get3A_195 = memref.load %arg4[%get3A_192, %get3A_193, %get3A_194] : memref<1x8x21xf32, #tpu.memory_space<smem>>
    %broadcast_in_dim3A_196 = vector.broadcast %get3A_195 : f32 to vector<128x128xf32>
    %select_n3A_197 = arith.select %eq3A_125, %broadcast_in_dim3A_196, %select_n3A_122 : vector<128x128xi1>, vector<128x128xf32>
    %eq3A_198 = arith.constant 2 : i32
    %eq3A_199 = vector.broadcast %eq3A_198 : i32 to vector<128x128xi32>
    %eq3A_200 = arith.cmpi eq, %sub3A_45, %eq3A_199 : vector<128x128xi32>
    %get3A_201 = arith.constant 0 : index
    %get3A_202 = arith.constant 2 : index
    %get3A_203 = arith.constant 0 : index
    %get3A_204 = memref.load %arg4[%get3A_201, %get3A_202, %get3A_203] : memref<1x8x21xf32, #tpu.memory_space<smem>>
    %broadcast_in_dim3A_205 = vector.broadcast %get3A_204 : f32 to vector<128x128xf32>
    %select_n3A_206 = arith.select %eq3A_200, %broadcast_in_dim3A_205, %select_n3A_131 : vector<128x128xi1>, vector<128x128xf32>
    %get3A_207 = arith.constant 0 : index
    %get3A_208 = arith.constant 2 : index
    %get3A_209 = arith.constant 1 : index
    %get3A_210 = memref.load %arg4[%get3A_207, %get3A_208, %get3A_209] : memref<1x8x21xf32, #tpu.memory_space<smem>>
    %broadcast_in_dim3A_211 = vector.broadcast %get3A_210 : f32 to vector<128x128xf32>
    %select_n3A_212 = arith.select %eq3A_200, %broadcast_in_dim3A_211, %select_n3A_137 : vector<128x128xi1>, vector<128x128xf32>
    %get3A_213 = arith.constant 0 : index
    %get3A_214 = arith.constant 2 : index
    %get3A_215 = arith.constant 2 : index
    %get3A_216 = memref.load %arg4[%get3A_213, %get3A_214, %get3A_215] : memref<1x8x21xf32, #tpu.memory_space<smem>>
    %broadcast_in_dim3A_217 = vector.broadcast %get3A_216 : f32 to vector<128x128xf32>
    %select_n3A_218 = arith.select %eq3A_200, %broadcast_in_dim3A_217, %select_n3A_143 : vector<128x128xi1>, vector<128x128xf32>
    %get3A_219 = arith.constant 0 : index
    %get3A_220 = arith.constant 2 : index
    %get3A_221 = arith.constant 3 : index
    %get3A_222 = memref.load %arg4[%get3A_219, %get3A_220, %get3A_221] : memref<1x8x21xf32, #tpu.memory_space<smem>>
    %broadcast_in_dim3A_223 = vector.broadcast %get3A_222 : f32 to vector<128x128xf32>
    %select_n3A_224 = arith.select %eq3A_200, %broadcast_in_dim3A_223, %select_n3A_149 : vector<128x128xi1>, vector<128x128xf32>
    %get3A_225 = arith.constant 0 : index
    %get3A_226 = arith.constant 2 : index
    %get3A_227 = arith.constant 4 : index
    %get3A_228 = memref.load %arg4[%get3A_225, %get3A_226, %get3A_227] : memref<1x8x21xf32, #tpu.memory_space<smem>>
    %broadcast_in_dim3A_229 = vector.broadcast %get3A_228 : f32 to vector<128x128xf32>
    %select_n3A_230 = arith.select %eq3A_200, %broadcast_in_dim3A_229, %select_n3A_155 : vector<128x128xi1>, vector<128x128xf32>
    %get3A_231 = arith.constant 0 : index
    %get3A_232 = arith.constant 2 : index
    %get3A_233 = arith.constant 5 : index
    %get3A_234 = memref.load %arg4[%get3A_231, %get3A_232, %get3A_233] : memref<1x8x21xf32, #tpu.memory_space<smem>>
    %broadcast_in_dim3A_235 = vector.broadcast %get3A_234 : f32 to vector<128x128xf32>
    %select_n3A_236 = arith.select %eq3A_200, %broadcast_in_dim3A_235, %select_n3A_161 : vector<128x128xi1>, vector<128x128xf32>
    %get3A_237 = arith.constant 0 : index
    %get3A_238 = arith.constant 2 : index
    %get3A_239 = arith.constant 6 : index
    %get3A_240 = memref.load %arg4[%get3A_237, %get3A_238, %get3A_239] : memref<1x8x21xf32, #tpu.memory_space<smem>>
    %broadcast_in_dim3A_241 = vector.broadcast %get3A_240 : f32 to vector<128x128xf32>
    %select_n3A_242 = arith.select %eq3A_200, %broadcast_in_dim3A_241, %select_n3A_167 : vector<128x128xi1>, vector<128x128xf32>
    %get3A_243 = arith.constant 0 : index
    %get3A_244 = arith.constant 2 : index
    %get3A_245 = arith.constant 7 : index
    %get3A_246 = memref.load %arg4[%get3A_243, %get3A_244, %get3A_245] : memref<1x8x21xf32, #tpu.memory_space<smem>>
    %broadcast_in_dim3A_247 = vector.broadcast %get3A_246 : f32 to vector<128x128xf32>
    %select_n3A_248 = arith.select %eq3A_200, %broadcast_in_dim3A_247, %select_n3A_173 : vector<128x128xi1>, vector<128x128xf32>
    %get3A_249 = arith.constant 0 : index
    %get3A_250 = arith.constant 2 : index
    %get3A_251 = arith.constant 8 : index
    %get3A_252 = memref.load %arg4[%get3A_249, %get3A_250, %get3A_251] : memref<1x8x21xf32, #tpu.memory_space<smem>>
    %broadcast_in_dim3A_253 = vector.broadcast %get3A_252 : f32 to vector<128x128xf32>
    %select_n3A_254 = arith.select %eq3A_200, %broadcast_in_dim3A_253, %select_n3A_179 : vector<128x128xi1>, vector<128x128xf32>
    %get3A_255 = arith.constant 0 : index
    %get3A_256 = arith.constant 2 : index
    %get3A_257 = arith.constant 9 : index
    %get3A_258 = memref.load %arg4[%get3A_255, %get3A_256, %get3A_257] : memref<1x8x21xf32, #tpu.memory_space<smem>>
    %broadcast_in_dim3A_259 = vector.broadcast %get3A_258 : f32 to vector<128x128xf32>
    %select_n3A_260 = arith.select %eq3A_200, %broadcast_in_dim3A_259, %select_n3A_185 : vector<128x128xi1>, vector<128x128xf32>
    %get3A_261 = arith.constant 0 : index
    %get3A_262 = arith.constant 2 : index
    %get3A_263 = arith.constant 10 : index
    %get3A_264 = memref.load %arg4[%get3A_261, %get3A_262, %get3A_263] : memref<1x8x21xf32, #tpu.memory_space<smem>>
    %broadcast_in_dim3A_265 = vector.broadcast %get3A_264 : f32 to vector<128x128xf32>
    %select_n3A_266 = arith.select %eq3A_200, %broadcast_in_dim3A_265, %select_n3A_191 : vector<128x128xi1>, vector<128x128xf32>
    %get3A_267 = arith.constant 0 : index
    %get3A_268 = arith.constant 2 : index
    %get3A_269 = arith.constant 11 : index
    %get3A_270 = memref.load %arg4[%get3A_267, %get3A_268, %get3A_269] : memref<1x8x21xf32, #tpu.memory_space<smem>>
    %broadcast_in_dim3A_271 = vector.broadcast %get3A_270 : f32 to vector<128x128xf32>
    %select_n3A_272 = arith.select %eq3A_200, %broadcast_in_dim3A_271, %select_n3A_197 : vector<128x128xi1>, vector<128x128xf32>
    %eq3A_273 = arith.constant 3 : i32
    %eq3A_274 = vector.broadcast %eq3A_273 : i32 to vector<128x128xi32>
    %eq3A_275 = arith.cmpi eq, %sub3A_45, %eq3A_274 : vector<128x128xi32>
    %get3A_276 = arith.constant 0 : index
    %get3A_277 = arith.constant 3 : index
    %get3A_278 = arith.constant 0 : index
    %get3A_279 = memref.load %arg4[%get3A_276, %get3A_277, %get3A_278] : memref<1x8x21xf32, #tpu.memory_space<smem>>
    %broadcast_in_dim3A_280 = vector.broadcast %get3A_279 : f32 to vector<128x128xf32>
    %select_n3A_281 = arith.select %eq3A_275, %broadcast_in_dim3A_280, %select_n3A_206 : vector<128x128xi1>, vector<128x128xf32>
    %get3A_282 = arith.constant 0 : index
    %get3A_283 = arith.constant 3 : index
    %get3A_284 = arith.constant 1 : index
    %get3A_285 = memref.load %arg4[%get3A_282, %get3A_283, %get3A_284] : memref<1x8x21xf32, #tpu.memory_space<smem>>
    %broadcast_in_dim3A_286 = vector.broadcast %get3A_285 : f32 to vector<128x128xf32>
    %select_n3A_287 = arith.select %eq3A_275, %broadcast_in_dim3A_286, %select_n3A_212 : vector<128x128xi1>, vector<128x128xf32>
    %get3A_288 = arith.constant 0 : index
    %get3A_289 = arith.constant 3 : index
    %get3A_290 = arith.constant 2 : index
    %get3A_291 = memref.load %arg4[%get3A_288, %get3A_289, %get3A_290] : memref<1x8x21xf32, #tpu.memory_space<smem>>
    %broadcast_in_dim3A_292 = vector.broadcast %get3A_291 : f32 to vector<128x128xf32>
    %select_n3A_293 = arith.select %eq3A_275, %broadcast_in_dim3A_292, %select_n3A_218 : vector<128x128xi1>, vector<128x128xf32>
    %get3A_294 = arith.constant 0 : index
    %get3A_295 = arith.constant 3 : index
    %get3A_296 = arith.constant 3 : index
    %get3A_297 = memref.load %arg4[%get3A_294, %get3A_295, %get3A_296] : memref<1x8x21xf32, #tpu.memory_space<smem>>
    %broadcast_in_dim3A_298 = vector.broadcast %get3A_297 : f32 to vector<128x128xf32>
    %select_n3A_299 = arith.select %eq3A_275, %broadcast_in_dim3A_298, %select_n3A_224 : vector<128x128xi1>, vector<128x128xf32>
    %get3A_300 = arith.constant 0 : index
    %get3A_301 = arith.constant 3 : index
    %get3A_302 = arith.constant 4 : index
    %get3A_303 = memref.load %arg4[%get3A_300, %get3A_301, %get3A_302] : memref<1x8x21xf32, #tpu.memory_space<smem>>
    %broadcast_in_dim3A_304 = vector.broadcast %get3A_303 : f32 to vector<128x128xf32>
    %select_n3A_305 = arith.select %eq3A_275, %broadcast_in_dim3A_304, %select_n3A_230 : vector<128x128xi1>, vector<128x128xf32>
    %get3A_306 = arith.constant 0 : index
    %get3A_307 = arith.constant 3 : index
    %get3A_308 = arith.constant 5 : index
    %get3A_309 = memref.load %arg4[%get3A_306, %get3A_307, %get3A_308] : memref<1x8x21xf32, #tpu.memory_space<smem>>
    %broadcast_in_dim3A_310 = vector.broadcast %get3A_309 : f32 to vector<128x128xf32>
    %select_n3A_311 = arith.select %eq3A_275, %broadcast_in_dim3A_310, %select_n3A_236 : vector<128x128xi1>, vector<128x128xf32>
    %get3A_312 = arith.constant 0 : index
    %get3A_313 = arith.constant 3 : index
    %get3A_314 = arith.constant 6 : index
    %get3A_315 = memref.load %arg4[%get3A_312, %get3A_313, %get3A_314] : memref<1x8x21xf32, #tpu.memory_space<smem>>
    %broadcast_in_dim3A_316 = vector.broadcast %get3A_315 : f32 to vector<128x128xf32>
    %select_n3A_317 = arith.select %eq3A_275, %broadcast_in_dim3A_316, %select_n3A_242 : vector<128x128xi1>, vector<128x128xf32>
    %get3A_318 = arith.constant 0 : index
    %get3A_319 = arith.constant 3 : index
    %get3A_320 = arith.constant 7 : index
    %get3A_321 = memref.load %arg4[%get3A_318, %get3A_319, %get3A_320] : memref<1x8x21xf32, #tpu.memory_space<smem>>
    %broadcast_in_dim3A_322 = vector.broadcast %get3A_321 : f32 to vector<128x128xf32>
    %select_n3A_323 = arith.select %eq3A_275, %broadcast_in_dim3A_322, %select_n3A_248 : vector<128x128xi1>, vector<128x128xf32>
    %get3A_324 = arith.constant 0 : index
    %get3A_325 = arith.constant 3 : index
    %get3A_326 = arith.constant 8 : index
    %get3A_327 = memref.load %arg4[%get3A_324, %get3A_325, %get3A_326] : memref<1x8x21xf32, #tpu.memory_space<smem>>
    %broadcast_in_dim3A_328 = vector.broadcast %get3A_327 : f32 to vector<128x128xf32>
    %select_n3A_329 = arith.select %eq3A_275, %broadcast_in_dim3A_328, %select_n3A_254 : vector<128x128xi1>, vector<128x128xf32>
    %get3A_330 = arith.constant 0 : index
    %get3A_331 = arith.constant 3 : index
    %get3A_332 = arith.constant 9 : index
    %get3A_333 = memref.load %arg4[%get3A_330, %get3A_331, %get3A_332] : memref<1x8x21xf32, #tpu.memory_space<smem>>
    %broadcast_in_dim3A_334 = vector.broadcast %get3A_333 : f32 to vector<128x128xf32>
    %select_n3A_335 = arith.select %eq3A_275, %broadcast_in_dim3A_334, %select_n3A_260 : vector<128x128xi1>, vector<128x128xf32>
    %get3A_336 = arith.constant 0 : index
    %get3A_337 = arith.constant 3 : index
    %get3A_338 = arith.constant 10 : index
    %get3A_339 = memref.load %arg4[%get3A_336, %get3A_337, %get3A_338] : memref<1x8x21xf32, #tpu.memory_space<smem>>
    %broadcast_in_dim3A_340 = vector.broadcast %get3A_339 : f32 to vector<128x128xf32>
    %select_n3A_341 = arith.select %eq3A_275, %broadcast_in_dim3A_340, %select_n3A_266 : vector<128x128xi1>, vector<128x128xf32>
    %get3A_342 = arith.constant 0 : index
    %get3A_343 = arith.constant 3 : index
    %get3A_344 = arith.constant 11 : index
    %get3A_345 = memref.load %arg4[%get3A_342, %get3A_343, %get3A_344] : memref<1x8x21xf32, #tpu.memory_space<smem>>
    %broadcast_in_dim3A_346 = vector.broadcast %get3A_345 : f32 to vector<128x128xf32>
    %select_n3A_347 = arith.select %eq3A_275, %broadcast_in_dim3A_346, %select_n3A_272 : vector<128x128xi1>, vector<128x128xf32>
    %eq3A_348 = arith.constant 4 : i32
    %eq3A_349 = vector.broadcast %eq3A_348 : i32 to vector<128x128xi32>
    %eq3A_350 = arith.cmpi eq, %sub3A_45, %eq3A_349 : vector<128x128xi32>
    %get3A_351 = arith.constant 0 : index
    %get3A_352 = arith.constant 4 : index
    %get3A_353 = arith.constant 0 : index
    %get3A_354 = memref.load %arg4[%get3A_351, %get3A_352, %get3A_353] : memref<1x8x21xf32, #tpu.memory_space<smem>>
    %broadcast_in_dim3A_355 = vector.broadcast %get3A_354 : f32 to vector<128x128xf32>
    %select_n3A_356 = arith.select %eq3A_350, %broadcast_in_dim3A_355, %select_n3A_281 : vector<128x128xi1>, vector<128x128xf32>
    %get3A_357 = arith.constant 0 : index
    %get3A_358 = arith.constant 4 : index
    %get3A_359 = arith.constant 1 : index
    %get3A_360 = memref.load %arg4[%get3A_357, %get3A_358, %get3A_359] : memref<1x8x21xf32, #tpu.memory_space<smem>>
    %broadcast_in_dim3A_361 = vector.broadcast %get3A_360 : f32 to vector<128x128xf32>
    %select_n3A_362 = arith.select %eq3A_350, %broadcast_in_dim3A_361, %select_n3A_287 : vector<128x128xi1>, vector<128x128xf32>
    %get3A_363 = arith.constant 0 : index
    %get3A_364 = arith.constant 4 : index
    %get3A_365 = arith.constant 2 : index
    %get3A_366 = memref.load %arg4[%get3A_363, %get3A_364, %get3A_365] : memref<1x8x21xf32, #tpu.memory_space<smem>>
    %broadcast_in_dim3A_367 = vector.broadcast %get3A_366 : f32 to vector<128x128xf32>
    %select_n3A_368 = arith.select %eq3A_350, %broadcast_in_dim3A_367, %select_n3A_293 : vector<128x128xi1>, vector<128x128xf32>
    %get3A_369 = arith.constant 0 : index
    %get3A_370 = arith.constant 4 : index
    %get3A_371 = arith.constant 3 : index
    %get3A_372 = memref.load %arg4[%get3A_369, %get3A_370, %get3A_371] : memref<1x8x21xf32, #tpu.memory_space<smem>>
    %broadcast_in_dim3A_373 = vector.broadcast %get3A_372 : f32 to vector<128x128xf32>
    %select_n3A_374 = arith.select %eq3A_350, %broadcast_in_dim3A_373, %select_n3A_299 : vector<128x128xi1>, vector<128x128xf32>
    %get3A_375 = arith.constant 0 : index
    %get3A_376 = arith.constant 4 : index
    %get3A_377 = arith.constant 4 : index
    %get3A_378 = memref.load %arg4[%get3A_375, %get3A_376, %get3A_377] : memref<1x8x21xf32, #tpu.memory_space<smem>>
    %broadcast_in_dim3A_379 = vector.broadcast %get3A_378 : f32 to vector<128x128xf32>
    %select_n3A_380 = arith.select %eq3A_350, %broadcast_in_dim3A_379, %select_n3A_305 : vector<128x128xi1>, vector<128x128xf32>
    %get3A_381 = arith.constant 0 : index
    %get3A_382 = arith.constant 4 : index
    %get3A_383 = arith.constant 5 : index
    %get3A_384 = memref.load %arg4[%get3A_381, %get3A_382, %get3A_383] : memref<1x8x21xf32, #tpu.memory_space<smem>>
    %broadcast_in_dim3A_385 = vector.broadcast %get3A_384 : f32 to vector<128x128xf32>
    %select_n3A_386 = arith.select %eq3A_350, %broadcast_in_dim3A_385, %select_n3A_311 : vector<128x128xi1>, vector<128x128xf32>
    %get3A_387 = arith.constant 0 : index
    %get3A_388 = arith.constant 4 : index
    %get3A_389 = arith.constant 6 : index
    %get3A_390 = memref.load %arg4[%get3A_387, %get3A_388, %get3A_389] : memref<1x8x21xf32, #tpu.memory_space<smem>>
    %broadcast_in_dim3A_391 = vector.broadcast %get3A_390 : f32 to vector<128x128xf32>
    %select_n3A_392 = arith.select %eq3A_350, %broadcast_in_dim3A_391, %select_n3A_317 : vector<128x128xi1>, vector<128x128xf32>
    %get3A_393 = arith.constant 0 : index
    %get3A_394 = arith.constant 4 : index
    %get3A_395 = arith.constant 7 : index
    %get3A_396 = memref.load %arg4[%get3A_393, %get3A_394, %get3A_395] : memref<1x8x21xf32, #tpu.memory_space<smem>>
    %broadcast_in_dim3A_397 = vector.broadcast %get3A_396 : f32 to vector<128x128xf32>
    %select_n3A_398 = arith.select %eq3A_350, %broadcast_in_dim3A_397, %select_n3A_323 : vector<128x128xi1>, vector<128x128xf32>
    %get3A_399 = arith.constant 0 : index
    %get3A_400 = arith.constant 4 : index
    %get3A_401 = arith.constant 8 : index
    %get3A_402 = memref.load %arg4[%get3A_399, %get3A_400, %get3A_401] : memref<1x8x21xf32, #tpu.memory_space<smem>>
    %broadcast_in_dim3A_403 = vector.broadcast %get3A_402 : f32 to vector<128x128xf32>
    %select_n3A_404 = arith.select %eq3A_350, %broadcast_in_dim3A_403, %select_n3A_329 : vector<128x128xi1>, vector<128x128xf32>
    %get3A_405 = arith.constant 0 : index
    %get3A_406 = arith.constant 4 : index
    %get3A_407 = arith.constant 9 : index
    %get3A_408 = memref.load %arg4[%get3A_405, %get3A_406, %get3A_407] : memref<1x8x21xf32, #tpu.memory_space<smem>>
    %broadcast_in_dim3A_409 = vector.broadcast %get3A_408 : f32 to vector<128x128xf32>
    %select_n3A_410 = arith.select %eq3A_350, %broadcast_in_dim3A_409, %select_n3A_335 : vector<128x128xi1>, vector<128x128xf32>
    %get3A_411 = arith.constant 0 : index
    %get3A_412 = arith.constant 4 : index
    %get3A_413 = arith.constant 10 : index
    %get3A_414 = memref.load %arg4[%get3A_411, %get3A_412, %get3A_413] : memref<1x8x21xf32, #tpu.memory_space<smem>>
    %broadcast_in_dim3A_415 = vector.broadcast %get3A_414 : f32 to vector<128x128xf32>
    %select_n3A_416 = arith.select %eq3A_350, %broadcast_in_dim3A_415, %select_n3A_341 : vector<128x128xi1>, vector<128x128xf32>
    %get3A_417 = arith.constant 0 : index
    %get3A_418 = arith.constant 4 : index
    %get3A_419 = arith.constant 11 : index
    %get3A_420 = memref.load %arg4[%get3A_417, %get3A_418, %get3A_419] : memref<1x8x21xf32, #tpu.memory_space<smem>>
    %broadcast_in_dim3A_421 = vector.broadcast %get3A_420 : f32 to vector<128x128xf32>
    %select_n3A_422 = arith.select %eq3A_350, %broadcast_in_dim3A_421, %select_n3A_347 : vector<128x128xi1>, vector<128x128xf32>
    %eq3A_423 = arith.constant 5 : i32
    %eq3A_424 = vector.broadcast %eq3A_423 : i32 to vector<128x128xi32>
    %eq3A_425 = arith.cmpi eq, %sub3A_45, %eq3A_424 : vector<128x128xi32>
    %get3A_426 = arith.constant 0 : index
    %get3A_427 = arith.constant 5 : index
    %get3A_428 = arith.constant 0 : index
    %get3A_429 = memref.load %arg4[%get3A_426, %get3A_427, %get3A_428] : memref<1x8x21xf32, #tpu.memory_space<smem>>
    %broadcast_in_dim3A_430 = vector.broadcast %get3A_429 : f32 to vector<128x128xf32>
    %select_n3A_431 = arith.select %eq3A_425, %broadcast_in_dim3A_430, %select_n3A_356 : vector<128x128xi1>, vector<128x128xf32>
    %get3A_432 = arith.constant 0 : index
    %get3A_433 = arith.constant 5 : index
    %get3A_434 = arith.constant 1 : index
    %get3A_435 = memref.load %arg4[%get3A_432, %get3A_433, %get3A_434] : memref<1x8x21xf32, #tpu.memory_space<smem>>
    %broadcast_in_dim3A_436 = vector.broadcast %get3A_435 : f32 to vector<128x128xf32>
    %select_n3A_437 = arith.select %eq3A_425, %broadcast_in_dim3A_436, %select_n3A_362 : vector<128x128xi1>, vector<128x128xf32>
    %get3A_438 = arith.constant 0 : index
    %get3A_439 = arith.constant 5 : index
    %get3A_440 = arith.constant 2 : index
    %get3A_441 = memref.load %arg4[%get3A_438, %get3A_439, %get3A_440] : memref<1x8x21xf32, #tpu.memory_space<smem>>
    %broadcast_in_dim3A_442 = vector.broadcast %get3A_441 : f32 to vector<128x128xf32>
    %select_n3A_443 = arith.select %eq3A_425, %broadcast_in_dim3A_442, %select_n3A_368 : vector<128x128xi1>, vector<128x128xf32>
    %get3A_444 = arith.constant 0 : index
    %get3A_445 = arith.constant 5 : index
    %get3A_446 = arith.constant 3 : index
    %get3A_447 = memref.load %arg4[%get3A_444, %get3A_445, %get3A_446] : memref<1x8x21xf32, #tpu.memory_space<smem>>
    %broadcast_in_dim3A_448 = vector.broadcast %get3A_447 : f32 to vector<128x128xf32>
    %select_n3A_449 = arith.select %eq3A_425, %broadcast_in_dim3A_448, %select_n3A_374 : vector<128x128xi1>, vector<128x128xf32>
    %get3A_450 = arith.constant 0 : index
    %get3A_451 = arith.constant 5 : index
    %get3A_452 = arith.constant 4 : index
    %get3A_453 = memref.load %arg4[%get3A_450, %get3A_451, %get3A_452] : memref<1x8x21xf32, #tpu.memory_space<smem>>
    %broadcast_in_dim3A_454 = vector.broadcast %get3A_453 : f32 to vector<128x128xf32>
    %select_n3A_455 = arith.select %eq3A_425, %broadcast_in_dim3A_454, %select_n3A_380 : vector<128x128xi1>, vector<128x128xf32>
    %get3A_456 = arith.constant 0 : index
    %get3A_457 = arith.constant 5 : index
    %get3A_458 = arith.constant 5 : index
    %get3A_459 = memref.load %arg4[%get3A_456, %get3A_457, %get3A_458] : memref<1x8x21xf32, #tpu.memory_space<smem>>
    %broadcast_in_dim3A_460 = vector.broadcast %get3A_459 : f32 to vector<128x128xf32>
    %select_n3A_461 = arith.select %eq3A_425, %broadcast_in_dim3A_460, %select_n3A_386 : vector<128x128xi1>, vector<128x128xf32>
    %get3A_462 = arith.constant 0 : index
    %get3A_463 = arith.constant 5 : index
    %get3A_464 = arith.constant 6 : index
    %get3A_465 = memref.load %arg4[%get3A_462, %get3A_463, %get3A_464] : memref<1x8x21xf32, #tpu.memory_space<smem>>
    %broadcast_in_dim3A_466 = vector.broadcast %get3A_465 : f32 to vector<128x128xf32>
    %select_n3A_467 = arith.select %eq3A_425, %broadcast_in_dim3A_466, %select_n3A_392 : vector<128x128xi1>, vector<128x128xf32>
    %get3A_468 = arith.constant 0 : index
    %get3A_469 = arith.constant 5 : index
    %get3A_470 = arith.constant 7 : index
    %get3A_471 = memref.load %arg4[%get3A_468, %get3A_469, %get3A_470] : memref<1x8x21xf32, #tpu.memory_space<smem>>
    %broadcast_in_dim3A_472 = vector.broadcast %get3A_471 : f32 to vector<128x128xf32>
    %select_n3A_473 = arith.select %eq3A_425, %broadcast_in_dim3A_472, %select_n3A_398 : vector<128x128xi1>, vector<128x128xf32>
    %get3A_474 = arith.constant 0 : index
    %get3A_475 = arith.constant 5 : index
    %get3A_476 = arith.constant 8 : index
    %get3A_477 = memref.load %arg4[%get3A_474, %get3A_475, %get3A_476] : memref<1x8x21xf32, #tpu.memory_space<smem>>
    %broadcast_in_dim3A_478 = vector.broadcast %get3A_477 : f32 to vector<128x128xf32>
    %select_n3A_479 = arith.select %eq3A_425, %broadcast_in_dim3A_478, %select_n3A_404 : vector<128x128xi1>, vector<128x128xf32>
    %get3A_480 = arith.constant 0 : index
    %get3A_481 = arith.constant 5 : index
    %get3A_482 = arith.constant 9 : index
    %get3A_483 = memref.load %arg4[%get3A_480, %get3A_481, %get3A_482] : memref<1x8x21xf32, #tpu.memory_space<smem>>
    %broadcast_in_dim3A_484 = vector.broadcast %get3A_483 : f32 to vector<128x128xf32>
    %select_n3A_485 = arith.select %eq3A_425, %broadcast_in_dim3A_484, %select_n3A_410 : vector<128x128xi1>, vector<128x128xf32>
    %get3A_486 = arith.constant 0 : index
    %get3A_487 = arith.constant 5 : index
    %get3A_488 = arith.constant 10 : index
    %get3A_489 = memref.load %arg4[%get3A_486, %get3A_487, %get3A_488] : memref<1x8x21xf32, #tpu.memory_space<smem>>
    %broadcast_in_dim3A_490 = vector.broadcast %get3A_489 : f32 to vector<128x128xf32>
    %select_n3A_491 = arith.select %eq3A_425, %broadcast_in_dim3A_490, %select_n3A_416 : vector<128x128xi1>, vector<128x128xf32>
    %get3A_492 = arith.constant 0 : index
    %get3A_493 = arith.constant 5 : index
    %get3A_494 = arith.constant 11 : index
    %get3A_495 = memref.load %arg4[%get3A_492, %get3A_493, %get3A_494] : memref<1x8x21xf32, #tpu.memory_space<smem>>
    %broadcast_in_dim3A_496 = vector.broadcast %get3A_495 : f32 to vector<128x128xf32>
    %select_n3A_497 = arith.select %eq3A_425, %broadcast_in_dim3A_496, %select_n3A_422 : vector<128x128xi1>, vector<128x128xf32>
    %eq3A_498 = arith.constant 6 : i32
    %eq3A_499 = vector.broadcast %eq3A_498 : i32 to vector<128x128xi32>
    %eq3A_500 = arith.cmpi eq, %sub3A_45, %eq3A_499 : vector<128x128xi32>
    %get3A_501 = arith.constant 0 : index
    %get3A_502 = arith.constant 6 : index
    %get3A_503 = arith.constant 0 : index
    %get3A_504 = memref.load %arg4[%get3A_501, %get3A_502, %get3A_503] : memref<1x8x21xf32, #tpu.memory_space<smem>>
    %broadcast_in_dim3A_505 = vector.broadcast %get3A_504 : f32 to vector<128x128xf32>
    %select_n3A_506 = arith.select %eq3A_500, %broadcast_in_dim3A_505, %select_n3A_431 : vector<128x128xi1>, vector<128x128xf32>
    %get3A_507 = arith.constant 0 : index
    %get3A_508 = arith.constant 6 : index
    %get3A_509 = arith.constant 1 : index
    %get3A_510 = memref.load %arg4[%get3A_507, %get3A_508, %get3A_509] : memref<1x8x21xf32, #tpu.memory_space<smem>>
    %broadcast_in_dim3A_511 = vector.broadcast %get3A_510 : f32 to vector<128x128xf32>
    %select_n3A_512 = arith.select %eq3A_500, %broadcast_in_dim3A_511, %select_n3A_437 : vector<128x128xi1>, vector<128x128xf32>
    %get3A_513 = arith.constant 0 : index
    %get3A_514 = arith.constant 6 : index
    %get3A_515 = arith.constant 2 : index
    %get3A_516 = memref.load %arg4[%get3A_513, %get3A_514, %get3A_515] : memref<1x8x21xf32, #tpu.memory_space<smem>>
    %broadcast_in_dim3A_517 = vector.broadcast %get3A_516 : f32 to vector<128x128xf32>
    %select_n3A_518 = arith.select %eq3A_500, %broadcast_in_dim3A_517, %select_n3A_443 : vector<128x128xi1>, vector<128x128xf32>
    %get3A_519 = arith.constant 0 : index
    %get3A_520 = arith.constant 6 : index
    %get3A_521 = arith.constant 3 : index
    %get3A_522 = memref.load %arg4[%get3A_519, %get3A_520, %get3A_521] : memref<1x8x21xf32, #tpu.memory_space<smem>>
    %broadcast_in_dim3A_523 = vector.broadcast %get3A_522 : f32 to vector<128x128xf32>
    %select_n3A_524 = arith.select %eq3A_500, %broadcast_in_dim3A_523, %select_n3A_449 : vector<128x128xi1>, vector<128x128xf32>
    %get3A_525 = arith.constant 0 : index
    %get3A_526 = arith.constant 6 : index
    %get3A_527 = arith.constant 4 : index
    %get3A_528 = memref.load %arg4[%get3A_525, %get3A_526, %get3A_527] : memref<1x8x21xf32, #tpu.memory_space<smem>>
    %broadcast_in_dim3A_529 = vector.broadcast %get3A_528 : f32 to vector<128x128xf32>
    %select_n3A_530 = arith.select %eq3A_500, %broadcast_in_dim3A_529, %select_n3A_455 : vector<128x128xi1>, vector<128x128xf32>
    %get3A_531 = arith.constant 0 : index
    %get3A_532 = arith.constant 6 : index
    %get3A_533 = arith.constant 5 : index
    %get3A_534 = memref.load %arg4[%get3A_531, %get3A_532, %get3A_533] : memref<1x8x21xf32, #tpu.memory_space<smem>>
    %broadcast_in_dim3A_535 = vector.broadcast %get3A_534 : f32 to vector<128x128xf32>
    %select_n3A_536 = arith.select %eq3A_500, %broadcast_in_dim3A_535, %select_n3A_461 : vector<128x128xi1>, vector<128x128xf32>
    %get3A_537 = arith.constant 0 : index
    %get3A_538 = arith.constant 6 : index
    %get3A_539 = arith.constant 6 : index
    %get3A_540 = memref.load %arg4[%get3A_537, %get3A_538, %get3A_539] : memref<1x8x21xf32, #tpu.memory_space<smem>>
    %broadcast_in_dim3A_541 = vector.broadcast %get3A_540 : f32 to vector<128x128xf32>
    %select_n3A_542 = arith.select %eq3A_500, %broadcast_in_dim3A_541, %select_n3A_467 : vector<128x128xi1>, vector<128x128xf32>
    %get3A_543 = arith.constant 0 : index
    %get3A_544 = arith.constant 6 : index
    %get3A_545 = arith.constant 7 : index
    %get3A_546 = memref.load %arg4[%get3A_543, %get3A_544, %get3A_545] : memref<1x8x21xf32, #tpu.memory_space<smem>>
    %broadcast_in_dim3A_547 = vector.broadcast %get3A_546 : f32 to vector<128x128xf32>
    %select_n3A_548 = arith.select %eq3A_500, %broadcast_in_dim3A_547, %select_n3A_473 : vector<128x128xi1>, vector<128x128xf32>
    %get3A_549 = arith.constant 0 : index
    %get3A_550 = arith.constant 6 : index
    %get3A_551 = arith.constant 8 : index
    %get3A_552 = memref.load %arg4[%get3A_549, %get3A_550, %get3A_551] : memref<1x8x21xf32, #tpu.memory_space<smem>>
    %broadcast_in_dim3A_553 = vector.broadcast %get3A_552 : f32 to vector<128x128xf32>
    %select_n3A_554 = arith.select %eq3A_500, %broadcast_in_dim3A_553, %select_n3A_479 : vector<128x128xi1>, vector<128x128xf32>
    %get3A_555 = arith.constant 0 : index
    %get3A_556 = arith.constant 6 : index
    %get3A_557 = arith.constant 9 : index
    %get3A_558 = memref.load %arg4[%get3A_555, %get3A_556, %get3A_557] : memref<1x8x21xf32, #tpu.memory_space<smem>>
    %broadcast_in_dim3A_559 = vector.broadcast %get3A_558 : f32 to vector<128x128xf32>
    %select_n3A_560 = arith.select %eq3A_500, %broadcast_in_dim3A_559, %select_n3A_485 : vector<128x128xi1>, vector<128x128xf32>
    %get3A_561 = arith.constant 0 : index
    %get3A_562 = arith.constant 6 : index
    %get3A_563 = arith.constant 10 : index
    %get3A_564 = memref.load %arg4[%get3A_561, %get3A_562, %get3A_563] : memref<1x8x21xf32, #tpu.memory_space<smem>>
    %broadcast_in_dim3A_565 = vector.broadcast %get3A_564 : f32 to vector<128x128xf32>
    %select_n3A_566 = arith.select %eq3A_500, %broadcast_in_dim3A_565, %select_n3A_491 : vector<128x128xi1>, vector<128x128xf32>
    %get3A_567 = arith.constant 0 : index
    %get3A_568 = arith.constant 6 : index
    %get3A_569 = arith.constant 11 : index
    %get3A_570 = memref.load %arg4[%get3A_567, %get3A_568, %get3A_569] : memref<1x8x21xf32, #tpu.memory_space<smem>>
    %broadcast_in_dim3A_571 = vector.broadcast %get3A_570 : f32 to vector<128x128xf32>
    %select_n3A_572 = arith.select %eq3A_500, %broadcast_in_dim3A_571, %select_n3A_497 : vector<128x128xi1>, vector<128x128xf32>
    %eq3A_573 = arith.constant 7 : i32
    %eq3A_574 = vector.broadcast %eq3A_573 : i32 to vector<128x128xi32>
    %eq3A_575 = arith.cmpi eq, %sub3A_45, %eq3A_574 : vector<128x128xi32>
    %get3A_576 = arith.constant 0 : index
    %get3A_577 = arith.constant 7 : index
    %get3A_578 = arith.constant 0 : index
    %get3A_579 = memref.load %arg4[%get3A_576, %get3A_577, %get3A_578] : memref<1x8x21xf32, #tpu.memory_space<smem>>
    %broadcast_in_dim3A_580 = vector.broadcast %get3A_579 : f32 to vector<128x128xf32>
    %select_n3A_581 = arith.select %eq3A_575, %broadcast_in_dim3A_580, %select_n3A_506 : vector<128x128xi1>, vector<128x128xf32>
    %get3A_582 = arith.constant 0 : index
    %get3A_583 = arith.constant 7 : index
    %get3A_584 = arith.constant 1 : index
    %get3A_585 = memref.load %arg4[%get3A_582, %get3A_583, %get3A_584] : memref<1x8x21xf32, #tpu.memory_space<smem>>
    %broadcast_in_dim3A_586 = vector.broadcast %get3A_585 : f32 to vector<128x128xf32>
    %select_n3A_587 = arith.select %eq3A_575, %broadcast_in_dim3A_586, %select_n3A_512 : vector<128x128xi1>, vector<128x128xf32>
    %get3A_588 = arith.constant 0 : index
    %get3A_589 = arith.constant 7 : index
    %get3A_590 = arith.constant 2 : index
    %get3A_591 = memref.load %arg4[%get3A_588, %get3A_589, %get3A_590] : memref<1x8x21xf32, #tpu.memory_space<smem>>
    %broadcast_in_dim3A_592 = vector.broadcast %get3A_591 : f32 to vector<128x128xf32>
    %select_n3A_593 = arith.select %eq3A_575, %broadcast_in_dim3A_592, %select_n3A_518 : vector<128x128xi1>, vector<128x128xf32>
    %get3A_594 = arith.constant 0 : index
    %get3A_595 = arith.constant 7 : index
    %get3A_596 = arith.constant 3 : index
    %get3A_597 = memref.load %arg4[%get3A_594, %get3A_595, %get3A_596] : memref<1x8x21xf32, #tpu.memory_space<smem>>
    %broadcast_in_dim3A_598 = vector.broadcast %get3A_597 : f32 to vector<128x128xf32>
    %select_n3A_599 = arith.select %eq3A_575, %broadcast_in_dim3A_598, %select_n3A_524 : vector<128x128xi1>, vector<128x128xf32>
    %get3A_600 = arith.constant 0 : index
    %get3A_601 = arith.constant 7 : index
    %get3A_602 = arith.constant 4 : index
    %get3A_603 = memref.load %arg4[%get3A_600, %get3A_601, %get3A_602] : memref<1x8x21xf32, #tpu.memory_space<smem>>
    %broadcast_in_dim3A_604 = vector.broadcast %get3A_603 : f32 to vector<128x128xf32>
    %select_n3A_605 = arith.select %eq3A_575, %broadcast_in_dim3A_604, %select_n3A_530 : vector<128x128xi1>, vector<128x128xf32>
    %get3A_606 = arith.constant 0 : index
    %get3A_607 = arith.constant 7 : index
    %get3A_608 = arith.constant 5 : index
    %get3A_609 = memref.load %arg4[%get3A_606, %get3A_607, %get3A_608] : memref<1x8x21xf32, #tpu.memory_space<smem>>
    %broadcast_in_dim3A_610 = vector.broadcast %get3A_609 : f32 to vector<128x128xf32>
    %select_n3A_611 = arith.select %eq3A_575, %broadcast_in_dim3A_610, %select_n3A_536 : vector<128x128xi1>, vector<128x128xf32>
    %get3A_612 = arith.constant 0 : index
    %get3A_613 = arith.constant 7 : index
    %get3A_614 = arith.constant 6 : index
    %get3A_615 = memref.load %arg4[%get3A_612, %get3A_613, %get3A_614] : memref<1x8x21xf32, #tpu.memory_space<smem>>
    %broadcast_in_dim3A_616 = vector.broadcast %get3A_615 : f32 to vector<128x128xf32>
    %select_n3A_617 = arith.select %eq3A_575, %broadcast_in_dim3A_616, %select_n3A_542 : vector<128x128xi1>, vector<128x128xf32>
    %get3A_618 = arith.constant 0 : index
    %get3A_619 = arith.constant 7 : index
    %get3A_620 = arith.constant 7 : index
    %get3A_621 = memref.load %arg4[%get3A_618, %get3A_619, %get3A_620] : memref<1x8x21xf32, #tpu.memory_space<smem>>
    %broadcast_in_dim3A_622 = vector.broadcast %get3A_621 : f32 to vector<128x128xf32>
    %select_n3A_623 = arith.select %eq3A_575, %broadcast_in_dim3A_622, %select_n3A_548 : vector<128x128xi1>, vector<128x128xf32>
    %get3A_624 = arith.constant 0 : index
    %get3A_625 = arith.constant 7 : index
    %get3A_626 = arith.constant 8 : index
    %get3A_627 = memref.load %arg4[%get3A_624, %get3A_625, %get3A_626] : memref<1x8x21xf32, #tpu.memory_space<smem>>
    %broadcast_in_dim3A_628 = vector.broadcast %get3A_627 : f32 to vector<128x128xf32>
    %select_n3A_629 = arith.select %eq3A_575, %broadcast_in_dim3A_628, %select_n3A_554 : vector<128x128xi1>, vector<128x128xf32>
    %get3A_630 = arith.constant 0 : index
    %get3A_631 = arith.constant 7 : index
    %get3A_632 = arith.constant 9 : index
    %get3A_633 = memref.load %arg4[%get3A_630, %get3A_631, %get3A_632] : memref<1x8x21xf32, #tpu.memory_space<smem>>
    %broadcast_in_dim3A_634 = vector.broadcast %get3A_633 : f32 to vector<128x128xf32>
    %select_n3A_635 = arith.select %eq3A_575, %broadcast_in_dim3A_634, %select_n3A_560 : vector<128x128xi1>, vector<128x128xf32>
    %get3A_636 = arith.constant 0 : index
    %get3A_637 = arith.constant 7 : index
    %get3A_638 = arith.constant 10 : index
    %get3A_639 = memref.load %arg4[%get3A_636, %get3A_637, %get3A_638] : memref<1x8x21xf32, #tpu.memory_space<smem>>
    %broadcast_in_dim3A_640 = vector.broadcast %get3A_639 : f32 to vector<128x128xf32>
    %select_n3A_641 = arith.select %eq3A_575, %broadcast_in_dim3A_640, %select_n3A_566 : vector<128x128xi1>, vector<128x128xf32>
    %get3A_642 = arith.constant 0 : index
    %get3A_643 = arith.constant 7 : index
    %get3A_644 = arith.constant 11 : index
    %get3A_645 = memref.load %arg4[%get3A_642, %get3A_643, %get3A_644] : memref<1x8x21xf32, #tpu.memory_space<smem>>
    %broadcast_in_dim3A_646 = vector.broadcast %get3A_645 : f32 to vector<128x128xf32>
    %select_n3A_647 = arith.select %eq3A_575, %broadcast_in_dim3A_646, %select_n3A_572 : vector<128x128xi1>, vector<128x128xf32>
    %add3A_648 = arith.addf %select_n3A_581, %select_n3A_593 : vector<128x128xf32>
    %mul3A_649 = arith.constant 5.000000e-01 : f32
    %mul3A_650 = vector.broadcast %mul3A_649 : f32 to vector<128x128xf32>
    %mul3A_651 = arith.mulf %add3A_648, %mul3A_650 : vector<128x128xf32>
    %sub3A_652 = arith.subf %mul3A_651, %get3A_5 : vector<128x128xf32>
    %mul3A_653 = arith.constant 1.000000e-01 : f32
    %mul3A_654 = vector.broadcast %mul3A_653 : f32 to vector<128x128xf32>
    %mul3A_655 = arith.mulf %mul3A_654, %get3A_15 : vector<128x128xf32>
    %div3A = arith.divf %sub3A_652, %mul3A_655 : vector<128x128xf32>
    %add3A_656 = arith.addf %select_n3A_587, %select_n3A_599 : vector<128x128xf32>
    %mul3A_657 = arith.constant 5.000000e-01 : f32
    %mul3A_658 = vector.broadcast %mul3A_657 : f32 to vector<128x128xf32>
    %mul3A_659 = arith.mulf %add3A_656, %mul3A_658 : vector<128x128xf32>
    %sub3A_660 = arith.subf %mul3A_659, %get3A_10 : vector<128x128xf32>
    %mul3A_661 = arith.constant 1.000000e-01 : f32
    %mul3A_662 = vector.broadcast %mul3A_661 : f32 to vector<128x128xf32>
    %mul3A_663 = arith.mulf %mul3A_662, %get3A_20 : vector<128x128xf32>
    %div3A_664 = arith.divf %sub3A_660, %mul3A_663 : vector<128x128xf32>
    %sub3A_665 = arith.subf %select_n3A_593, %select_n3A_581 : vector<128x128xf32>
    %div3A_666 = arith.divf %sub3A_665, %get3A_15 : vector<128x128xf32>
    %max3A = arith.constant 9.99999993E-9 : f32
    %max3A_667 = vector.broadcast %max3A : f32 to vector<128x128xf32>
    %max3A_668 = arith.maximumf %div3A_666, %max3A_667 : vector<128x128xf32>
    %log3A = math.log %max3A_668 : vector<128x128xf32>
    %div3A_669 = arith.constant 2.000000e-01 : f32
    %div3A_670 = vector.broadcast %div3A_669 : f32 to vector<128x128xf32>
    %div3A_671 = arith.divf %log3A, %div3A_670 : vector<128x128xf32>
    %sub3A_672 = arith.subf %select_n3A_599, %select_n3A_587 : vector<128x128xf32>
    %div3A_673 = arith.divf %sub3A_672, %get3A_20 : vector<128x128xf32>
    %max3A_674 = arith.constant 9.99999993E-9 : f32
    %max3A_675 = vector.broadcast %max3A_674 : f32 to vector<128x128xf32>
    %max3A_676 = arith.maximumf %div3A_673, %max3A_675 : vector<128x128xf32>
    %log3A_677 = math.log %max3A_676 : vector<128x128xf32>
    %div3A_678 = arith.constant 2.000000e-01 : f32
    %div3A_679 = vector.broadcast %div3A_678 : f32 to vector<128x128xf32>
    %div3A_680 = arith.divf %log3A_677, %div3A_679 : vector<128x128xf32>
    %get3A_681 = arith.constant 0 : index
    %get3A_682 = arith.constant 0 : index
    %get3A_683 = arith.constant 0 : index
    %get3A_684 = arith.constant 0 : index
    %get3A_685 = vector.load %arg1[%get3A_681, %get3A_682, %get3A_683, %get3A_684] : memref<1x4x128x128xf32, #tpu.memory_space<vmem>>, vector<1x1x128x128xf32>
    %get3A_686 = vector.shape_cast %get3A_685 : vector<1x1x128x128xf32> to vector<128x128xf32>
    %sub3A_687 = arith.subf %get3A_686, %div3A : vector<128x128xf32>
    %abs3A = math.absf %sub3A_687 : vector<128x128xf32>
    %lt3A = arith.constant 1.000000e+00 : f32
    %lt3A_688 = vector.broadcast %lt3A : f32 to vector<128x128xf32>
    %lt3A_689 = arith.cmpf olt, %abs3A, %lt3A_688 : vector<128x128xf32>
    %mul3A_690 = arith.constant 5.000000e-01 : f32
    %mul3A_691 = vector.broadcast %mul3A_690 : f32 to vector<128x128xf32>
    %mul3A_692 = arith.mulf %mul3A_691, %abs3A : vector<128x128xf32>
    %mul3A_693 = arith.mulf %mul3A_692, %abs3A : vector<128x128xf32>
    %sub3A_694 = arith.constant 5.000000e-01 : f32
    %sub3A_695 = vector.broadcast %sub3A_694 : f32 to vector<128x128xf32>
    %sub3A_696 = arith.subf %abs3A, %sub3A_695 : vector<128x128xf32>
    %select_n3A_697 = arith.select %lt3A_689, %mul3A_693, %sub3A_696 : vector<128x128xi1>, vector<128x128xf32>
    %mul3A_698 = arith.mulf %select_n3A_697, %convert_element_type3A_42 : vector<128x128xf32>
    %reduce_sum3A = vector.shape_cast %mul3A_698 : vector<128x128xf32> to vector<1x128x128xf32>
    %reduce_sum3A_699 = arith.constant dense<0.000000e+00> : vector<1xf32>
    %reduce_sum3A_700 = vector.multi_reduction <add>, %reduce_sum3A, %reduce_sum3A_699 [1, 2] : vector<1x128x128xf32> to vector<1xf32>
    %reduce_sum3A_701 = vector.shape_cast %reduce_sum3A_700 : vector<1xf32> to vector<1x1x1xf32>
    %reduce_sum3A_702 = vector.extract %reduce_sum3A_701[0, 0, 0] : f32 from vector<1x1x1xf32>
    %get3A_703 = arith.constant 0 : index
    %get3A_704 = arith.constant 1 : index
    %get3A_705 = arith.constant 0 : index
    %get3A_706 = arith.constant 0 : index
    %get3A_707 = vector.load %arg1[%get3A_703, %get3A_704, %get3A_705, %get3A_706] : memref<1x4x128x128xf32, #tpu.memory_space<vmem>>, vector<1x1x128x128xf32>
    %get3A_708 = vector.shape_cast %get3A_707 : vector<1x1x128x128xf32> to vector<128x128xf32>
    %sub3A_709 = arith.subf %get3A_708, %div3A_664 : vector<128x128xf32>
    %abs3A_710 = math.absf %sub3A_709 : vector<128x128xf32>
    %lt3A_711 = arith.constant 1.000000e+00 : f32
    %lt3A_712 = vector.broadcast %lt3A_711 : f32 to vector<128x128xf32>
    %lt3A_713 = arith.cmpf olt, %abs3A_710, %lt3A_712 : vector<128x128xf32>
    %mul3A_714 = arith.constant 5.000000e-01 : f32
    %mul3A_715 = vector.broadcast %mul3A_714 : f32 to vector<128x128xf32>
    %mul3A_716 = arith.mulf %mul3A_715, %abs3A_710 : vector<128x128xf32>
    %mul3A_717 = arith.mulf %mul3A_716, %abs3A_710 : vector<128x128xf32>
    %sub3A_718 = arith.constant 5.000000e-01 : f32
    %sub3A_719 = vector.broadcast %sub3A_718 : f32 to vector<128x128xf32>
    %sub3A_720 = arith.subf %abs3A_710, %sub3A_719 : vector<128x128xf32>
    %select_n3A_721 = arith.select %lt3A_713, %mul3A_717, %sub3A_720 : vector<128x128xi1>, vector<128x128xf32>
    %mul3A_722 = arith.mulf %select_n3A_721, %convert_element_type3A_42 : vector<128x128xf32>
    %reduce_sum3A_723 = vector.shape_cast %mul3A_722 : vector<128x128xf32> to vector<1x128x128xf32>
    %reduce_sum3A_724 = arith.constant dense<0.000000e+00> : vector<1xf32>
    %reduce_sum3A_725 = vector.multi_reduction <add>, %reduce_sum3A_723, %reduce_sum3A_724 [1, 2] : vector<1x128x128xf32> to vector<1xf32>
    %reduce_sum3A_726 = vector.shape_cast %reduce_sum3A_725 : vector<1xf32> to vector<1x1x1xf32>
    %reduce_sum3A_727 = vector.extract %reduce_sum3A_726[0, 0, 0] : f32 from vector<1x1x1xf32>
    %add3A_728 = arith.addf %reduce_sum3A_702, %reduce_sum3A_727 : f32
    %get3A_729 = arith.constant 0 : index
    %get3A_730 = arith.constant 2 : index
    %get3A_731 = arith.constant 0 : index
    %get3A_732 = arith.constant 0 : index
    %get3A_733 = vector.load %arg1[%get3A_729, %get3A_730, %get3A_731, %get3A_732] : memref<1x4x128x128xf32, #tpu.memory_space<vmem>>, vector<1x1x128x128xf32>
    %get3A_734 = vector.shape_cast %get3A_733 : vector<1x1x128x128xf32> to vector<128x128xf32>
    %sub3A_735 = arith.subf %get3A_734, %div3A_671 : vector<128x128xf32>
    %abs3A_736 = math.absf %sub3A_735 : vector<128x128xf32>
    %lt3A_737 = arith.constant 1.000000e+00 : f32
    %lt3A_738 = vector.broadcast %lt3A_737 : f32 to vector<128x128xf32>
    %lt3A_739 = arith.cmpf olt, %abs3A_736, %lt3A_738 : vector<128x128xf32>
    %mul3A_740 = arith.constant 5.000000e-01 : f32
    %mul3A_741 = vector.broadcast %mul3A_740 : f32 to vector<128x128xf32>
    %mul3A_742 = arith.mulf %mul3A_741, %abs3A_736 : vector<128x128xf32>
    %mul3A_743 = arith.mulf %mul3A_742, %abs3A_736 : vector<128x128xf32>
    %sub3A_744 = arith.constant 5.000000e-01 : f32
    %sub3A_745 = vector.broadcast %sub3A_744 : f32 to vector<128x128xf32>
    %sub3A_746 = arith.subf %abs3A_736, %sub3A_745 : vector<128x128xf32>
    %select_n3A_747 = arith.select %lt3A_739, %mul3A_743, %sub3A_746 : vector<128x128xi1>, vector<128x128xf32>
    %mul3A_748 = arith.mulf %select_n3A_747, %convert_element_type3A_42 : vector<128x128xf32>
    %reduce_sum3A_749 = vector.shape_cast %mul3A_748 : vector<128x128xf32> to vector<1x128x128xf32>
    %reduce_sum3A_750 = arith.constant dense<0.000000e+00> : vector<1xf32>
    %reduce_sum3A_751 = vector.multi_reduction <add>, %reduce_sum3A_749, %reduce_sum3A_750 [1, 2] : vector<1x128x128xf32> to vector<1xf32>
    %reduce_sum3A_752 = vector.shape_cast %reduce_sum3A_751 : vector<1xf32> to vector<1x1x1xf32>
    %reduce_sum3A_753 = vector.extract %reduce_sum3A_752[0, 0, 0] : f32 from vector<1x1x1xf32>
    %add3A_754 = arith.addf %add3A_728, %reduce_sum3A_753 : f32
    %get3A_755 = arith.constant 0 : index
    %get3A_756 = arith.constant 3 : index
    %get3A_757 = arith.constant 0 : index
    %get3A_758 = arith.constant 0 : index
    %get3A_759 = vector.load %arg1[%get3A_755, %get3A_756, %get3A_757, %get3A_758] : memref<1x4x128x128xf32, #tpu.memory_space<vmem>>, vector<1x1x128x128xf32>
    %get3A_760 = vector.shape_cast %get3A_759 : vector<1x1x128x128xf32> to vector<128x128xf32>
    %sub3A_761 = arith.subf %get3A_760, %div3A_680 : vector<128x128xf32>
    %abs3A_762 = math.absf %sub3A_761 : vector<128x128xf32>
    %lt3A_763 = arith.constant 1.000000e+00 : f32
    %lt3A_764 = vector.broadcast %lt3A_763 : f32 to vector<128x128xf32>
    %lt3A_765 = arith.cmpf olt, %abs3A_762, %lt3A_764 : vector<128x128xf32>
    %mul3A_766 = arith.constant 5.000000e-01 : f32
    %mul3A_767 = vector.broadcast %mul3A_766 : f32 to vector<128x128xf32>
    %mul3A_768 = arith.mulf %mul3A_767, %abs3A_762 : vector<128x128xf32>
    %mul3A_769 = arith.mulf %mul3A_768, %abs3A_762 : vector<128x128xf32>
    %sub3A_770 = arith.constant 5.000000e-01 : f32
    %sub3A_771 = vector.broadcast %sub3A_770 : f32 to vector<128x128xf32>
    %sub3A_772 = arith.subf %abs3A_762, %sub3A_771 : vector<128x128xf32>
    %select_n3A_773 = arith.select %lt3A_765, %mul3A_769, %sub3A_772 : vector<128x128xi1>, vector<128x128xf32>
    %mul3A_774 = arith.mulf %select_n3A_773, %convert_element_type3A_42 : vector<128x128xf32>
    %reduce_sum3A_775 = vector.shape_cast %mul3A_774 : vector<128x128xf32> to vector<1x128x128xf32>
    %reduce_sum3A_776 = arith.constant dense<0.000000e+00> : vector<1xf32>
    %reduce_sum3A_777 = vector.multi_reduction <add>, %reduce_sum3A_775, %reduce_sum3A_776 [1, 2] : vector<1x128x128xf32> to vector<1xf32>
    %reduce_sum3A_778 = vector.shape_cast %reduce_sum3A_777 : vector<1xf32> to vector<1x1x1xf32>
    %reduce_sum3A_779 = vector.extract %reduce_sum3A_778[0, 0, 0] : f32 from vector<1x1x1xf32>
    %add3A_780 = arith.addf %add3A_754, %reduce_sum3A_779 : f32
    %get3A_781 = arith.constant 0 : index
    %get3A_782 = arith.constant 0 : index
    %get3A_783 = arith.constant 0 : index
    %get3A_784 = arith.constant 0 : index
    %get3A_785 = vector.load %arg2[%get3A_781, %get3A_782, %get3A_783, %get3A_784] : memref<1x6x128x128xf32, #tpu.memory_space<vmem>>, vector<1x1x128x128xf32>
    %get3A_786 = vector.shape_cast %get3A_785 : vector<1x1x128x128xf32> to vector<128x128xf32>
    %max3A_787 = arith.constant 0.000000e+00 : f32
    %max3A_788 = vector.broadcast %max3A_787 : f32 to vector<128x128xf32>
    %max3A_789 = arith.maximumf %get3A_786, %max3A_788 : vector<128x128xf32>
    %get3A_790 = arith.constant 0 : index
    %get3A_791 = arith.constant 1 : index
    %get3A_792 = arith.constant 0 : index
    %get3A_793 = arith.constant 0 : index
    %get3A_794 = vector.load %arg2[%get3A_790, %get3A_791, %get3A_792, %get3A_793] : memref<1x6x128x128xf32, #tpu.memory_space<vmem>>, vector<1x1x128x128xf32>
    %get3A_795 = vector.shape_cast %get3A_794 : vector<1x1x128x128xf32> to vector<128x128xf32>
    %get3A_796 = arith.constant 0 : index
    %get3A_797 = arith.constant 2 : index
    %get3A_798 = arith.constant 0 : index
    %get3A_799 = arith.constant 0 : index
    %get3A_800 = vector.load %arg2[%get3A_796, %get3A_797, %get3A_798, %get3A_799] : memref<1x6x128x128xf32, #tpu.memory_space<vmem>>, vector<1x1x128x128xf32>
    %get3A_801 = vector.shape_cast %get3A_800 : vector<1x1x128x128xf32> to vector<128x128xf32>
    %get3A_802 = arith.constant 0 : index
    %get3A_803 = arith.constant 3 : index
    %get3A_804 = arith.constant 0 : index
    %get3A_805 = arith.constant 0 : index
    %get3A_806 = vector.load %arg2[%get3A_802, %get3A_803, %get3A_804, %get3A_805] : memref<1x6x128x128xf32, #tpu.memory_space<vmem>>, vector<1x1x128x128xf32>
    %get3A_807 = vector.shape_cast %get3A_806 : vector<1x1x128x128xf32> to vector<128x128xf32>
    %get3A_808 = arith.constant 0 : index
    %get3A_809 = arith.constant 4 : index
    %get3A_810 = arith.constant 0 : index
    %get3A_811 = arith.constant 0 : index
    %get3A_812 = vector.load %arg2[%get3A_808, %get3A_809, %get3A_810, %get3A_811] : memref<1x6x128x128xf32, #tpu.memory_space<vmem>>, vector<1x1x128x128xf32>
    %get3A_813 = vector.shape_cast %get3A_812 : vector<1x1x128x128xf32> to vector<128x128xf32>
    %max3A_814 = arith.constant 0.000000e+00 : f32
    %max3A_815 = vector.broadcast %max3A_814 : f32 to vector<128x128xf32>
    %max3A_816 = arith.maximumf %get3A_813, %max3A_815 : vector<128x128xf32>
    %get3A_817 = arith.constant 0 : index
    %get3A_818 = arith.constant 5 : index
    %get3A_819 = arith.constant 0 : index
    %get3A_820 = arith.constant 0 : index
    %get3A_821 = vector.load %arg2[%get3A_817, %get3A_818, %get3A_819, %get3A_820] : memref<1x6x128x128xf32, #tpu.memory_space<vmem>>, vector<1x1x128x128xf32>
    %get3A_822 = vector.shape_cast %get3A_821 : vector<1x1x128x128xf32> to vector<128x128xf32>
    %mul3A_823 = arith.constant 2.000000e+00 : f32
    %mul3A_824 = vector.broadcast %mul3A_823 : f32 to vector<128x128xf32>
    %mul3A_825 = arith.mulf %sub3A, %mul3A_824 : vector<128x128xf32>
    %sub3A_826 = arith.constant 1.000000e+00 : f32
    %sub3A_827 = vector.broadcast %sub3A_826 : f32 to vector<128x128xf32>
    %sub3A_828 = arith.subf %mul3A_825, %sub3A_827 : vector<128x128xf32>
    %mul3A_829 = arith.constant 2.000000e+00 : f32
    %mul3A_830 = vector.broadcast %mul3A_829 : f32 to vector<128x128xf32>
    %mul3A_831 = arith.mulf %sub3A_26, %mul3A_830 : vector<128x128xf32>
    %sub3A_832 = arith.constant 1.000000e+00 : f32
    %sub3A_833 = vector.broadcast %sub3A_832 : f32 to vector<128x128xf32>
    %sub3A_834 = arith.subf %mul3A_831, %sub3A_833 : vector<128x128xf32>
    %mul3A_835 = arith.mulf %max3A_789, %sub3A_828 : vector<128x128xf32>
    %mul3A_836 = arith.mulf %get3A_795, %sub3A_834 : vector<128x128xf32>
    %add3A_837 = arith.addf %mul3A_835, %mul3A_836 : vector<128x128xf32>
    %add3A_838 = arith.addf %add3A_837, %get3A_801 : vector<128x128xf32>
    %add3A_839 = arith.constant 1.000000e+00 : f32
    %add3A_840 = vector.broadcast %add3A_839 : f32 to vector<128x128xf32>
    %add3A_841 = arith.addf %add3A_838, %add3A_840 : vector<128x128xf32>
    %mul3A_842 = arith.constant 5.000000e-01 : f32
    %mul3A_843 = vector.broadcast %mul3A_842 : f32 to vector<128x128xf32>
    %mul3A_844 = arith.mulf %add3A_841, %mul3A_843 : vector<128x128xf32>
    %mul3A_845 = arith.mulf %get3A_807, %sub3A_828 : vector<128x128xf32>
    %mul3A_846 = arith.mulf %max3A_816, %sub3A_834 : vector<128x128xf32>
    %add3A_847 = arith.addf %mul3A_845, %mul3A_846 : vector<128x128xf32>
    %add3A_848 = arith.addf %add3A_847, %get3A_822 : vector<128x128xf32>
    %add3A_849 = arith.constant 1.000000e+00 : f32
    %add3A_850 = vector.broadcast %add3A_849 : f32 to vector<128x128xf32>
    %add3A_851 = arith.addf %add3A_848, %add3A_850 : vector<128x128xf32>
    %mul3A_852 = arith.constant 5.000000e-01 : f32
    %mul3A_853 = vector.broadcast %mul3A_852 : f32 to vector<128x128xf32>
    %mul3A_854 = arith.mulf %add3A_851, %mul3A_853 : vector<128x128xf32>
    %sub3A_855 = arith.subf %mul3A_844, %select_n3A_605 : vector<128x128xf32>
    %abs3A_856 = math.absf %sub3A_855 : vector<128x128xf32>
    %lt3A_857 = arith.constant 1.000000e+00 : f32
    %lt3A_858 = vector.broadcast %lt3A_857 : f32 to vector<128x128xf32>
    %lt3A_859 = arith.cmpf olt, %abs3A_856, %lt3A_858 : vector<128x128xf32>
    %mul3A_860 = arith.constant 5.000000e-01 : f32
    %mul3A_861 = vector.broadcast %mul3A_860 : f32 to vector<128x128xf32>
    %mul3A_862 = arith.mulf %mul3A_861, %abs3A_856 : vector<128x128xf32>
    %mul3A_863 = arith.mulf %mul3A_862, %abs3A_856 : vector<128x128xf32>
    %sub3A_864 = arith.constant 5.000000e-01 : f32
    %sub3A_865 = vector.broadcast %sub3A_864 : f32 to vector<128x128xf32>
    %sub3A_866 = arith.subf %abs3A_856, %sub3A_865 : vector<128x128xf32>
    %select_n3A_867 = arith.select %lt3A_859, %mul3A_863, %sub3A_866 : vector<128x128xi1>, vector<128x128xf32>
    %mul3A_868 = arith.mulf %select_n3A_867, %convert_element_type3A_42 : vector<128x128xf32>
    %reduce_sum3A_869 = vector.shape_cast %mul3A_868 : vector<128x128xf32> to vector<1x128x128xf32>
    %reduce_sum3A_870 = arith.constant dense<0.000000e+00> : vector<1xf32>
    %reduce_sum3A_871 = vector.multi_reduction <add>, %reduce_sum3A_869, %reduce_sum3A_870 [1, 2] : vector<1x128x128xf32> to vector<1xf32>
    %reduce_sum3A_872 = vector.shape_cast %reduce_sum3A_871 : vector<1xf32> to vector<1x1x1xf32>
    %reduce_sum3A_873 = vector.extract %reduce_sum3A_872[0, 0, 0] : f32 from vector<1x1x1xf32>
    %add3A_874 = arith.constant 0.000000e+00 : f32
    %add3A_875 = arith.addf %add3A_874, %reduce_sum3A_873 : f32
    %sub3A_876 = arith.subf %mul3A_854, %select_n3A_611 : vector<128x128xf32>
    %abs3A_877 = math.absf %sub3A_876 : vector<128x128xf32>
    %lt3A_878 = arith.constant 1.000000e+00 : f32
    %lt3A_879 = vector.broadcast %lt3A_878 : f32 to vector<128x128xf32>
    %lt3A_880 = arith.cmpf olt, %abs3A_877, %lt3A_879 : vector<128x128xf32>
    %mul3A_881 = arith.constant 5.000000e-01 : f32
    %mul3A_882 = vector.broadcast %mul3A_881 : f32 to vector<128x128xf32>
    %mul3A_883 = arith.mulf %mul3A_882, %abs3A_877 : vector<128x128xf32>
    %mul3A_884 = arith.mulf %mul3A_883, %abs3A_877 : vector<128x128xf32>
    %sub3A_885 = arith.constant 5.000000e-01 : f32
    %sub3A_886 = vector.broadcast %sub3A_885 : f32 to vector<128x128xf32>
    %sub3A_887 = arith.subf %abs3A_877, %sub3A_886 : vector<128x128xf32>
    %select_n3A_888 = arith.select %lt3A_880, %mul3A_884, %sub3A_887 : vector<128x128xi1>, vector<128x128xf32>
    %mul3A_889 = arith.mulf %select_n3A_888, %convert_element_type3A_42 : vector<128x128xf32>
    %reduce_sum3A_890 = vector.shape_cast %mul3A_889 : vector<128x128xf32> to vector<1x128x128xf32>
    %reduce_sum3A_891 = arith.constant dense<0.000000e+00> : vector<1xf32>
    %reduce_sum3A_892 = vector.multi_reduction <add>, %reduce_sum3A_890, %reduce_sum3A_891 [1, 2] : vector<1x128x128xf32> to vector<1xf32>
    %reduce_sum3A_893 = vector.shape_cast %reduce_sum3A_892 : vector<1xf32> to vector<1x1x1xf32>
    %reduce_sum3A_894 = vector.extract %reduce_sum3A_893[0, 0, 0] : f32 from vector<1x1x1xf32>
    %add3A_895 = arith.addf %add3A_875, %reduce_sum3A_894 : f32
    %mul3A_896 = arith.constant 2.000000e+00 : f32
    %mul3A_897 = vector.broadcast %mul3A_896 : f32 to vector<128x128xf32>
    %mul3A_898 = arith.mulf %add3A, %mul3A_897 : vector<128x128xf32>
    %sub3A_899 = arith.constant 1.000000e+00 : f32
    %sub3A_900 = vector.broadcast %sub3A_899 : f32 to vector<128x128xf32>
    %sub3A_901 = arith.subf %mul3A_898, %sub3A_900 : vector<128x128xf32>
    %mul3A_902 = arith.constant 2.000000e+00 : f32
    %mul3A_903 = vector.broadcast %mul3A_902 : f32 to vector<128x128xf32>
    %mul3A_904 = arith.mulf %sub3A_26, %mul3A_903 : vector<128x128xf32>
    %sub3A_905 = arith.constant 1.000000e+00 : f32
    %sub3A_906 = vector.broadcast %sub3A_905 : f32 to vector<128x128xf32>
    %sub3A_907 = arith.subf %mul3A_904, %sub3A_906 : vector<128x128xf32>
    %mul3A_908 = arith.mulf %max3A_789, %sub3A_901 : vector<128x128xf32>
    %mul3A_909 = arith.mulf %get3A_795, %sub3A_907 : vector<128x128xf32>
    %add3A_910 = arith.addf %mul3A_908, %mul3A_909 : vector<128x128xf32>
    %add3A_911 = arith.addf %add3A_910, %get3A_801 : vector<128x128xf32>
    %add3A_912 = arith.constant 1.000000e+00 : f32
    %add3A_913 = vector.broadcast %add3A_912 : f32 to vector<128x128xf32>
    %add3A_914 = arith.addf %add3A_911, %add3A_913 : vector<128x128xf32>
    %mul3A_915 = arith.constant 5.000000e-01 : f32
    %mul3A_916 = vector.broadcast %mul3A_915 : f32 to vector<128x128xf32>
    %mul3A_917 = arith.mulf %add3A_914, %mul3A_916 : vector<128x128xf32>
    %mul3A_918 = arith.mulf %get3A_807, %sub3A_901 : vector<128x128xf32>
    %mul3A_919 = arith.mulf %max3A_816, %sub3A_907 : vector<128x128xf32>
    %add3A_920 = arith.addf %mul3A_918, %mul3A_919 : vector<128x128xf32>
    %add3A_921 = arith.addf %add3A_920, %get3A_822 : vector<128x128xf32>
    %add3A_922 = arith.constant 1.000000e+00 : f32
    %add3A_923 = vector.broadcast %add3A_922 : f32 to vector<128x128xf32>
    %add3A_924 = arith.addf %add3A_921, %add3A_923 : vector<128x128xf32>
    %mul3A_925 = arith.constant 5.000000e-01 : f32
    %mul3A_926 = vector.broadcast %mul3A_925 : f32 to vector<128x128xf32>
    %mul3A_927 = arith.mulf %add3A_924, %mul3A_926 : vector<128x128xf32>
    %sub3A_928 = arith.subf %mul3A_917, %select_n3A_617 : vector<128x128xf32>
    %abs3A_929 = math.absf %sub3A_928 : vector<128x128xf32>
    %lt3A_930 = arith.constant 1.000000e+00 : f32
    %lt3A_931 = vector.broadcast %lt3A_930 : f32 to vector<128x128xf32>
    %lt3A_932 = arith.cmpf olt, %abs3A_929, %lt3A_931 : vector<128x128xf32>
    %mul3A_933 = arith.constant 5.000000e-01 : f32
    %mul3A_934 = vector.broadcast %mul3A_933 : f32 to vector<128x128xf32>
    %mul3A_935 = arith.mulf %mul3A_934, %abs3A_929 : vector<128x128xf32>
    %mul3A_936 = arith.mulf %mul3A_935, %abs3A_929 : vector<128x128xf32>
    %sub3A_937 = arith.constant 5.000000e-01 : f32
    %sub3A_938 = vector.broadcast %sub3A_937 : f32 to vector<128x128xf32>
    %sub3A_939 = arith.subf %abs3A_929, %sub3A_938 : vector<128x128xf32>
    %select_n3A_940 = arith.select %lt3A_932, %mul3A_936, %sub3A_939 : vector<128x128xi1>, vector<128x128xf32>
    %mul3A_941 = arith.mulf %select_n3A_940, %convert_element_type3A_42 : vector<128x128xf32>
    %reduce_sum3A_942 = vector.shape_cast %mul3A_941 : vector<128x128xf32> to vector<1x128x128xf32>
    %reduce_sum3A_943 = arith.constant dense<0.000000e+00> : vector<1xf32>
    %reduce_sum3A_944 = vector.multi_reduction <add>, %reduce_sum3A_942, %reduce_sum3A_943 [1, 2] : vector<1x128x128xf32> to vector<1xf32>
    %reduce_sum3A_945 = vector.shape_cast %reduce_sum3A_944 : vector<1xf32> to vector<1x1x1xf32>
    %reduce_sum3A_946 = vector.extract %reduce_sum3A_945[0, 0, 0] : f32 from vector<1x1x1xf32>
    %add3A_947 = arith.addf %add3A_895, %reduce_sum3A_946 : f32
    %sub3A_948 = arith.subf %mul3A_927, %select_n3A_623 : vector<128x128xf32>
    %abs3A_949 = math.absf %sub3A_948 : vector<128x128xf32>
    %lt3A_950 = arith.constant 1.000000e+00 : f32
    %lt3A_951 = vector.broadcast %lt3A_950 : f32 to vector<128x128xf32>
    %lt3A_952 = arith.cmpf olt, %abs3A_949, %lt3A_951 : vector<128x128xf32>
    %mul3A_953 = arith.constant 5.000000e-01 : f32
    %mul3A_954 = vector.broadcast %mul3A_953 : f32 to vector<128x128xf32>
    %mul3A_955 = arith.mulf %mul3A_954, %abs3A_949 : vector<128x128xf32>
    %mul3A_956 = arith.mulf %mul3A_955, %abs3A_949 : vector<128x128xf32>
    %sub3A_957 = arith.constant 5.000000e-01 : f32
    %sub3A_958 = vector.broadcast %sub3A_957 : f32 to vector<128x128xf32>
    %sub3A_959 = arith.subf %abs3A_949, %sub3A_958 : vector<128x128xf32>
    %select_n3A_960 = arith.select %lt3A_952, %mul3A_956, %sub3A_959 : vector<128x128xi1>, vector<128x128xf32>
    %mul3A_961 = arith.mulf %select_n3A_960, %convert_element_type3A_42 : vector<128x128xf32>
    %reduce_sum3A_962 = vector.shape_cast %mul3A_961 : vector<128x128xf32> to vector<1x128x128xf32>
    %reduce_sum3A_963 = arith.constant dense<0.000000e+00> : vector<1xf32>
    %reduce_sum3A_964 = vector.multi_reduction <add>, %reduce_sum3A_962, %reduce_sum3A_963 [1, 2] : vector<1x128x128xf32> to vector<1xf32>
    %reduce_sum3A_965 = vector.shape_cast %reduce_sum3A_964 : vector<1xf32> to vector<1x1x1xf32>
    %reduce_sum3A_966 = vector.extract %reduce_sum3A_965[0, 0, 0] : f32 from vector<1x1x1xf32>
    %add3A_967 = arith.addf %add3A_947, %reduce_sum3A_966 : f32
    %mul3A_968 = arith.constant 2.000000e+00 : f32
    %mul3A_969 = vector.broadcast %mul3A_968 : f32 to vector<128x128xf32>
    %mul3A_970 = arith.mulf %sub3A, %mul3A_969 : vector<128x128xf32>
    %sub3A_971 = arith.constant 1.000000e+00 : f32
    %sub3A_972 = vector.broadcast %sub3A_971 : f32 to vector<128x128xf32>
    %sub3A_973 = arith.subf %mul3A_970, %sub3A_972 : vector<128x128xf32>
    %mul3A_974 = arith.constant 2.000000e+00 : f32
    %mul3A_975 = vector.broadcast %mul3A_974 : f32 to vector<128x128xf32>
    %mul3A_976 = arith.mulf %add3A_33, %mul3A_975 : vector<128x128xf32>
    %sub3A_977 = arith.constant 1.000000e+00 : f32
    %sub3A_978 = vector.broadcast %sub3A_977 : f32 to vector<128x128xf32>
    %sub3A_979 = arith.subf %mul3A_976, %sub3A_978 : vector<128x128xf32>
    %mul3A_980 = arith.mulf %max3A_789, %sub3A_973 : vector<128x128xf32>
    %mul3A_981 = arith.mulf %get3A_795, %sub3A_979 : vector<128x128xf32>
    %add3A_982 = arith.addf %mul3A_980, %mul3A_981 : vector<128x128xf32>
    %add3A_983 = arith.addf %add3A_982, %get3A_801 : vector<128x128xf32>
    %add3A_984 = arith.constant 1.000000e+00 : f32
    %add3A_985 = vector.broadcast %add3A_984 : f32 to vector<128x128xf32>
    %add3A_986 = arith.addf %add3A_983, %add3A_985 : vector<128x128xf32>
    %mul3A_987 = arith.constant 5.000000e-01 : f32
    %mul3A_988 = vector.broadcast %mul3A_987 : f32 to vector<128x128xf32>
    %mul3A_989 = arith.mulf %add3A_986, %mul3A_988 : vector<128x128xf32>
    %mul3A_990 = arith.mulf %get3A_807, %sub3A_973 : vector<128x128xf32>
    %mul3A_991 = arith.mulf %max3A_816, %sub3A_979 : vector<128x128xf32>
    %add3A_992 = arith.addf %mul3A_990, %mul3A_991 : vector<128x128xf32>
    %add3A_993 = arith.addf %add3A_992, %get3A_822 : vector<128x128xf32>
    %add3A_994 = arith.constant 1.000000e+00 : f32
    %add3A_995 = vector.broadcast %add3A_994 : f32 to vector<128x128xf32>
    %add3A_996 = arith.addf %add3A_993, %add3A_995 : vector<128x128xf32>
    %mul3A_997 = arith.constant 5.000000e-01 : f32
    %mul3A_998 = vector.broadcast %mul3A_997 : f32 to vector<128x128xf32>
    %mul3A_999 = arith.mulf %add3A_996, %mul3A_998 : vector<128x128xf32>
    %sub3A_1000 = arith.subf %mul3A_989, %select_n3A_629 : vector<128x128xf32>
    %abs3A_1001 = math.absf %sub3A_1000 : vector<128x128xf32>
    %lt3A_1002 = arith.constant 1.000000e+00 : f32
    %lt3A_1003 = vector.broadcast %lt3A_1002 : f32 to vector<128x128xf32>
    %lt3A_1004 = arith.cmpf olt, %abs3A_1001, %lt3A_1003 : vector<128x128xf32>
    %mul3A_1005 = arith.constant 5.000000e-01 : f32
    %mul3A_1006 = vector.broadcast %mul3A_1005 : f32 to vector<128x128xf32>
    %mul3A_1007 = arith.mulf %mul3A_1006, %abs3A_1001 : vector<128x128xf32>
    %mul3A_1008 = arith.mulf %mul3A_1007, %abs3A_1001 : vector<128x128xf32>
    %sub3A_1009 = arith.constant 5.000000e-01 : f32
    %sub3A_1010 = vector.broadcast %sub3A_1009 : f32 to vector<128x128xf32>
    %sub3A_1011 = arith.subf %abs3A_1001, %sub3A_1010 : vector<128x128xf32>
    %select_n3A_1012 = arith.select %lt3A_1004, %mul3A_1008, %sub3A_1011 : vector<128x128xi1>, vector<128x128xf32>
    %mul3A_1013 = arith.mulf %select_n3A_1012, %convert_element_type3A_42 : vector<128x128xf32>
    %reduce_sum3A_1014 = vector.shape_cast %mul3A_1013 : vector<128x128xf32> to vector<1x128x128xf32>
    %reduce_sum3A_1015 = arith.constant dense<0.000000e+00> : vector<1xf32>
    %reduce_sum3A_1016 = vector.multi_reduction <add>, %reduce_sum3A_1014, %reduce_sum3A_1015 [1, 2] : vector<1x128x128xf32> to vector<1xf32>
    %reduce_sum3A_1017 = vector.shape_cast %reduce_sum3A_1016 : vector<1xf32> to vector<1x1x1xf32>
    %reduce_sum3A_1018 = vector.extract %reduce_sum3A_1017[0, 0, 0] : f32 from vector<1x1x1xf32>
    %add3A_1019 = arith.addf %add3A_967, %reduce_sum3A_1018 : f32
    %sub3A_1020 = arith.subf %mul3A_999, %select_n3A_635 : vector<128x128xf32>
    %abs3A_1021 = math.absf %sub3A_1020 : vector<128x128xf32>
    %lt3A_1022 = arith.constant 1.000000e+00 : f32
    %lt3A_1023 = vector.broadcast %lt3A_1022 : f32 to vector<128x128xf32>
    %lt3A_1024 = arith.cmpf olt, %abs3A_1021, %lt3A_1023 : vector<128x128xf32>
    %mul3A_1025 = arith.constant 5.000000e-01 : f32
    %mul3A_1026 = vector.broadcast %mul3A_1025 : f32 to vector<128x128xf32>
    %mul3A_1027 = arith.mulf %mul3A_1026, %abs3A_1021 : vector<128x128xf32>
    %mul3A_1028 = arith.mulf %mul3A_1027, %abs3A_1021 : vector<128x128xf32>
    %sub3A_1029 = arith.constant 5.000000e-01 : f32
    %sub3A_1030 = vector.broadcast %sub3A_1029 : f32 to vector<128x128xf32>
    %sub3A_1031 = arith.subf %abs3A_1021, %sub3A_1030 : vector<128x128xf32>
    %select_n3A_1032 = arith.select %lt3A_1024, %mul3A_1028, %sub3A_1031 : vector<128x128xi1>, vector<128x128xf32>
    %mul3A_1033 = arith.mulf %select_n3A_1032, %convert_element_type3A_42 : vector<128x128xf32>
    %reduce_sum3A_1034 = vector.shape_cast %mul3A_1033 : vector<128x128xf32> to vector<1x128x128xf32>
    %reduce_sum3A_1035 = arith.constant dense<0.000000e+00> : vector<1xf32>
    %reduce_sum3A_1036 = vector.multi_reduction <add>, %reduce_sum3A_1034, %reduce_sum3A_1035 [1, 2] : vector<1x128x128xf32> to vector<1xf32>
    %reduce_sum3A_1037 = vector.shape_cast %reduce_sum3A_1036 : vector<1xf32> to vector<1x1x1xf32>
    %reduce_sum3A_1038 = vector.extract %reduce_sum3A_1037[0, 0, 0] : f32 from vector<1x1x1xf32>
    %add3A_1039 = arith.addf %add3A_1019, %reduce_sum3A_1038 : f32
    %mul3A_1040 = arith.constant 2.000000e+00 : f32
    %mul3A_1041 = vector.broadcast %mul3A_1040 : f32 to vector<128x128xf32>
    %mul3A_1042 = arith.mulf %add3A, %mul3A_1041 : vector<128x128xf32>
    %sub3A_1043 = arith.constant 1.000000e+00 : f32
    %sub3A_1044 = vector.broadcast %sub3A_1043 : f32 to vector<128x128xf32>
    %sub3A_1045 = arith.subf %mul3A_1042, %sub3A_1044 : vector<128x128xf32>
    %mul3A_1046 = arith.constant 2.000000e+00 : f32
    %mul3A_1047 = vector.broadcast %mul3A_1046 : f32 to vector<128x128xf32>
    %mul3A_1048 = arith.mulf %add3A_33, %mul3A_1047 : vector<128x128xf32>
    %sub3A_1049 = arith.constant 1.000000e+00 : f32
    %sub3A_1050 = vector.broadcast %sub3A_1049 : f32 to vector<128x128xf32>
    %sub3A_1051 = arith.subf %mul3A_1048, %sub3A_1050 : vector<128x128xf32>
    %mul3A_1052 = arith.mulf %max3A_789, %sub3A_1045 : vector<128x128xf32>
    %mul3A_1053 = arith.mulf %get3A_795, %sub3A_1051 : vector<128x128xf32>
    %add3A_1054 = arith.addf %mul3A_1052, %mul3A_1053 : vector<128x128xf32>
    %add3A_1055 = arith.addf %add3A_1054, %get3A_801 : vector<128x128xf32>
    %add3A_1056 = arith.constant 1.000000e+00 : f32
    %add3A_1057 = vector.broadcast %add3A_1056 : f32 to vector<128x128xf32>
    %add3A_1058 = arith.addf %add3A_1055, %add3A_1057 : vector<128x128xf32>
    %mul3A_1059 = arith.constant 5.000000e-01 : f32
    %mul3A_1060 = vector.broadcast %mul3A_1059 : f32 to vector<128x128xf32>
    %mul3A_1061 = arith.mulf %add3A_1058, %mul3A_1060 : vector<128x128xf32>
    %mul3A_1062 = arith.mulf %get3A_807, %sub3A_1045 : vector<128x128xf32>
    %mul3A_1063 = arith.mulf %max3A_816, %sub3A_1051 : vector<128x128xf32>
    %add3A_1064 = arith.addf %mul3A_1062, %mul3A_1063 : vector<128x128xf32>
    %add3A_1065 = arith.addf %add3A_1064, %get3A_822 : vector<128x128xf32>
    %add3A_1066 = arith.constant 1.000000e+00 : f32
    %add3A_1067 = vector.broadcast %add3A_1066 : f32 to vector<128x128xf32>
    %add3A_1068 = arith.addf %add3A_1065, %add3A_1067 : vector<128x128xf32>
    %mul3A_1069 = arith.constant 5.000000e-01 : f32
    %mul3A_1070 = vector.broadcast %mul3A_1069 : f32 to vector<128x128xf32>
    %mul3A_1071 = arith.mulf %add3A_1068, %mul3A_1070 : vector<128x128xf32>
    %sub3A_1072 = arith.subf %mul3A_1061, %select_n3A_641 : vector<128x128xf32>
    %abs3A_1073 = math.absf %sub3A_1072 : vector<128x128xf32>
    %lt3A_1074 = arith.constant 1.000000e+00 : f32
    %lt3A_1075 = vector.broadcast %lt3A_1074 : f32 to vector<128x128xf32>
    %lt3A_1076 = arith.cmpf olt, %abs3A_1073, %lt3A_1075 : vector<128x128xf32>
    %mul3A_1077 = arith.constant 5.000000e-01 : f32
    %mul3A_1078 = vector.broadcast %mul3A_1077 : f32 to vector<128x128xf32>
    %mul3A_1079 = arith.mulf %mul3A_1078, %abs3A_1073 : vector<128x128xf32>
    %mul3A_1080 = arith.mulf %mul3A_1079, %abs3A_1073 : vector<128x128xf32>
    %sub3A_1081 = arith.constant 5.000000e-01 : f32
    %sub3A_1082 = vector.broadcast %sub3A_1081 : f32 to vector<128x128xf32>
    %sub3A_1083 = arith.subf %abs3A_1073, %sub3A_1082 : vector<128x128xf32>
    %select_n3A_1084 = arith.select %lt3A_1076, %mul3A_1080, %sub3A_1083 : vector<128x128xi1>, vector<128x128xf32>
    %mul3A_1085 = arith.mulf %select_n3A_1084, %convert_element_type3A_42 : vector<128x128xf32>
    %reduce_sum3A_1086 = vector.shape_cast %mul3A_1085 : vector<128x128xf32> to vector<1x128x128xf32>
    %reduce_sum3A_1087 = arith.constant dense<0.000000e+00> : vector<1xf32>
    %reduce_sum3A_1088 = vector.multi_reduction <add>, %reduce_sum3A_1086, %reduce_sum3A_1087 [1, 2] : vector<1x128x128xf32> to vector<1xf32>
    %reduce_sum3A_1089 = vector.shape_cast %reduce_sum3A_1088 : vector<1xf32> to vector<1x1x1xf32>
    %reduce_sum3A_1090 = vector.extract %reduce_sum3A_1089[0, 0, 0] : f32 from vector<1x1x1xf32>
    %add3A_1091 = arith.addf %add3A_1039, %reduce_sum3A_1090 : f32
    %sub3A_1092 = arith.subf %mul3A_1071, %select_n3A_647 : vector<128x128xf32>
    %abs3A_1093 = math.absf %sub3A_1092 : vector<128x128xf32>
    %lt3A_1094 = arith.constant 1.000000e+00 : f32
    %lt3A_1095 = vector.broadcast %lt3A_1094 : f32 to vector<128x128xf32>
    %lt3A_1096 = arith.cmpf olt, %abs3A_1093, %lt3A_1095 : vector<128x128xf32>
    %mul3A_1097 = arith.constant 5.000000e-01 : f32
    %mul3A_1098 = vector.broadcast %mul3A_1097 : f32 to vector<128x128xf32>
    %mul3A_1099 = arith.mulf %mul3A_1098, %abs3A_1093 : vector<128x128xf32>
    %mul3A_1100 = arith.mulf %mul3A_1099, %abs3A_1093 : vector<128x128xf32>
    %sub3A_1101 = arith.constant 5.000000e-01 : f32
    %sub3A_1102 = vector.broadcast %sub3A_1101 : f32 to vector<128x128xf32>
    %sub3A_1103 = arith.subf %abs3A_1093, %sub3A_1102 : vector<128x128xf32>
    %select_n3A_1104 = arith.select %lt3A_1096, %mul3A_1100, %sub3A_1103 : vector<128x128xi1>, vector<128x128xf32>
    %mul3A_1105 = arith.mulf %select_n3A_1104, %convert_element_type3A_42 : vector<128x128xf32>
    %reduce_sum3A_1106 = vector.shape_cast %mul3A_1105 : vector<128x128xf32> to vector<1x128x128xf32>
    %reduce_sum3A_1107 = arith.constant dense<0.000000e+00> : vector<1xf32>
    %reduce_sum3A_1108 = vector.multi_reduction <add>, %reduce_sum3A_1106, %reduce_sum3A_1107 [1, 2] : vector<1x128x128xf32> to vector<1xf32>
    %reduce_sum3A_1109 = vector.shape_cast %reduce_sum3A_1108 : vector<1xf32> to vector<1x1x1xf32>
    %reduce_sum3A_1110 = vector.extract %reduce_sum3A_1109[0, 0, 0] : f32 from vector<1x1x1xf32>
    %add3A_1111 = arith.addf %add3A_1091, %reduce_sum3A_1110 : f32
    %get3A_1112 = arith.constant 0 : index
    %get3A_1113 = memref.load %arg7[%get3A_1112] : memref<8xf32, #tpu.memory_space<smem>>
    %add3A_1114 = arith.addf %get3A_1113, %add3A_780 : f32
    %swap3A = arith.constant 0 : index
    %swap3A_1115 = memref.load %arg7[%swap3A] : memref<8xf32, #tpu.memory_space<smem>>
    memref.store %add3A_1114, %arg7[%swap3A] : memref<8xf32, #tpu.memory_space<smem>>
    %get3A_1116 = arith.constant 1 : index
    %get3A_1117 = memref.load %arg7[%get3A_1116] : memref<8xf32, #tpu.memory_space<smem>>
    %add3A_1118 = arith.addf %get3A_1117, %add3A_1111 : f32
    %swap3A_1119 = arith.constant 1 : index
    %swap3A_1120 = memref.load %arg7[%swap3A_1119] : memref<8xf32, #tpu.memory_space<smem>>
    memref.store %add3A_1118, %arg7[%swap3A_1119] : memref<8xf32, #tpu.memory_space<smem>>
    %eq3A_1121 = arith.constant 15 : i32
    %eq3A_1122 = arith.cmpi eq, %arg0, %eq3A_1121 : i32
    %convert_element_type3A_1123 = arith.extui %eq3A_1122 : i1 to i32
    %cond3A_1124 = arith.constant 0 : i32
    %cond3A_1125 = arith.cmpi ne, %convert_element_type3A_1123, %cond3A_1124 : i32
    scf.if %cond3A_1125 {
      %get3A_1126 = arith.constant 0 : index
      %get3A_1127 = memref.load %arg7[%get3A_1126] : memref<8xf32, #tpu.memory_space<smem>>
      %swap3A_1128 = arith.constant 0 : index
      %swap3A_1129 = arith.constant 0 : index
      %swap3A_1130 = memref.load %arg6[%swap3A_1128, %swap3A_1129] : memref<1x8xf32, #tpu.memory_space<smem>>
      memref.store %get3A_1127, %arg6[%swap3A_1128, %swap3A_1129] : memref<1x8xf32, #tpu.memory_space<smem>>
      %get3A_1131 = arith.constant 1 : index
      %get3A_1132 = memref.load %arg7[%get3A_1131] : memref<8xf32, #tpu.memory_space<smem>>
      %swap3A_1133 = arith.constant 0 : index
      %swap3A_1134 = arith.constant 1 : index
      %swap3A_1135 = memref.load %arg6[%swap3A_1133, %swap3A_1134] : memref<1x8xf32, #tpu.memory_space<smem>>
      memref.store %get3A_1132, %arg6[%swap3A_1133, %swap3A_1134] : memref<1x8xf32, #tpu.memory_space<smem>>
    } else {
    }
    return
  }
  func.func @transform_0(%arg0: i32) -> (i32, i32, i32, i32) {
    %c0_i32 = arith.constant 0 : i32
    %c0_i32_0 = arith.constant 0 : i32
    %c0_i32_1 = arith.constant 0 : i32
    %c0_i32_2 = arith.constant 0 : i32
    return %arg0, %c0_i32, %c0_i32_0, %c0_i32_1 : i32, i32, i32, i32
  }
  func.func @transform_1(%arg0: i32) -> (i32, i32, i32, i32) {
    %c0_i32 = arith.constant 0 : i32
    %c0_i32_0 = arith.constant 0 : i32
    %c0_i32_1 = arith.constant 0 : i32
    %c0_i32_2 = arith.constant 0 : i32
    return %arg0, %c0_i32, %c0_i32_0, %c0_i32_1 : i32, i32, i32, i32
  }
  func.func @transform_2(%arg0: i32) -> (i32, i32, i32) {
    %c0_i32 = arith.constant 0 : i32
    %c0_i32_0 = arith.constant 0 : i32
    %c0_i32_1 = arith.constant 0 : i32
    %c0_i32_2 = arith.constant 0 : i32
    return %c0_i32, %c0_i32_0, %c0_i32_1 : i32, i32, i32
  }
  func.func @transform_3(%arg0: i32) -> (i32, i32, i32) {
    %c0_i32 = arith.constant 0 : i32
    %c0_i32_0 = arith.constant 0 : i32
    %c0_i32_1 = arith.constant 0 : i32
    return %arg0, %c0_i32, %c0_i32_0 : i32, i32, i32
  }
  func.func @transform_4(%arg0: i32) -> (i32, i32, i32) {
    %c0_i32 = arith.constant 0 : i32
    %c0_i32_0 = arith.constant 0 : i32
    %c0_i32_1 = arith.constant 0 : i32
    return %arg0, %c0_i32, %c0_i32_0 : i32, i32, i32
  }
  func.func @transform_5(%arg0: i32) -> (i32, i32) {
    %c0_i32 = arith.constant 0 : i32
    %c0_i32_0 = arith.constant 0 : i32
    %c0_i32_1 = arith.constant 0 : i32
    return %c0_i32, %c0_i32_0 : i32, i32
  }
}

module attributes {stable_mosaic.version = 14 : i64} {
  func.func @_combine_kernel(%arg0: memref<1x8xf32, #tpu.memory_space<smem>>, %arg1: memref<1x8xf32, #tpu.memory_space<smem>>, %arg2: memref<16x16xf32, #tpu.memory_space<vmem>>, %arg3: memref<1x1xf32, #tpu.memory_space<smem>>, %arg4: memref<1x1xf32, #tpu.memory_space<smem>>, %arg5: memref<1x1xf32, #tpu.memory_space<smem>>) attributes {dimension_semantics = [], scalar_prefetch = 0 : i64, scratch_operands = 0 : i64, tpu.core_type = #tpu.core_type<tc>} {
    %get3A = arith.constant 0 : index
    %get3A_0 = arith.constant 0 : index
    %get3A_1 = vector.load %arg2[%get3A, %get3A_0] : memref<16x16xf32, #tpu.memory_space<vmem>>, vector<16x1xf32>
    %get3A_2 = vector.shape_cast %get3A_1 : vector<16x1xf32> to vector<16xf32>
    %reduce_sum3A = vector.shape_cast %get3A_2 : vector<16xf32> to vector<1x16xf32>
    %reduce_sum3A_3 = arith.constant dense<0.000000e+00> : vector<1xf32>
    %reduce_sum3A_4 = vector.multi_reduction <add>, %reduce_sum3A, %reduce_sum3A_3 [1] : vector<1x16xf32> to vector<1xf32>
    %reduce_sum3A_5 = vector.shape_cast %reduce_sum3A_4 : vector<1xf32> to vector<1x1xf32>
    %reduce_sum3A_6 = vector.extract %reduce_sum3A_5[0, 0] : f32 from vector<1x1xf32>
    %get3A_7 = arith.constant 0 : index
    %get3A_8 = arith.constant 1 : index
    %get3A_9 = memref.load %arg0[%get3A_7, %get3A_8] : memref<1x8xf32, #tpu.memory_space<smem>>
    %max3A = arith.constant 1.000000e+00 : f32
    %max3A_10 = arith.maximumf %get3A_9, %max3A : f32
    %get3A_11 = arith.constant 0 : index
    %get3A_12 = arith.constant 0 : index
    %get3A_13 = memref.load %arg1[%get3A_11, %get3A_12] : memref<1x8xf32, #tpu.memory_space<smem>>
    %div3A = arith.divf %get3A_13, %max3A_10 : f32
    %swap3A = arith.constant 0 : index
    %swap3A_14 = arith.constant 0 : index
    %swap3A_15 = memref.load %arg3[%swap3A, %swap3A_14] : memref<1x1xf32, #tpu.memory_space<smem>>
    memref.store %div3A, %arg3[%swap3A, %swap3A_14] : memref<1x1xf32, #tpu.memory_space<smem>>
    %get3A_16 = arith.constant 0 : index
    %get3A_17 = arith.constant 0 : index
    %get3A_18 = memref.load %arg0[%get3A_16, %get3A_17] : memref<1x8xf32, #tpu.memory_space<smem>>
    %add3A = arith.addf %get3A_18, %reduce_sum3A_6 : f32
    %div3A_19 = arith.divf %add3A, %max3A_10 : f32
    %swap3A_20 = arith.constant 0 : index
    %swap3A_21 = arith.constant 0 : index
    %swap3A_22 = memref.load %arg4[%swap3A_20, %swap3A_21] : memref<1x1xf32, #tpu.memory_space<smem>>
    memref.store %div3A_19, %arg4[%swap3A_20, %swap3A_21] : memref<1x1xf32, #tpu.memory_space<smem>>
    %get3A_23 = arith.constant 0 : index
    %get3A_24 = arith.constant 1 : index
    %get3A_25 = memref.load %arg1[%get3A_23, %get3A_24] : memref<1x8xf32, #tpu.memory_space<smem>>
    %div3A_26 = arith.divf %get3A_25, %max3A_10 : f32
    %swap3A_27 = arith.constant 0 : index
    %swap3A_28 = arith.constant 0 : index
    %swap3A_29 = memref.load %arg5[%swap3A_27, %swap3A_28] : memref<1x1xf32, #tpu.memory_space<smem>>
    memref.store %div3A_26, %arg5[%swap3A_27, %swap3A_28] : memref<1x1xf32, #tpu.memory_space<smem>>
    return
  }
}

</mosaic_0001>

<sc_bundles>
// kernel: kernel.6.cloned.1.call-start
scs
__scs_entry_jumppad:
0x0: {  	(pc) =	sbr.rel $0x88, $3  }
0x1: {  	(tag) =	ssettag $0x0;
	lr =	simm.s32 $0x1  }
0x2: {  	[smem:$0x3F9C] =	sst lr;
	_ =	strace $0xD0000000  }
0x3: {  	_ = 	snop  }
0x4: {  	_ = 	snop  }
0x5: {  	_ = 	snop  }
0x6: {  	_ = 	snop  }
0x7: {  	_ = 	snop  }
__scs_overlays_trampoline_lowered:
0x8: {  	[smem:$0x3FAB] =	sst s0  }
0x9: {  	[smem:$0x3FAC] =	sst s1  }
0xa: {  	[smem:$0x3FAD] =	sst s2  }
0xb: {  	[smem:$0x3FAE] =	sst s3  }
0xc: {  	[smem:$0x3FAF] =	sst s4  }
0xd: {  	[smem:$0x3FB0] =	sst s5  }
0xe: {  	[smem:$0x3FB1] =	sst s6  }
0xf: {  	[smem:$0x3FB2] =	sst s7  }
0x10: {  	[smem:$0x3FB3] =	sst s8  }
0x11: {  	[smem:$0x3FB4] =	sst s9;
	s0 =	simm.s32 @!p0 $0x0  }
0x12: {  	s1 =	sld [smem:$0x3F9A];
	s0 =	simm.s32 @p0 $0x1  }
0x13: {  	[smem:$0x3FB5] =	sst s0;
	s0 =	simm.s32 @!p1 $0x0  }
0x14: {  	s2 =	sld [smem:$0x3F99];
	s0 =	simm.s32 @p1 $0x1  }
0x15: {  	[smem:$0x3FB6] =	sst s0;
	s0 =	simm.s32 @!p2 $0x0  }
0x16: {  	s3 =	sld [smem:$0x3FDB];
	s0 =	simm.s32 @p2 $0x1  }
0x17: {  	s4 =	simm.s32 $0x1BF5;
	[smem:$0x3FB8] =	sst s0  }
0x18: {  	s0 =	sld [smem:$0x3F9B];
	_ =	swait.ge [sflag:s4], $0x0  }
0x19: {  	s7 =	sld [smem:$0x3F9C]  }
0x1a: {  	s8 =	sadd.s32 $0xFFFFE003, lr  }
0x1b: {  	s9 =	sadd.s32 $0xFFFFFEF7, lr;
	s5 =	simm.s32 $0xFFFFFFFF;
	p2 =	slt.u32 s8, $0xFFFFF086  }
0x1c: {  	p1 =	slt.u32 s9, $0xF7A;
	s5 =	simm.s32 @!p2 $0x0  }
0x1d: {  	s5 =	simm.s32 @p1 $0x1;
	p0 =	seq.s32 s7, s2  }
0x1e: {  	s7 =	smul.u32 @!p0 $0xF7A, s2;
	p2 =	seq.s32 @!p0 s5, $0x0  }
0x1f: {  	s9 =	smul.u32 $0xF7A, s1;
	s8 =	simm.s32 @!p0 $0x1BF5;
	p2 =	por !p2, p0  }
0x20: {  	[sflag:s8] =	ssyncset.s32 @!p0 $0xFFFFF086;
	s6 =	sadd.s32 @!p0 s3, s7;
	s7 =	simm.s32 @!p0 $0x108  }
0x21: {  	s3 =	sadd.s32 s3, s9;
	s6 =	sadd.s32 @!p0 $0x88, s6;
	s7 =	simm.s32 @p2 $0x1082  }
0x22: {  	[simem:s7], [sflag:s8] =	dma.local @!p0 [hbm:s6], $0xF7A  }
0x23: {  	s9 =	sor.u32 $0xD0000000, s2;
	s6 =	simm.s32 $0x108;
	_ =	swait.ge @!p0 [sflag:s8], $0x0  }
0x24: {  	s3 =	sadd.s32 $0x88, s3;
	s6 =	simm.s32 @!p1 $0x1082;
	[sflag:s4] =	ssyncset.s32 $0xFFFFF086  }
0x25: {  	[simem:s6], [sflag:s4] =	dma.local [hbm:s3], $0xF7A  }
0x26: {  	[smem:$0x3F9C] =	sst s1;
	(tag) =	ssettag s2;
	_ =	strace s9  }
0x27: {  	s1 =	sld [smem:$0x3FAC]  }
0x28: {  	s2 =	sld [smem:$0x3FAD]  }
0x29: {  	s4 =	sld [smem:$0x3FAF]  }
0x2a: {  	p0 =	seq.s32 s5, $0x0;
	s5 =	sld [smem:$0x3FB0]  }
0x2b: {  	s6 =	sld [smem:$0x3FB1]  }
0x2c: {  	s7 =	sld [smem:$0x3FB2]  }
0x2d: {  	s3 =	simm.s32 $0x108;
	s8 =	sld [smem:$0x3FB3]  }
0x2e: {  	s3 =	simm.s32 @!p0 $0x1082;
	s9 =	sld [smem:$0x3FB4]  }
0x2f: {  	lr =	sadd.s32 s0, s3;
	s0 =	sld [smem:$0x3FAB]  }
0x30: {  	s3 =	sld [smem:$0x3FAE]  }
0x31: {  	[smem:$0x3FB7] =	sst s10  }
0x32: {  	s10 =	sld [smem:$0x3FB5];
	_ =	sdelay $0x3  }
0x33: {  	p0 =	seq.s32 s10, $0x1;
	s10 =	sld [smem:$0x3FB7];
	_ =	sdelay $0x3  }
0x34: {  	[smem:$0x3FB7] =	sst s10  }
0x35: {  	s10 =	sld [smem:$0x3FB6];
	_ =	sdelay $0x3  }
0x36: {  	p1 =	seq.s32 s10, $0x1;
	s10 =	sld [smem:$0x3FB7];
	_ =	sdelay $0x3  }
0x37: {  	[smem:$0x3FB7] =	sst s10  }
0x38: {  	s10 =	sld [smem:$0x3FB8]  }
0x39: {  	_ = 	snop;
	(pc) =	sbr.ind lr, $3  }
0x3a: {  	_ = 	snop  }
0x3b: {  	_ = 	snop  }
0x3c: {  	p2 =	seq.s32 s10, $0x1;
	s10 =	sld [smem:$0x3FB7]  }
0x3d: {  	_ =	shalt  }
0x3e: {  	_ =	shalt  }
0x3f: {  	_ =	shalt  }
0x40: {  	_ =	shalt  }
0x41: {  	_ =	shalt  }
0x42: {  	_ =	shalt  }
0x43: {  	_ =	shalt  }
0x44: {  	_ =	shalt  }
0x45: {  	_ =	shalt  }
0x46: {  	_ =	shalt  }
0x47: {  	_ =	shalt  }
0x48: {  	_ =	shalt  }
0x49: {  	_ =	shalt  }
0x4a: {  	_ =	shalt  }
0x4b: {  	_ =	shalt  }
0x4c: {  	_ =	shalt  }
0x4d: {  	_ =	shalt  }
0x4e: {  	_ =	shalt  }
0x4f: {  	_ =	shalt  }
0x50: {  	_ =	shalt  }
0x51: {  	_ =	shalt  }
0x52: {  	_ =	shalt  }
0x53: {  	_ =	shalt  }
0x54: {  	_ =	shalt  }
0x55: {  	_ =	shalt  }
0x56: {  	_ =	shalt  }
0x57: {  	_ =	shalt  }
0x58: {  	_ =	shalt  }
0x59: {  	_ =	shalt  }
0x5a: {  	_ =	shalt  }
0x5b: {  	_ =	shalt  }
0x5c: {  	_ =	shalt  }
0x5d: {  	_ =	shalt  }
0x5e: {  	_ =	shalt  }
0x5f: {  	_ =	shalt  }
0x60: {  	_ =	shalt  }
0x61: {  	_ =	shalt  }
0x62: {  	_ =	shalt  }
0x63: {  	_ =	shalt  }
0x64: {  	_ =	shalt  }
0x65: {  	_ =	shalt  }
0x66: {  	_ =	shalt  }
0x67: {  	_ =	shalt  }
0x68: {  	_ =	shalt  }
0x69: {  	_ =	shalt  }
0x6a: {  	_ =	shalt  }
0x6b: {  	_ =	shalt  }
0x6c: {  	_ =	shalt  }
0x6d: {  	_ =	shalt  }
0x6e: {  	_ =	shalt  }
0x6f: {  	_ =	shalt  }
0x70: {  	_ =	shalt  }
0x71: {  	_ =	shalt  }
0x72: {  	_ =	shalt  }
0x73: {  	_ =	shalt  }
0x74: {  	_ =	shalt  }
0x75: {  	_ =	shalt  }
0x76: {  	_ =	shalt  }
0x77: {  	_ =	shalt  }
0x78: {  	_ =	shalt  }
0x79: {  	_ =	shalt  }
0x7a: {  	_ =	shalt  }
0x7b: {  	_ =	shalt  }
0x7c: {  	_ =	shalt  }
0x7d: {  	_ =	shalt  }
0x7e: {  	_ =	shalt  }
0x7f: {  	_ =	shalt  }
0x80: {  	_ =	shalt  }
0x81: {  	_ =	shalt  }
0x82: {  	_ =	shalt  }
0x83: {  	_ =	shalt  }
0x84: {  	_ =	shalt  }
0x85: {  	_ =	shalt  }
0x86: {  	_ =	shalt  }
0x87: {  	_ =	shalt  }
.Lfunc_end0:
.L_simem_size_0:
called_computation_lowered:
.L_overlay_start_0:
0x88: {  	s2 =	sld [smem:$0x3FD9]  }
0x89: {  	s3 =	sld [smem:$0x3FFE];
	_ =	sdelay $0x1  }
0x8a: {  	s1 =	srdreg.scid  }
0x8b: {  	s0 =	sand.u32 $0x1, s1  }
0x8c: {  	s16 =	sshll.u32 s0, $0xA;
	s2 =	sadd.s32 s3, s2  }
0x8d: {  	s2 =	sadd.s32 s2, s16  }
0x8e: {  	[smem:$0x3FC3] =	sst s2  }
0x8f: {  	_ = 	snop  }
0x90: {  	(tm) =	ssettm $0x1  }
0x91: {  	s17 =	sld [smem:$0x3FFB];
	_ =	sdelay $0x3  }
0x92: {  	_ =	strace s17  }
0x93: {  	s2 =	sld [smem:$0x3FFC];
	_ =	sdelay $0x3  }
0x94: {  	_ =	strace s2  }
0x95: {  	s2 =	sld [smem:$0x3FFD];
	_ =	sdelay $0x3  }
0x96: {  	_ =	strace s2  }
0x97: {  	_ =	strace $0x8FFFFFFF  }
0x98: {  	s18 =	sld [smem:$0x3FDB];
	_ =	sdelay $0x1  }
0x99: {  	s19 =	simm.s32 $_scs_section_size  }
0x9a: {  	s4 =	simm.s32 $_size__tile_overlayer_lowered;
	s5 =	simm.s32 $_tile_overlayer_lowered  }
0x9b: {  	s22 =	simm.s32 $0x1BFF;
	s21 =	sshll.u32 s5, $0x1;
	s2 =	sadd.s32 s19, s18  }
0x9c: {  	s6 =	simm.s32 $0x0;
	s20 =	sshll.u32 s4, $0x1;
	s4 =	sadd.s32 s21, s2  }
0x9d: {  	[timem:s6], [sflag:s22] =	dma.local [hbm:s4], s20  }
0x9e: {  	_ =	swait.ge [sflag:s22], s20  }
0x9f: {  	s3 =	ssub.s32 $0x0, s20;
	[sflag:s22] =	ssyncset.done $0x0  }
0xa0: {  	[sflag:s22] =	ssyncadd.s32 s3;
	_ =	sdelay $0x1  }
0xa1: {  	s23 =	simm.s32 $0x1B8B  }
0xa2: {  	_ =	swait.ge [sflag:s23], $0x1  }
0xa3: {  	[sflag:s23] =	ssyncset.done $0x0  }
0xa4: {  	s25 =	simm.s32 $0x1B8E;
	s24 =	sld [smem:$0x3FFE];
	[sflag:s23] =	ssyncadd.s32 $0xFFFFFFFF  }
0xa5: {  	s26 =	simm.s32 $execute0_lowered;
	[smem:$0x3FD2] =	sst s25  }
0xa6: {  	s4 =	sshll.u32 s26, $0x1;
	_ =	strace $0x80000046;
	[dreg:$0x1] =	wrdreg $0xFFFFFFFF  }
0xa7: {  	s28 =	simm.s32 $_size_execute0_lowered;
	s2 =	sadd.s32 s2, s4;
	[dreg:$0x0] =	wrdreg $0x0  }
0xa8: {  	s4 =	sshll.u32 s28, $0x1;
	[dreg:$0x2] =	wrdreg s2  }
0xa9: {  	[dreg:$0x3] =	wrdreg s4  }
0xaa: {  	[dreg:$0x4] =	wrdreg $0xC0  }
0xab: {  	_ =	task [dreg:s6], $0x5FFFF  }
0xac: {  	[dreg:$0x1] =	wrdreg $0xFFFFFFFF  }
0xad: {  	[dreg:$0x0] =	wrdreg $0x60  }
0xae: {  	[dreg:$0x2] =	wrdreg s24  }
0xaf: {  	[dreg:$0x3] =	wrdreg $0x9  }
0xb0: {  	_ =	task.clear_ibuf [dreg:s6], $0x4FFFF;
	_ =	strace $0x90000046  }
0xb1: {  	s29 =	simm.s32 $0x9;
	_ =	strace $0x80000048  }
0xb2: {  	_ =	swait.ge [sflag:s29], $0x1  }
0xb3: {  	[sflag:s29] =	ssyncadd.s32 $0xFFFFFFFF  }
0xb4: {  	_ =	strace $0x90000048  }
0xb5: {  	_ =	sfence  }
0xb6: {  	s30 =	sld [smem:$0x0];
	_ =	sdelay $0x2  }
0xb7: {  	s31 =	sshll.u32 s1, $0xD;
	s1 =	sshrl.u32 s1, $0x2  }
0xb8: {  	s3 =	sand.u32 $0x4000, s31;
	s1 =	sadd.s32 s1, s30  }
0xb9: {  	s0 =	sor.u32 s3, s0;
	s1 =	sshll.u32 s1, $0x11  }
0xba: {  	s0 =	sor.u32 s1, s0  }
0xbb: {  	s0 =	sadd.s32 $0x8F2B, s0  }
0xbc: {  	[sflag:s0] =	ssyncadd.remote.s32 $0x1  }
0xbd: {  	_ =	sfence.sel $0xFFFF  }
0xbe: {  	[dreg:$0x0] =	wrdreg $0xFFFFFFFF;
	(pc) =	sbr.abs _section_cstart, $3  }
0xbf: {  	[dreg:$0x1] =	wrdreg $0xFFFFFFFF  }
0xc0: {  	_ =	task.clear_ibuf [dreg:s6], $0x2FFFF;
	_ =	strace $0x9FFFFFFF  }
0xc1: {  	(tm) =	ssettm $0x7FFFFFFF  }
tec
execute0_lowered:
.L_overlay_start_1:
0x0: {  	(tag) =	ssettag $0x1  }
0x1: {  	v0 =	vimm.s32 $0xEFCDAB89;
	v1 =	vimm.s32 $0x67452301;
	s1 =	srdreg.scid;
	v2 =	vimm.s32 $0xDCFE98BA  }
0x2: {  	s3 =	rddreg [dreg:$0x0];
	s0 =	stileid.u32;
	v3 =	vimm.s32 $0x54761032;
	v4 =	vimm.s32 $0xBA98FEDC;
	v5 =	vimm.s32 $0x32107654  }
0x3: {  	s2 =	simm.s32 $0x0;
	v6 =	vimm.s32 $0xFEDCBA98;
	v7 =	vimm.s32 $0x76543210;
	s10 =	simm.s32 $0x1;
	s11 =	simm.s32 $0x4000  }
0x4: {  	s12 =	simm.s32 $0x8000;
	s13 =	simm.s32 $0x8080;
	s14 =	simm.s32 $0x0;
	v0 =	vunpack.c.l.s4.s8 v0;
	v1 =	vunpack.c.l.s4.s8 v1;
	v2 =	vunpack.c.l.s4.s8 v2  }
0x5: {  	s4 =	sand.u32 $0x1, s1;
	s1 =	rddreg [dreg:$0x1];
	s5 =	sshll.u32 s0, $0x5;
	v3 =	vunpack.c.l.s4.s8 v3;
	v4 =	vunpack.c.l.s4.s8 v4;
	v5 =	vunpack.c.l.s4.s8 v5  }
0x6: {  	s7 =	sshll.u32 s0, $0xC;
	[smem:$0x7FF] =	sst s2;
	v6 =	vunpack.c.l.s4.s8 v6;
	v7 =	vunpack.c.l.s4.s8 v7;
	s6 =	sshll.u32 s4, $0x4;
	v0 =	vunpack.c.0.s8.s32 v0  }
0x7: {  	_ =	strace $0x80000047;
	s4 =	ssub.s32 $0x2, s4;
	v1 =	vunpack.c.0.s8.s32 v1;
	s5 =	sor.u32 s6, s5;
	v2 =	vunpack.c.0.s8.s32 v2;
	v3 =	vunpack.c.0.s8.s32 v3  }
0x8: {  	s8 =	sshrl.u32 s4, $0x1;
	v4 =	vunpack.c.0.s8.s32 v4;
	v5 =	vunpack.c.0.s8.s32 v5;
	v6 =	vunpack.c.0.s8.s32 v6;
	s6 =	sor.u32 s7, s5;
	s31 =	sand.u32 $0xF0, s5  }
0x9: {  	v7 =	vunpack.c.0.s8.s32 v7;
	s9 =	sadd.s32 s5, s3;
	s6 =	sand.u32 $0x4070, s6;
	s7 =	sadd.s32 s31, s3;
	v0 =	vcombine.low v1, v0  }
0xa: {  	s8 =	ssub.s32 s4, s8;
	v1 =	vcombine.low v3, v2;
	v2 =	vcombine.low v5, v4;
	v5 =	vand.u32 $0xF, v6;
	s6 =	sadd.s32 s6, s3;
	s5 =	sadd.s32 $0x1600, s7  }
0xb: {  	v3 =	vimm.s32 $0x1;
	v4 =	vimm.s32 $0x0;
	s7 =	smax.u32 s8, $0x1;
	s8 =	simm.s32 $0x80;
	v5 =	vcombine.low v5, v7;
	s3 =	sadd.s32 $0x1800, s6  }
0xc: {  	s4 =	sadd.s32 $0x9800, s6;
	s6 =	sadd.s32 $0x11800, s9;
	s9 =	simm.s32 $0x400;
	v6 =	vand.u32 $0xF, v0;
	v7 =	vand.u32 $0xF, v1;
	v8 =	vand.u32 $0xF, v2  }
.LBB2_1:
0xd: {  	[tilespmem:s2], [sflag:$0x1] =	stream.strided.gather [hbm4b:s3+s8], $0x4000, s9, s8, $0x38;
	[tilespmem:$0x8100] =	vst v63  }
0xe: {  	_ =	swait.ge [sflag:s10], $0x4000  }
0xf: {  	[sflag:s10] =	ssyncset.done $0x0  }
0x10: {  	[sflag:s10] =	ssyncadd.s32 $0xFFFFC000  }
0x11: {  	[tilespmem:s11], [sflag:$0x1] =	stream.strided.gather [hbm4b:s4+s8], $0x4000, s9, s8, $0x38;
	[tilespmem:$0x8100] =	vst v63  }
0x12: {  	_ =	swait.ge [sflag:s10], $0x4000  }
0x13: {  	[sflag:s10] =	ssyncset.done $0x0  }
0x14: {  	[sflag:s10] =	ssyncadd.s32 $0xFFFFC000  }
0x15: {  	[tilespmem:s12], [sflag:$0x1] =	stream.linear.gather [hbm4b:s5+s2], $0x80, $0x38;
	[tilespmem:$0x8100] =	vst v63  }
0x16: {  	_ =	swait.ge [sflag:s10], $0x80  }
0x17: {  	[sflag:s10] =	ssyncset.done $0x0  }
0x18: {  	[sflag:s10] =	ssyncadd.s32 $0xFFFFFF80  }
0x19: {  	v9 =	vld [tilespmem:$0x8000];
	_ =	sdelay $0x4  }
0x1a: {  	v10 =	vtrunc.f32 v9  }
0x1b: {  	s15 =	simm.s32 $0x0;
	v11 =	vcvt.f32.s32 v10;
	v10 =	vimm.s32 $0x0  }
.LBB2_2:
0x1c: {  	s17 =	simm.s32 $0x4040  }
0x1d: {  	s16 =	ssub.s32 $0x1E, s15;
	v14 =	vld [tilespmem:s17+$0xFFFFFFC0]  }
0x1e: {  	v12 =	vshll.u32 v3, s16;
	v16 =	vld [tilespmem:s17+$0xFFFFFFD0]  }
0x1f: {  	v17 =	vld [tilespmem:s17+$0xFFFFFFE0];
	v12 =	vbroadcast v12, $0x0  }
0x20: {  	v15 =	vld [tilespmem:s17+$0xFFFFFFF0]  }
0x21: {  	v13 =	vld [tilespmem:s17+$0x0];
	v12 =	vadd.s32 v10, v12  }
0x22: {  	vm0 =	vge.s32 v14, v12;
	v14 =	vld [tilespmem:s17+$0x10]  }
0x23: {  	v18 =	vimm.s32 $0x0;
	v19 =	vsel vm0, $0x1, v4;
	vm0 =	vge.s32 v16, v12;
	v16 =	vld [tilespmem:s17+$0x20]  }
0x24: {  	s16 =	simm.s32 $0x0;
	v18 =	vadd.s32 v19, v18;
	v19 =	vsel vm0, $0x1, v4;
	vm0 =	vge.s32 v17, v12;
	v17 =	vld [tilespmem:s17+$0x30];
	s17 =	simm.s32 $0x40C0  }
.LBB2_3:
0x25: {  	v20 =	vld [tilespmem:s17+$0xFFFFFFC0];
	s16 =	sadd.s32 $0x8, s16;
	v18 =	vadd.s32 v19, v18;
	v19 =	vsel vm0, $0x1, v4;
	vm0 =	vge.s32 v15, v12  }
0x26: {  	v21 =	vld [tilespmem:s17+$0xFFFFFFD0];
	p0 =	slt.u32 s16, $0x3F8;
	v15 =	vadd.s32 v19, v18;
	v18 =	vsel vm0, $0x1, v4;
	vm0 =	vge.s32 v13, v12  }
0x27: {  	v22 =	vld [tilespmem:s17+$0xFFFFFFE0];
	v13 =	vadd.s32 v18, v15;
	v18 =	vsel vm0, $0x1, v4;
	vm0 =	vge.s32 v14, v12  }
.Ltmp0:
0x28: {  	v15 =	vld [tilespmem:s17+$0xFFFFFFF0];
	v14 =	vadd.s32 v18, v13;
	v18 =	vsel vm0, $0x1, v4;
	vm0 =	vge.s32 v16, v12;
	(pc) =	sbr.rel @p0 .LBB2_3-.Ltmp0, $4  }
0x29: {  	v13 =	vld [tilespmem:s17+$0x0];
	v16 =	vadd.s32 v18, v14;
	v18 =	vsel vm0, $0x1, v4;
	vm0 =	vge.s32 v17, v12  }
0x2a: {  	vm1 =	vge.s32 v20, v12;
	v14 =	vld [tilespmem:s17+$0x10];
	v17 =	vadd.s32 v18, v16;
	v18 =	vsel vm0, $0x1, v4  }
0x2b: {  	v19 =	vsel vm1, $0x1, v4;
	vm0 =	vge.s32 v21, v12;
	v16 =	vld [tilespmem:s17+$0x20];
	v17 =	vadd.s32 v18, v17  }
0x2c: {  	v18 =	vadd.s32 v19, v17;
	v19 =	vsel vm0, $0x1, v4;
	vm0 =	vge.s32 v22, v12;
	v17 =	vld [tilespmem:s17+$0x30];
	s17 =	sadd.s32 $0x80, s17  }
0x2d: {  	v18 =	vadd.s32 v19, v18;
	v57 =	vsel vm0, $0x1, v4;
	vm10 =	vge.s32 v15, v12  }
0x2e: {  	v58 =	vadd.s32 v57, v18;
	v59 =	vsel vm10, $0x1, v4;
	vm11 =	vge.s32 v13, v12  }
0x2f: {  	v60 =	vadd.s32 v59, v58;
	v61 =	vsel vm11, $0x1, v4;
	vm12 =	vge.s32 v14, v12  }
0x30: {  	v13 =	vadd.s32 v61, v60;
	v14 =	vsel vm12, $0x1, v4;
	vm13 =	vge.s32 v16, v12  }
0x31: {  	v13 =	vadd.s32 v14, v13;
	v62 =	vsel vm13, $0x1, v4;
	vm14 =	vge.s32 v17, v12  }
0x32: {  	v13 =	vadd.s32 v62, v13;
	v63 =	vsel vm14, $0x1, v4  }
0x33: {  	v13 =	vadd.s32 v63, v13  }
0x34: {  	v14 =	vperm.xlane v13, v0;
	_ =	sdelay $0x1  }
0x35: {  	v13 =	vadd.s32 v13, v14  }
0x36: {  	v14 =	vperm.xlane v13, v1;
	_ =	sdelay $0x1  }
0x37: {  	v13 =	vadd.s32 v14, v13  }
0x38: {  	v14 =	vperm.xlane v13, v2  }
0x39: {  	s15 =	sadd.s32 $0x1, s15  }
0x3a: {  	p0 =	sne.s32 s15, $0x1F;
	v13 =	vadd.s32 v14, v13  }
.Ltmp1:
0x3b: {  	v14 =	vperm.xlane v13, v5;
	(pc) =	sbr.rel @p0 .LBB2_2-.Ltmp1, $4  }
0x3c: {  	_ = 	snop  }
0x3d: {  	v13 =	vadd.s32 v14, v13  }
0x3e: {  	vm15 =	vlt.s32 v13, v11  }
0x3f: {  	v10 =	vsel vm15, v10, v12  }
0x40: {  	s16 =	simm.s32 $0x40  }
0x41: {  	s15 =	simm.s32 $0x4040;
	v11 =	vld [tilespmem:s16+$0x30]  }
0x42: {  	v16 =	vld [tilespmem:s15+$0x30]  }
0x43: {  	v17 =	vld [tilespmem:s15+$0x20]  }
0x44: {  	v19 =	vld [tilespmem:s15+$0x10]  }
0x45: {  	v20 =	vld [tilespmem:s15+$0x0]  }
0x46: {  	v22 =	vld [tilespmem:s15+$0xFFFFFFF0]  }
0x47: {  	v23 =	vld [tilespmem:s15+$0xFFFFFFE0]  }
0x48: {  	v25 =	vld [tilespmem:s15+$0xFFFFFFD0]  }
0x49: {  	v26 =	vimm.f32 $0.0e+00;
	v28 =	vld [tilespmem:s15+$0xFFFFFFC0]  }
0x4a: {  	v15 =	vimm.s32 $0x0;
	v14 =	vimm.f32 $-1.000000000e+00;
	v13 =	vld [tilespmem:s16+$0x10];
	vm9 =	vgt.s32 v16, v10  }
0x4b: {  	v18 =	vld [tilespmem:s16+$0xFFFFFFC0];
	vm10 =	veq.s32 v19, v10;
	vm11 =	veq.s32 v17, v10;
	vm0 =	veq.s32 v16, v10  }
0x4c: {  	v24 =	vld [tilespmem:s16+$0xFFFFFFD0];
	vm12 =	veq.s32 v22, v10;
	vm13 =	veq.s32 v20, v10;
	vm1 =	vgt.s32 v17, v10  }
0x4d: {  	v30 =	vld [tilespmem:s16+$0xFFFFFFE0];
	vm4 =	veq.s32 v25, v10;
	vm14 =	veq.s32 v23, v10;
	vm2 =	vgt.s32 v19, v10  }
0x4e: {  	v27 =	vld [tilespmem:s16+$0xFFFFFFF0];
	vm3 =	veq.s32 v28, v10;
	vm6 =	vgt.s32 v22, v10;
	vm5 =	vgt.s32 v20, v10  }
0x4f: {  	v12 =	vld [tilespmem:s16+$0x20];
	vm7 =	vgt.s32 v28, v10;
	vm8 =	vgt.s32 v25, v10;
	vm15 =	vgt.s32 v23, v10  }
0x50: {  	v21 =	vld [tilespmem:s16+$0x0];
	v19 =	vnsel vm7, $0x0, v18;
	v16 =	vnsel vm9, $0x0, v11;
	v17 =	vsel vm9, $0x1, v4  }
0x51: {  	v20 =	vsel vm1, $0x1, v4;
	v23 =	vsel vm2, $0x1, v4;
	v25 =	vadd.f32 v19, v26  }
0x52: {  	v22 =	vnsel vm10, $0xBF800000, v13;
	v32 =	vnsel vm15, $0x0, v30;
	v26 =	vnsel vm8, $0x0, v24  }
0x53: {  	v29 =	vsel vm6, $0x1, v4;
	v28 =	vnsel vm12, $0xBF800000, v27;
	v31 =	vadd.f32 v26, v25  }
0x54: {  	v30 =	vnsel vm14, $0xBF800000, v30;
	v19 =	vnsel vm11, $0xBF800000, v12;
	v26 =	vsel vm5, $0x1, v4  }
0x55: {  	s17 =	simm.s32 $0xC0;
	s16 =	simm.s32 $0x0;
	v25 =	vnsel vm13, $0xBF800000, v21;
	v32 =	vadd.f32 v32, v31;
	v31 =	vsel vm15, $0x1, v4  }
.LBB2_6:
0x56: {  	v33 =	vld [tilespmem:s17+$0x30];
	v34 =	vsel vm8, $0x1, v4;
	v24 =	vnsel vm4, $0xBF800000, v24;
	v27 =	vnsel vm6, $0x0, v27;
	s15 =	sadd.s32 $0x80, s15  }
0x57: {  	v36 =	vsel vm7, $0x1, v4;
	v18 =	vnsel vm3, $0xBF800000, v18;
	v35 =	vld [tilespmem:s15+$0x30];
	v27 =	vadd.f32 v27, v32  }
0x58: {  	v15 =	vadd.s32 v36, v15;
	v14 =	vmax.f32 v14, v18;
	v18 =	vnsel vm5, $0x0, v21;
	v32 =	vld [tilespmem:s17+$0x20]  }
0x59: {  	v15 =	vadd.s32 v34, v15;
	v14 =	vmax.f32 v14, v24;
	v36 =	vld [tilespmem:s15+$0x20];
	v18 =	vadd.f32 v18, v27  }
0x5a: {  	v13 =	vnsel vm2, $0x0, v13;
	v15 =	vadd.s32 v31, v15;
	v14 =	vmax.f32 v14, v30;
	v27 =	vld [tilespmem:s15+$0x10]  }
0x5b: {  	v15 =	vadd.s32 v29, v15;
	v14 =	vmax.f32 v14, v28;
	v30 =	vld [tilespmem:s15+$0x0];
	v13 =	vadd.f32 v13, v18  }
0x5c: {  	v15 =	vadd.s32 v26, v15;
	v14 =	vmax.f32 v14, v25;
	v18 =	vnsel vm1, $0x0, v12;
	v28 =	vld [tilespmem:s15+$0xFFFFFFF0]  }
0x5d: {  	v15 =	vadd.s32 v23, v15;
	v14 =	vmax.f32 v14, v22;
	v25 =	vld [tilespmem:s15+$0xFFFFFFE0];
	v13 =	vadd.f32 v18, v13;
	v12 =	vmovc v32  }
0x5e: {  	v15 =	vadd.s32 v20, v15;
	v14 =	vmax.f32 v14, v19;
	v18 =	vnsel vm0, $0xBF800000, v11;
	v11 =	vmovc v33;
	v22 =	vld [tilespmem:s15+$0xFFFFFFD0]  }
0x5f: {  	v15 =	vadd.s32 v17, v15;
	v14 =	vmax.f32 v14, v18;
	v19 =	vld [tilespmem:s15+$0xFFFFFFC0];
	v20 =	vadd.f32 v16, v13  }
0x60: {  	s16 =	sadd.s32 $0x8, s16;
	vm12 =	vgt.s32 v35, v10;
	v13 =	vld [tilespmem:s17+$0x10]  }
0x61: {  	p0 =	slt.u32 s16, $0x3F8;
	vm0 =	veq.s32 v35, v10;
	vm13 =	veq.s32 v36, v10;
	vm11 =	veq.s32 v27, v10;
	v18 =	vld [tilespmem:s17+$0xFFFFFFC0]  }
0x62: {  	vm1 =	vgt.s32 v36, v10;
	vm14 =	veq.s32 v30, v10;
	vm9 =	veq.s32 v28, v10;
	v21 =	vld [tilespmem:s17+$0x0]  }
0x63: {  	vm2 =	vgt.s32 v27, v10;
	vm10 =	veq.s32 v25, v10;
	v24 =	vld [tilespmem:s17+$0xFFFFFFD0];
	vm4 =	veq.s32 v22, v10  }
0x64: {  	vm5 =	vgt.s32 v30, v10;
	vm6 =	vgt.s32 v28, v10;
	vm3 =	veq.s32 v19, v10;
	v27 =	vld [tilespmem:s17+$0xFFFFFFF0]  }
0x65: {  	vm15 =	vgt.s32 v25, v10;
	vm8 =	vgt.s32 v22, v10;
	vm7 =	vgt.s32 v19, v10;
	v30 =	vld [tilespmem:s17+$0xFFFFFFE0]  }
0x66: {  	v17 =	vsel vm12, $0x1, v4;
	v16 =	vnsel vm12, $0x0, v11;
	v19 =	vnsel vm7, $0x0, v18  }
.Ltmp2:
0x67: {  	v25 =	vadd.f32 v19, v20;
	v20 =	vsel vm1, $0x1, v4;
	v19 =	vnsel vm13, $0xBF800000, v12;
	(pc) =	sbr.rel @p0 .LBB2_6-.Ltmp2, $4  }
0x68: {  	v23 =	vsel vm2, $0x1, v4;
	v22 =	vnsel vm11, $0xBF800000, v13;
	v26 =	vnsel vm8, $0x0, v24  }
0x69: {  	v31 =	vadd.f32 v26, v25;
	v26 =	vsel vm5, $0x1, v4;
	v25 =	vnsel vm14, $0xBF800000, v21  }
0x6a: {  	v29 =	vsel vm6, $0x1, v4;
	v28 =	vnsel vm9, $0xBF800000, v27;
	v32 =	vnsel vm15, $0x0, v30  }
0x6b: {  	s17 =	sadd.s32 $0x80, s17;
	v30 =	vnsel vm10, $0xBF800000, v30;
	v32 =	vadd.f32 v32, v31;
	v31 =	vsel vm15, $0x1, v4  }
0x6c: {  	v10 =	vnsel vm6, $0x0, v27;
	v48 =	vsel vm7, $0x1, v4  }
0x6d: {  	v33 =	vsel vm8, $0x1, v4;
	v10 =	vadd.f32 v10, v32;
	v15 =	vadd.s32 v48, v15  }
0x6e: {  	v21 =	vnsel vm5, $0x0, v21;
	v15 =	vadd.s32 v33, v15  }
0x6f: {  	v24 =	vnsel vm4, $0xBF800000, v24;
	v10 =	vadd.f32 v21, v10;
	v15 =	vadd.s32 v31, v15  }
0x70: {  	v18 =	vnsel vm3, $0xBF800000, v18;
	v13 =	vnsel vm2, $0x0, v13;
	v15 =	vadd.s32 v29, v15  }
0x71: {  	v14 =	vmax.f32 v14, v18;
	v10 =	vadd.f32 v13, v10;
	v49 =	vadd.s32 v26, v15  }
0x72: {  	v12 =	vnsel vm1, $0x0, v12;
	v14 =	vmax.f32 v14, v24;
	v13 =	vadd.s32 v23, v49  }
0x73: {  	v14 =	vmax.f32 v14, v30;
	v10 =	vadd.f32 v12, v10;
	v50 =	vadd.s32 v20, v13  }
0x74: {  	v14 =	vmax.f32 v14, v28;
	v12 =	vadd.s32 v17, v50  }
0x75: {  	v51 =	vmax.f32 v14, v25;
	v10 =	vadd.f32 v16, v10;
	v52 =	vperm.xlane v12, v6  }
0x76: {  	v11 =	vnsel vm0, $0xBF800000, v11;
	v13 =	vmax.f32 v51, v22  }
0x77: {  	v13 =	vmax.f32 v13, v19;
	v53 =	vperm.xlane v10, v6;
	v12 =	vadd.s32 v12, v52  }
0x78: {  	v11 =	vmax.f32 v13, v11;
	v54 =	vperm.xlane v12, v7  }
0x79: {  	v55 =	vperm.xlane v11, v6;
	v10 =	vadd.f32 v53, v10  }
0x7a: {  	v12 =	vadd.s32 v54, v12  }
0x7b: {  	v11 =	vmax.f32 v11, v55;
	v56 =	vperm.xlane v10, v7;
	v57 =	vperm.xlane v12, v8  }
0x7c: {  	v58 =	vperm.xlane v11, v7  }
0x7d: {  	v10 =	vadd.f32 v56, v10;
	v12 =	vadd.s32 v57, v12  }
0x7e: {  	v11 =	vmax.f32 v11, v58;
	v59 =	vperm.xlane v12, v5  }
0x7f: {  	v60 =	vperm.xlane v11, v8;
	v61 =	vperm.xlane v10, v8  }
0x80: {  	v12 =	vadd.s32 v59, v12  }
0x81: {  	v11 =	vmax.f32 v11, v60;
	v10 =	vadd.f32 v61, v10;
	v12 =	vcvt.s32.f32 v12  }
0x82: {  	v62 =	vperm.xlane v11, v5  }
0x83: {  	v63 =	vperm.xlane v10, v5;
	v9 =	vsub.f32 v9, v12  }
0x84: {  	v11 =	vmax.f32 v11, v62  }
0x85: {  	v10 =	vadd.f32 v63, v10;
	v9 =	vmul.f32 v9, v11;
	_ =	sdelay $0x1  }
0x86: {  	s14 =	sadd.s32 $0x1, s14;
	v9 =	vadd.f32 v9, v10  }
0x87: {  	p0 =	sne.s32 s14, s7  }
.Ltmp3:
0x88: {  	[tilespmem:$0x8080] =	vst v9;
	(pc) =	sbr.rel @p0 .LBB2_1-.Ltmp3, $4  }
0x89: {  	[hbm4b:s6+s2] =	stream.linear.scatter [tilespmem:s13], [sflag:$0x1], $0x80, $0x38;
	[tilespmem:$0x8100] =	vst v63  }
0x8a: {  	_ =	swait.ge [sflag:s10], $0x80  }
0x8b: {  	[sflag:s10] =	ssyncset.done $0x0  }
0x8c: {  	[sflag:s10] =	ssyncadd.s32 $0xFFFFFF80  }
0x8d: {  	_ =	sfence.sel $0x180000  }
0x8e: {  	[bflag:$0x0] =	sbarrier.arrive $0xFFFF  }
0x8f: {  	p0 =	sne.s32 s0, $0x0;
	_ =	strace $0x90000047  }
0x90: {  	s0 =	sadd.s32 @!p0 $0x100000, s1;
	[bflag:$0x2] =	sbarrier.arrive $0xFFFF  }
0x91: {  	[sflag:s0] =	ssyncadd.tile.s32 @!p0 $0x1;
	_ =	shalt  }
.Lfunc_end2:
_tile_overlayer_lowered:
.L_overlay_start_2:
0x92: {  	(tag) =	ssettag $0x2  }
0x93: {  	s0 =	rddreg [dreg:$0x0];
	s2 =	stileid.u32  }
0x94: {  	s1 =	rddreg [dreg:$0x1];
	p0 =	sne.s32 s2, $0x0  }
0x95: {  	s3 =	rddreg [dreg:$0x2];
	[bflag:$0x3] =	sbarrier.arrive $0xFFFF;
	s2 =	simm.s32 @!p0 $0x1C01  }
0x96: {  	[timem:s3], [sflag:s2] =	dma.local @!p0 [hbm:s0], s1  }
0x97: {  	s0 =	simm.s32 @!p0 $0x1  }
0x98: {  	_ =	swait.ge @!p0 [sflag:s0], s1  }
0x99: {  	s1 =	ssub.s32 @!p0 $0x0, s1;
	[sflag:s0] =	ssyncset.done @!p0 $0x0  }
0x9a: {  	[sflag:s0] =	ssyncadd.s32 @!p0 s1  }
0x9b: {  	[bflag:$0x3] =	sbarrier.arrive $0xFFFF  }
0x9c: {  	_ =	shalt  }

</sc_bundles>
